<compile_context>
chip_gen: v7x
topology: tpu7x:2x2x1
jax: 0.10.2.dev20260603
libtpu: 0.0.44.dev20260713+nightly
codegen_flags: <defaults>
</compile_context>

<pallas_src>
import functools

import jax
import jax.numpy as jnp
import numpy as _np
from jax import lax
from jax.experimental import pallas as pl
from jax.experimental.pallas import tpu as pltpu
from jax.experimental.pallas import tpu_sc as plsc

_VOCAB = 1000000
_D = 64
_ODIM = 128
_B = 16384
_CTX = 50

_NC = 2
_NS = 16
_NW = _NC * _NS
_BPW = _B // _NW
_CB = 8
_NCHUNK = _BPW // _CB

_QW = 4096
_NBLK = 62
_VQ = _NBLK * _QW
_VPAD = 4 * _VQ

_PERM = _np.concatenate([
    _np.arange(0, 32, 2), _np.arange(1, 32, 2),
    _np.arange(32, 64, 2), _np.arange(33, 64, 2),
])


def _tc_relayout(embedT):

    def body(x0, x1, x2, x3, out_ref, i_scr, fe, fo):
        i = pl.program_id(0)

        @pl.when(i == 0)
        def _():
            a = lax.broadcasted_iota(jnp.int32, (_D, _D), 0)
            b = lax.broadcasted_iota(jnp.int32, (_D, _D), 1)
            i_scr[...] = (a == b).astype(jnp.bfloat16)
            jf = lax.broadcasted_iota(jnp.int32, (_D, 32), 0)
            ff = lax.broadcasted_iota(jnp.int32, (_D, 32), 1)
            fe[...] = (jf == 2 * ff).astype(jnp.bfloat16)
            fo[...] = (jf == 2 * ff + 1).astype(jnp.bfloat16)

        x16 = jnp.concatenate(
            [x[...].astype(jnp.bfloat16) for x in (x0, x1, x2, x3)],
            axis=1)
        t = lax.dot_general(x16, i_scr[...], (((0,), (0,)), ((), ())),
                            preferred_element_type=jnp.float32)
        t16 = t.astype(jnp.bfloat16)
        lo = lax.dot_general(t16, fe[...], (((1,), (0,)), ((), ())),
                             preferred_element_type=jnp.float32)
        hi = lax.dot_general(t16, fo[...], (((1,), (0,)), ((), ())),
                             preferred_element_type=jnp.float32)
        lo_w = lax.bitcast_convert_type(
            lo.astype(jnp.bfloat16), jnp.int16).astype(jnp.int32) & 0xFFFF
        hi_w = lax.shift_left(
            lax.bitcast_convert_type(
                hi.astype(jnp.bfloat16), jnp.int16).astype(jnp.int32), 16)
        w = lo_w | hi_w
        out_ref[...] = jnp.concatenate(
            [w[q * _QW:(q + 1) * _QW, :] for q in range(4)], axis=1)

    return pl.pallas_call(
        body,
        grid=(_NBLK,),
        in_specs=[
            pl.BlockSpec(
                (_D, _QW),
                lambda i, q=q: (0, jnp.minimum(q * _NBLK + i,
                                               (_VOCAB - 1) // _QW)))
            for q in range(4)
        ],
        out_specs=pl.BlockSpec((_QW, 128), lambda i: (i, 0)),
        out_shape=jax.ShapeDtypeStruct((_VPAD // 4, 128), jnp.int32),
        scratch_shapes=[
            pltpu.VMEM((_D, _D), jnp.bfloat16),
            pltpu.VMEM((_D, 32), jnp.bfloat16),
            pltpu.VMEM((_D, 32), jnp.bfloat16),
        ],
    )(embedT, embedT, embedT, embedT)


def _sc_pool(idx2d, table_w):
    mesh = plsc.VectorSubcoreMesh(core_axis_name="c", subcore_axis_name="s")

    @functools.partial(
        pl.kernel,
        mesh=mesh,
        compiler_params=pltpu.CompilerParams(
            use_tc_tiling_on_sc=False, needs_layout_passes=False),
        out_type=jax.ShapeDtypeStruct((_B, _D), jnp.float32),
        scratch_types=[
            pltpu.VMEM((_BPW, _CTX), jnp.int32),
            pltpu.VMEM((2, _CB, _CTX, _D // 2), jnp.int32),
            pltpu.VMEM((2, _CB, _D), jnp.float32),
            pltpu.SemaphoreType.DMA,
            pltpu.SemaphoreType.DMA,
            pltpu.SemaphoreType.DMA,
            pltpu.SemaphoreType.DMA,
        ],
    )
    def k(idx_hbm, table_hbm, out_hbm, idx_v, rows_v, acc_v, g0, g1, o0, o1):
        wid = lax.axis_index("s") * _NC + lax.axis_index("c")
        b0w = wid * _BPW
        gsem = (g0, g1)
        osem = (o0, o1)

        pltpu.sync_copy(idx_hbm.at[pl.ds(b0w, _BPW)], idx_v)

        def gather_descs(i, par):
            return [
                pltpu.make_async_copy(
                    table_hbm.at[idx_v.at[i * _CB + bb]],
                    rows_v.at[par, bb],
                    gsem[par],
                )
                for bb in range(_CB)
            ]

        def fire(i, par):
            for d in gather_descs(i, par):
                d.start()

        def drain(i, par):
            for d in gather_descs(i, par):
                d.wait()

        def pool(i, par):
            for bb in range(_CB):
                zeros = jnp.zeros((16,), jnp.float32)

                def ctx_body(c, acc, bb=bb, par=par):
                    r = c * 2
                    a0, a1, a2, a3 = acc
                    for u in range(2):
                        lohalf = plsc.bitcast(
                            rows_v[par, bb, r + u, pl.ds(0, 16)], jnp.bfloat16)
                        hihalf = plsc.bitcast(
                            rows_v[par, bb, r + u, pl.ds(16, 16)], jnp.bfloat16)
                        e0, o0_ = plsc.unpack(
                            lohalf, format=plsc.PackFormat.INTERLEAVED)
                        e1, o1_ = plsc.unpack(
                            hihalf, format=plsc.PackFormat.INTERLEAVED)
                        a0 = a0 + e0
                        a1 = a1 + o0_
                        a2 = a2 + e1
                        a3 = a3 + o1_
                    return (a0, a1, a2, a3)

                a0, a1, a2, a3 = lax.fori_loop(
                    0, _CTX // 2, ctx_body, (zeros, zeros, zeros, zeros))
                acc_v[par, bb, pl.ds(0, 16)] = a0
                acc_v[par, bb, pl.ds(16, 16)] = a1
                acc_v[par, bb, pl.ds(32, 16)] = a2
                acc_v[par, bb, pl.ds(48, 16)] = a3

        def out_desc(i, par):
            return pltpu.make_async_copy(
                acc_v.at[par],
                out_hbm.at[pl.ds(b0w + i * _CB, _CB)],
                osem[par],
            )

        fire(0, 0)

        def pair_body(p, carry):
            for q in range(2):
                i = 2 * p + q
                par = q
                drain(i, par)

                @pl.when(i + 1 < _NCHUNK)
                def _():
                    fire(i + 1, 1 - par)

                @pl.when(i >= 2)
                def _():
                    out_desc(i - 2, par).wait()

                pool(i, par)
                out_desc(i, par).start()
            return carry

        lax.fori_loop(0, _NCHUNK // 2, pair_body, 0)

        out_desc(_NCHUNK - 2, 0).wait()
        out_desc(_NCHUNK - 1, 1).wait()

    return k(idx2d, table_w)


def _tc_linear(pooled, Wp, b2d):
    BB = 2048

    def body(x_ref, w_ref, b_ref, o_ref):
        o_ref[...] = lax.dot_general(
            x_ref[...], w_ref[...], (((1,), (1,)), ((), ())),
            preferred_element_type=jnp.float32,
        ) + b_ref[...]

    return pl.pallas_call(
        body,
        grid=(_B // BB,),
        in_specs=[
            pl.BlockSpec((BB, _D), lambda i: (i, 0)),
            pl.BlockSpec((_ODIM, _D), lambda i: (0, 0)),
            pl.BlockSpec((1, _ODIM), lambda i: (0, 0)),
        ],
        out_specs=pl.BlockSpec((BB, _ODIM), lambda i: (i, 0)),
        out_shape=jax.ShapeDtypeStruct((_B, _ODIM), jnp.float32),
    )(pooled, Wp, b2d)


def kernel(inputs, embed, W, b):
    packed = _tc_relayout(jnp.transpose(embed))
    idx = inputs.astype(jnp.int32)
    idxp = 4 * (idx % _VQ) + idx // _VQ
    pooled = _sc_pool(idxp, packed.reshape(_VPAD, _D // 2))
    Wp = W[:, _PERM]
    return _tc_linear(pooled, Wp, b.reshape(1, _ODIM))

# --- scband reference (transcript-rebuilt; emitter-appended) ---
"""Pipeline reference for scband-cbow-82703890252309 (READ-ONLY COPY).

The authoritative reference and input builder live on the scoring server;
editing this copy changes nothing except your own understanding.
"""

import jax, jax.numpy as jnp
import numpy as np

VOCAB = 1000000
EMBED_DIM = 64
OUTPUT_DIM = 128
BATCH = 16384
CTX = 50

def setup_inputs(seed: int = 0) -> dict:
    key = jax.random.key(seed)
    k1, k2, k3, k4 = jax.random.split(key, 4)
    inputs = jax.random.randint(k1, (BATCH, CTX), 0, VOCAB, dtype=jnp.int64) if jax.config.jax_enable_x64 else jax.random.randint(k1, (BATCH, CTX), 0, VOCAB, dtype=jnp.int32)
    embed = jax.random.normal(k2, (VOCAB, EMBED_DIM), dtype=jnp.float32)
    W = jax.random.normal(k3, (OUTPUT_DIM, EMBED_DIM), dtype=jnp.float32) * (1.0 / np.sqrt(EMBED_DIM))
    b = jax.random.normal(k4, (OUTPUT_DIM,), dtype=jnp.float32) * 0.01
    return {"inputs": inputs, "embed": embed, "W": W, "b": b}

def reference(inputs, embed, W, b):
    # nn.Embedding lookup: gather rows of the table
    x = jnp.take(embed, inputs, axis=0)          # [B, CTX, D]
    x = x.sum(axis=1)                            # [B, D] (CBOW bag sum)
    logits = x @ W.T + b                         # nn.Linear
    return logits

if __name__ == "__main__":
    import jax
    _d = setup_inputs()
    print(jax.jit(kernel)(*tuple(_d.values())))

</pallas_src>

<mosaic_0001>
#map = affine_map<(d0, d1) -> (0, 0)>
module attributes {stable_mosaic.version = 14 : i64} {
  func.func @k(%arg0: i32, %arg1: i32, %arg2: memref<16384x50xi32, #tpu.memory_space<hbm>>, %arg3: memref<1015808x32xi32, #tpu.memory_space<hbm>>, %arg4: memref<16384x64xf32, #tpu.memory_space<hbm>>, %arg5: memref<512x50xi32, #tpu.memory_space<vmem>>, %arg6: memref<2x8x50x32xi32, #tpu.memory_space<vmem>>, %arg7: memref<2x8x64xf32, #tpu.memory_space<vmem>>, %arg8: memref<!tpu.dma_semaphore, #tpu.memory_space<semaphore_mem>>, %arg9: memref<!tpu.dma_semaphore, #tpu.memory_space<semaphore_mem>>, %arg10: memref<!tpu.dma_semaphore, #tpu.memory_space<semaphore_mem>>, %arg11: memref<!tpu.dma_semaphore, #tpu.memory_space<semaphore_mem>>) attributes {dimension_semantics = [#tpu.dimension_semantics<core_parallel>, #tpu.dimension_semantics<subcore_parallel>], iteration_bounds = array<i64: 2, 16>, scalar_prefetch = 0 : i64, scratch_operands = 7 : i64, tpu.core_type = #tpu.core_type<sc_vector_subcore>, window_params = [{transform_indices = #map}, {transform_indices = #map}, {transform_indices = #map}]} {
    %mul3A = arith.constant 2 : i32
    %mul3A_0 = arith.muli %arg1, %mul3A : i32
    %add3A = arith.addi %mul3A_0, %arg0 : i32
    %mul3A_1 = arith.constant 512 : i32
    %mul3A_2 = arith.muli %add3A, %mul3A_1 : i32
    "tpu.region"() ({
      %run_scoped3A = tpu.sem_alloc : memref<!tpu.dma_semaphore, #tpu.memory_space<semaphore_mem>>
      %dma_start3A_140 = arith.constant 0 : i32
      %dma_start3A_141 = tpu.memref_slice %arg2[%mul3A_2, %dma_start3A_140] : memref<16384x50xi32, #tpu.memory_space<hbm>> -> memref<512x50xi32, #tpu.memory_space<hbm>>
      %dma_start3A_142 = arith.constant 0 : i32
      %dma_start3A_143 = tpu.memref_slice %arg2[%mul3A_2, %dma_start3A_142] : memref<16384x50xi32, #tpu.memory_space<hbm>> -> memref<512x50xi32, #tpu.memory_space<hbm>>
      tpu.enqueue_dma source(%dma_start3A_143 : memref<512x50xi32, #tpu.memory_space<hbm>>) target(%arg5 : memref<512x50xi32, #tpu.memory_space<vmem>>) target_semaphore(%run_scoped3A : memref<!tpu.dma_semaphore, #tpu.memory_space<semaphore_mem>>)
      %dma_wait3A_144 = arith.constant 0 : i32
      %dma_wait3A_145 = tpu.memref_slice %arg2[%mul3A_2, %dma_wait3A_144] : memref<16384x50xi32, #tpu.memory_space<hbm>> -> memref<512x50xi32, #tpu.memory_space<hbm>>
      %dma_wait3A_146 = arith.constant 0 : i32
      %dma_wait3A_147 = tpu.memref_slice %arg2[%mul3A_2, %dma_wait3A_146] : memref<16384x50xi32, #tpu.memory_space<hbm>> -> memref<512x50xi32, #tpu.memory_space<hbm>>
      tpu.wait_dma2 semaphore(%run_scoped3A : memref<!tpu.dma_semaphore, #tpu.memory_space<semaphore_mem>>) src(%dma_wait3A_147 : memref<512x50xi32, #tpu.memory_space<hbm>>) dst(%arg5 : memref<512x50xi32, #tpu.memory_space<vmem>>)
      tpu.yield
    }) : () -> ()
    %dma_start3A = arith.constant 0 : i32
    %dma_start3A_3 = arith.constant 0 : i32
    %dma_start3A_4 = arith.constant 0 : i32
    %dma_start3A_5 = arith.constant 0 : i32
    %dma_start3A_6 = arith.constant 0 : i32
    %dma_start3A_7 = tpu.memref_slice %arg6[%dma_start3A_3, %dma_start3A_4, %dma_start3A_5, %dma_start3A_6] : memref<2x8x50x32xi32, #tpu.memory_space<vmem>> -> memref<1x1x50x32xi32, #tpu.memory_space<vmem>>
    %dma_start3A_8 = tpu.memref_squeeze %dma_start3A_7 : memref<1x1x50x32xi32, #tpu.memory_space<vmem>> -> memref<50x32xi32, #tpu.memory_space<vmem>>
    %dma_start3A_9 = arith.constant 0 : i32
    %dma_start3A_10 = tpu.memref_slice %arg5[%dma_start3A, %dma_start3A_9] : memref<512x50xi32, #tpu.memory_space<vmem>> -> memref<1x50xi32, #tpu.memory_space<vmem>>
    %dma_start3A_11 = tpu.memref_squeeze %dma_start3A_10 : memref<1x50xi32, #tpu.memory_space<vmem>> -> memref<50xi32, #tpu.memory_space<vmem>>
    %dma_start3A_12 = arith.constant 0 : i32
    %dma_start3A_13 = arith.constant 0 : i32
    %dma_start3A_14 = tpu.memref_slice %arg3[%dma_start3A_12, %dma_start3A_13] : memref<1015808x32xi32, #tpu.memory_space<hbm>> -> memref<1015808x32xi32, #tpu.memory_space<hbm>>
    tpu.enqueue_indirect_dma source(%dma_start3A_14 : memref<1015808x32xi32, #tpu.memory_space<hbm>>) target(%dma_start3A_8 : memref<50x32xi32, #tpu.memory_space<vmem>>) offsets(%dma_start3A_11 : memref<50xi32, #tpu.memory_space<vmem>>) semaphore(%arg8 : memref<!tpu.dma_semaphore, #tpu.memory_space<semaphore_mem>>)
    %dma_start3A_15 = arith.constant 1 : i32
    %dma_start3A_16 = arith.constant 0 : i32
    %dma_start3A_17 = arith.constant 1 : i32
    %dma_start3A_18 = arith.constant 0 : i32
    %dma_start3A_19 = arith.constant 0 : i32
    %dma_start3A_20 = tpu.memref_slice %arg6[%dma_start3A_16, %dma_start3A_17, %dma_start3A_18, %dma_start3A_19] : memref<2x8x50x32xi32, #tpu.memory_space<vmem>> -> memref<1x1x50x32xi32, #tpu.memory_space<vmem>>
    %dma_start3A_21 = tpu.memref_squeeze %dma_start3A_20 : memref<1x1x50x32xi32, #tpu.memory_space<vmem>> -> memref<50x32xi32, #tpu.memory_space<vmem>>
    %dma_start3A_22 = arith.constant 0 : i32
    %dma_start3A_23 = tpu.memref_slice %arg5[%dma_start3A_15, %dma_start3A_22] : memref<512x50xi32, #tpu.memory_space<vmem>> -> memref<1x50xi32, #tpu.memory_space<vmem>>
    %dma_start3A_24 = tpu.memref_squeeze %dma_start3A_23 : memref<1x50xi32, #tpu.memory_space<vmem>> -> memref<50xi32, #tpu.memory_space<vmem>>
    %dma_start3A_25 = arith.constant 0 : i32
    %dma_start3A_26 = arith.constant 0 : i32
    %dma_start3A_27 = tpu.memref_slice %arg3[%dma_start3A_25, %dma_start3A_26] : memref<1015808x32xi32, #tpu.memory_space<hbm>> -> memref<1015808x32xi32, #tpu.memory_space<hbm>>
    tpu.enqueue_indirect_dma source(%dma_start3A_27 : memref<1015808x32xi32, #tpu.memory_space<hbm>>) target(%dma_start3A_21 : memref<50x32xi32, #tpu.memory_space<vmem>>) offsets(%dma_start3A_24 : memref<50xi32, #tpu.memory_space<vmem>>) semaphore(%arg8 : memref<!tpu.dma_semaphore, #tpu.memory_space<semaphore_mem>>)
    %dma_start3A_28 = arith.constant 2 : i32
    %dma_start3A_29 = arith.constant 0 : i32
    %dma_start3A_30 = arith.constant 2 : i32
    %dma_start3A_31 = arith.constant 0 : i32
    %dma_start3A_32 = arith.constant 0 : i32
    %dma_start3A_33 = tpu.memref_slice %arg6[%dma_start3A_29, %dma_start3A_30, %dma_start3A_31, %dma_start3A_32] : memref<2x8x50x32xi32, #tpu.memory_space<vmem>> -> memref<1x1x50x32xi32, #tpu.memory_space<vmem>>
    %dma_start3A_34 = tpu.memref_squeeze %dma_start3A_33 : memref<1x1x50x32xi32, #tpu.memory_space<vmem>> -> memref<50x32xi32, #tpu.memory_space<vmem>>
    %dma_start3A_35 = arith.constant 0 : i32
    %dma_start3A_36 = tpu.memref_slice %arg5[%dma_start3A_28, %dma_start3A_35] : memref<512x50xi32, #tpu.memory_space<vmem>> -> memref<1x50xi32, #tpu.memory_space<vmem>>
    %dma_start3A_37 = tpu.memref_squeeze %dma_start3A_36 : memref<1x50xi32, #tpu.memory_space<vmem>> -> memref<50xi32, #tpu.memory_space<vmem>>
    %dma_start3A_38 = arith.constant 0 : i32
    %dma_start3A_39 = arith.constant 0 : i32
    %dma_start3A_40 = tpu.memref_slice %arg3[%dma_start3A_38, %dma_start3A_39] : memref<1015808x32xi32, #tpu.memory_space<hbm>> -> memref<1015808x32xi32, #tpu.memory_space<hbm>>
    tpu.enqueue_indirect_dma source(%dma_start3A_40 : memref<1015808x32xi32, #tpu.memory_space<hbm>>) target(%dma_start3A_34 : memref<50x32xi32, #tpu.memory_space<vmem>>) offsets(%dma_start3A_37 : memref<50xi32, #tpu.memory_space<vmem>>) semaphore(%arg8 : memref<!tpu.dma_semaphore, #tpu.memory_space<semaphore_mem>>)
    %dma_start3A_41 = arith.constant 3 : i32
    %dma_start3A_42 = arith.constant 0 : i32
    %dma_start3A_43 = arith.constant 3 : i32
    %dma_start3A_44 = arith.constant 0 : i32
    %dma_start3A_45 = arith.constant 0 : i32
    %dma_start3A_46 = tpu.memref_slice %arg6[%dma_start3A_42, %dma_start3A_43, %dma_start3A_44, %dma_start3A_45] : memref<2x8x50x32xi32, #tpu.memory_space<vmem>> -> memref<1x1x50x32xi32, #tpu.memory_space<vmem>>
    %dma_start3A_47 = tpu.memref_squeeze %dma_start3A_46 : memref<1x1x50x32xi32, #tpu.memory_space<vmem>> -> memref<50x32xi32, #tpu.memory_space<vmem>>
    %dma_start3A_48 = arith.constant 0 : i32
    %dma_start3A_49 = tpu.memref_slice %arg5[%dma_start3A_41, %dma_start3A_48] : memref<512x50xi32, #tpu.memory_space<vmem>> -> memref<1x50xi32, #tpu.memory_space<vmem>>
    %dma_start3A_50 = tpu.memref_squeeze %dma_start3A_49 : memref<1x50xi32, #tpu.memory_space<vmem>> -> memref<50xi32, #tpu.memory_space<vmem>>
    %dma_start3A_51 = arith.constant 0 : i32
    %dma_start3A_52 = arith.constant 0 : i32
    %dma_start3A_53 = tpu.memref_slice %arg3[%dma_start3A_51, %dma_start3A_52] : memref<1015808x32xi32, #tpu.memory_space<hbm>> -> memref<1015808x32xi32, #tpu.memory_space<hbm>>
    tpu.enqueue_indirect_dma source(%dma_start3A_53 : memref<1015808x32xi32, #tpu.memory_space<hbm>>) target(%dma_start3A_47 : memref<50x32xi32, #tpu.memory_space<vmem>>) offsets(%dma_start3A_50 : memref<50xi32, #tpu.memory_space<vmem>>) semaphore(%arg8 : memref<!tpu.dma_semaphore, #tpu.memory_space<semaphore_mem>>)
    %dma_start3A_54 = arith.constant 4 : i32
    %dma_start3A_55 = arith.constant 0 : i32
    %dma_start3A_56 = arith.constant 4 : i32
    %dma_start3A_57 = arith.constant 0 : i32
    %dma_start3A_58 = arith.constant 0 : i32
    %dma_start3A_59 = tpu.memref_slice %arg6[%dma_start3A_55, %dma_start3A_56, %dma_start3A_57, %dma_start3A_58] : memref<2x8x50x32xi32, #tpu.memory_space<vmem>> -> memref<1x1x50x32xi32, #tpu.memory_space<vmem>>
    %dma_start3A_60 = tpu.memref_squeeze %dma_start3A_59 : memref<1x1x50x32xi32, #tpu.memory_space<vmem>> -> memref<50x32xi32, #tpu.memory_space<vmem>>
    %dma_start3A_61 = arith.constant 0 : i32
    %dma_start3A_62 = tpu.memref_slice %arg5[%dma_start3A_54, %dma_start3A_61] : memref<512x50xi32, #tpu.memory_space<vmem>> -> memref<1x50xi32, #tpu.memory_space<vmem>>
    %dma_start3A_63 = tpu.memref_squeeze %dma_start3A_62 : memref<1x50xi32, #tpu.memory_space<vmem>> -> memref<50xi32, #tpu.memory_space<vmem>>
    %dma_start3A_64 = arith.constant 0 : i32
    %dma_start3A_65 = arith.constant 0 : i32
    %dma_start3A_66 = tpu.memref_slice %arg3[%dma_start3A_64, %dma_start3A_65] : memref<1015808x32xi32, #tpu.memory_space<hbm>> -> memref<1015808x32xi32, #tpu.memory_space<hbm>>
    tpu.enqueue_indirect_dma source(%dma_start3A_66 : memref<1015808x32xi32, #tpu.memory_space<hbm>>) target(%dma_start3A_60 : memref<50x32xi32, #tpu.memory_space<vmem>>) offsets(%dma_start3A_63 : memref<50xi32, #tpu.memory_space<vmem>>) semaphore(%arg8 : memref<!tpu.dma_semaphore, #tpu.memory_space<semaphore_mem>>)
    %dma_start3A_67 = arith.constant 5 : i32
    %dma_start3A_68 = arith.constant 0 : i32
    %dma_start3A_69 = arith.constant 5 : i32
    %dma_start3A_70 = arith.constant 0 : i32
    %dma_start3A_71 = arith.constant 0 : i32
    %dma_start3A_72 = tpu.memref_slice %arg6[%dma_start3A_68, %dma_start3A_69, %dma_start3A_70, %dma_start3A_71] : memref<2x8x50x32xi32, #tpu.memory_space<vmem>> -> memref<1x1x50x32xi32, #tpu.memory_space<vmem>>
    %dma_start3A_73 = tpu.memref_squeeze %dma_start3A_72 : memref<1x1x50x32xi32, #tpu.memory_space<vmem>> -> memref<50x32xi32, #tpu.memory_space<vmem>>
    %dma_start3A_74 = arith.constant 0 : i32
    %dma_start3A_75 = tpu.memref_slice %arg5[%dma_start3A_67, %dma_start3A_74] : memref<512x50xi32, #tpu.memory_space<vmem>> -> memref<1x50xi32, #tpu.memory_space<vmem>>
    %dma_start3A_76 = tpu.memref_squeeze %dma_start3A_75 : memref<1x50xi32, #tpu.memory_space<vmem>> -> memref<50xi32, #tpu.memory_space<vmem>>
    %dma_start3A_77 = arith.constant 0 : i32
    %dma_start3A_78 = arith.constant 0 : i32
    %dma_start3A_79 = tpu.memref_slice %arg3[%dma_start3A_77, %dma_start3A_78] : memref<1015808x32xi32, #tpu.memory_space<hbm>> -> memref<1015808x32xi32, #tpu.memory_space<hbm>>
    tpu.enqueue_indirect_dma source(%dma_start3A_79 : memref<1015808x32xi32, #tpu.memory_space<hbm>>) target(%dma_start3A_73 : memref<50x32xi32, #tpu.memory_space<vmem>>) offsets(%dma_start3A_76 : memref<50xi32, #tpu.memory_space<vmem>>) semaphore(%arg8 : memref<!tpu.dma_semaphore, #tpu.memory_space<semaphore_mem>>)
    %dma_start3A_80 = arith.constant 6 : i32
    %dma_start3A_81 = arith.constant 0 : i32
    %dma_start3A_82 = arith.constant 6 : i32
    %dma_start3A_83 = arith.constant 0 : i32
    %dma_start3A_84 = arith.constant 0 : i32
    %dma_start3A_85 = tpu.memref_slice %arg6[%dma_start3A_81, %dma_start3A_82, %dma_start3A_83, %dma_start3A_84] : memref<2x8x50x32xi32, #tpu.memory_space<vmem>> -> memref<1x1x50x32xi32, #tpu.memory_space<vmem>>
    %dma_start3A_86 = tpu.memref_squeeze %dma_start3A_85 : memref<1x1x50x32xi32, #tpu.memory_space<vmem>> -> memref<50x32xi32, #tpu.memory_space<vmem>>
    %dma_start3A_87 = arith.constant 0 : i32
    %dma_start3A_88 = tpu.memref_slice %arg5[%dma_start3A_80, %dma_start3A_87] : memref<512x50xi32, #tpu.memory_space<vmem>> -> memref<1x50xi32, #tpu.memory_space<vmem>>
    %dma_start3A_89 = tpu.memref_squeeze %dma_start3A_88 : memref<1x50xi32, #tpu.memory_space<vmem>> -> memref<50xi32, #tpu.memory_space<vmem>>
    %dma_start3A_90 = arith.constant 0 : i32
    %dma_start3A_91 = arith.constant 0 : i32
    %dma_start3A_92 = tpu.memref_slice %arg3[%dma_start3A_90, %dma_start3A_91] : memref<1015808x32xi32, #tpu.memory_space<hbm>> -> memref<1015808x32xi32, #tpu.memory_space<hbm>>
    tpu.enqueue_indirect_dma source(%dma_start3A_92 : memref<1015808x32xi32, #tpu.memory_space<hbm>>) target(%dma_start3A_86 : memref<50x32xi32, #tpu.memory_space<vmem>>) offsets(%dma_start3A_89 : memref<50xi32, #tpu.memory_space<vmem>>) semaphore(%arg8 : memref<!tpu.dma_semaphore, #tpu.memory_space<semaphore_mem>>)
    %dma_start3A_93 = arith.constant 7 : i32
    %dma_start3A_94 = arith.constant 0 : i32
    %dma_start3A_95 = arith.constant 7 : i32
    %dma_start3A_96 = arith.constant 0 : i32
    %dma_start3A_97 = arith.constant 0 : i32
    %dma_start3A_98 = tpu.memref_slice %arg6[%dma_start3A_94, %dma_start3A_95, %dma_start3A_96, %dma_start3A_97] : memref<2x8x50x32xi32, #tpu.memory_space<vmem>> -> memref<1x1x50x32xi32, #tpu.memory_space<vmem>>
    %dma_start3A_99 = tpu.memref_squeeze %dma_start3A_98 : memref<1x1x50x32xi32, #tpu.memory_space<vmem>> -> memref<50x32xi32, #tpu.memory_space<vmem>>
    %dma_start3A_100 = arith.constant 0 : i32
    %dma_start3A_101 = tpu.memref_slice %arg5[%dma_start3A_93, %dma_start3A_100] : memref<512x50xi32, #tpu.memory_space<vmem>> -> memref<1x50xi32, #tpu.memory_space<vmem>>
    %dma_start3A_102 = tpu.memref_squeeze %dma_start3A_101 : memref<1x50xi32, #tpu.memory_space<vmem>> -> memref<50xi32, #tpu.memory_space<vmem>>
    %dma_start3A_103 = arith.constant 0 : i32
    %dma_start3A_104 = arith.constant 0 : i32
    %dma_start3A_105 = tpu.memref_slice %arg3[%dma_start3A_103, %dma_start3A_104] : memref<1015808x32xi32, #tpu.memory_space<hbm>> -> memref<1015808x32xi32, #tpu.memory_space<hbm>>
    tpu.enqueue_indirect_dma source(%dma_start3A_105 : memref<1015808x32xi32, #tpu.memory_space<hbm>>) target(%dma_start3A_99 : memref<50x32xi32, #tpu.memory_space<vmem>>) offsets(%dma_start3A_102 : memref<50xi32, #tpu.memory_space<vmem>>) semaphore(%arg8 : memref<!tpu.dma_semaphore, #tpu.memory_space<semaphore_mem>>)
    %scan3A = arith.constant 0 : i32
    %scan3A_106 = arith.constant 0 : i32
    %scan3A_107 = arith.constant 32 : i32
    %scan3A_108 = arith.addi %scan3A_106, %scan3A_107 : i32
    %scan3A_109 = arith.constant 1 : i32
    scf.for %scan3A_140 = %scan3A_106 to %scan3A_108 step %scan3A_109  : i32 {
      %mul3A_141 = arith.constant 2 : i32
      %mul3A_142 = arith.muli %mul3A_141, %scan3A_140 : i32
      %add3A_143 = arith.constant 0 : i32
      %add3A_144 = arith.addi %mul3A_142, %add3A_143 : i32
      %mul3A_145 = arith.constant 8 : i32
      %mul3A_146 = arith.muli %add3A_144, %mul3A_145 : i32
      %add3A_147 = arith.constant 0 : i32
      %add3A_148 = arith.addi %mul3A_146, %add3A_147 : i32
      %mul3A_149 = arith.constant 8 : i32
      %mul3A_150 = arith.muli %add3A_144, %mul3A_149 : i32
      %add3A_151 = arith.constant 1 : i32
      %add3A_152 = arith.addi %mul3A_150, %add3A_151 : i32
      %mul3A_153 = arith.constant 8 : i32
      %mul3A_154 = arith.muli %add3A_144, %mul3A_153 : i32
      %add3A_155 = arith.constant 2 : i32
      %add3A_156 = arith.addi %mul3A_154, %add3A_155 : i32
      %mul3A_157 = arith.constant 8 : i32
      %mul3A_158 = arith.muli %add3A_144, %mul3A_157 : i32
      %add3A_159 = arith.constant 3 : i32
      %add3A_160 = arith.addi %mul3A_158, %add3A_159 : i32
      %mul3A_161 = arith.constant 8 : i32
      %mul3A_162 = arith.muli %add3A_144, %mul3A_161 : i32
      %add3A_163 = arith.constant 4 : i32
      %add3A_164 = arith.addi %mul3A_162, %add3A_163 : i32
      %mul3A_165 = arith.constant 8 : i32
      %mul3A_166 = arith.muli %add3A_144, %mul3A_165 : i32
      %add3A_167 = arith.constant 5 : i32
      %add3A_168 = arith.addi %mul3A_166, %add3A_167 : i32
      %mul3A_169 = arith.constant 8 : i32
      %mul3A_170 = arith.muli %add3A_144, %mul3A_169 : i32
      %add3A_171 = arith.constant 6 : i32
      %add3A_172 = arith.addi %mul3A_170, %add3A_171 : i32
      %mul3A_173 = arith.constant 8 : i32
      %mul3A_174 = arith.muli %add3A_144, %mul3A_173 : i32
      %add3A_175 = arith.constant 7 : i32
      %add3A_176 = arith.addi %mul3A_174, %add3A_175 : i32
      %dma_wait3A_177 = arith.constant 0 : i32
      %dma_wait3A_178 = arith.constant 0 : i32
      %dma_wait3A_179 = arith.constant 0 : i32
      %dma_wait3A_180 = arith.constant 0 : i32
      %dma_wait3A_181 = tpu.memref_slice %arg6[%dma_wait3A_177, %dma_wait3A_178, %dma_wait3A_179, %dma_wait3A_180] : memref<2x8x50x32xi32, #tpu.memory_space<vmem>> -> memref<1x1x50x32xi32, #tpu.memory_space<vmem>>
      %dma_wait3A_182 = tpu.memref_squeeze %dma_wait3A_181 : memref<1x1x50x32xi32, #tpu.memory_space<vmem>> -> memref<50x32xi32, #tpu.memory_space<vmem>>
      %dma_wait3A_183 = arith.constant 0 : i32
      %dma_wait3A_184 = tpu.memref_slice %arg5[%add3A_148, %dma_wait3A_183] : memref<512x50xi32, #tpu.memory_space<vmem>> -> memref<1x50xi32, #tpu.memory_space<vmem>>
      %dma_wait3A_185 = tpu.memref_squeeze %dma_wait3A_184 : memref<1x50xi32, #tpu.memory_space<vmem>> -> memref<50xi32, #tpu.memory_space<vmem>>
      %dma_wait3A_186 = arith.constant 0 : i32
      %dma_wait3A_187 = arith.constant 0 : i32
      %dma_wait3A_188 = tpu.memref_slice %arg3[%dma_wait3A_186, %dma_wait3A_187] : memref<1015808x32xi32, #tpu.memory_space<hbm>> -> memref<1015808x32xi32, #tpu.memory_space<hbm>>
      tpu.wait_indirect_dma semaphore(%arg8 : memref<!tpu.dma_semaphore, #tpu.memory_space<semaphore_mem>>) src(%dma_wait3A_188 : memref<1015808x32xi32, #tpu.memory_space<hbm>>) dst(%dma_wait3A_182 : memref<50x32xi32, #tpu.memory_space<vmem>>)
      %dma_wait3A_189 = arith.constant 0 : i32
      %dma_wait3A_190 = arith.constant 1 : i32
      %dma_wait3A_191 = arith.constant 0 : i32
      %dma_wait3A_192 = arith.constant 0 : i32
      %dma_wait3A_193 = tpu.memref_slice %arg6[%dma_wait3A_189, %dma_wait3A_190, %dma_wait3A_191, %dma_wait3A_192] : memref<2x8x50x32xi32, #tpu.memory_space<vmem>> -> memref<1x1x50x32xi32, #tpu.memory_space<vmem>>
      %dma_wait3A_194 = tpu.memref_squeeze %dma_wait3A_193 : memref<1x1x50x32xi32, #tpu.memory_space<vmem>> -> memref<50x32xi32, #tpu.memory_space<vmem>>
      %dma_wait3A_195 = arith.constant 0 : i32
      %dma_wait3A_196 = tpu.memref_slice %arg5[%add3A_152, %dma_wait3A_195] : memref<512x50xi32, #tpu.memory_space<vmem>> -> memref<1x50xi32, #tpu.memory_space<vmem>>
      %dma_wait3A_197 = tpu.memref_squeeze %dma_wait3A_196 : memref<1x50xi32, #tpu.memory_space<vmem>> -> memref<50xi32, #tpu.memory_space<vmem>>
      %dma_wait3A_198 = arith.constant 0 : i32
      %dma_wait3A_199 = arith.constant 0 : i32
      %dma_wait3A_200 = tpu.memref_slice %arg3[%dma_wait3A_198, %dma_wait3A_199] : memref<1015808x32xi32, #tpu.memory_space<hbm>> -> memref<1015808x32xi32, #tpu.memory_space<hbm>>
      tpu.wait_indirect_dma semaphore(%arg8 : memref<!tpu.dma_semaphore, #tpu.memory_space<semaphore_mem>>) src(%dma_wait3A_200 : memref<1015808x32xi32, #tpu.memory_space<hbm>>) dst(%dma_wait3A_194 : memref<50x32xi32, #tpu.memory_space<vmem>>)
      %dma_wait3A_201 = arith.constant 0 : i32
      %dma_wait3A_202 = arith.constant 2 : i32
      %dma_wait3A_203 = arith.constant 0 : i32
      %dma_wait3A_204 = arith.constant 0 : i32
      %dma_wait3A_205 = tpu.memref_slice %arg6[%dma_wait3A_201, %dma_wait3A_202, %dma_wait3A_203, %dma_wait3A_204] : memref<2x8x50x32xi32, #tpu.memory_space<vmem>> -> memref<1x1x50x32xi32, #tpu.memory_space<vmem>>
      %dma_wait3A_206 = tpu.memref_squeeze %dma_wait3A_205 : memref<1x1x50x32xi32, #tpu.memory_space<vmem>> -> memref<50x32xi32, #tpu.memory_space<vmem>>
      %dma_wait3A_207 = arith.constant 0 : i32
      %dma_wait3A_208 = tpu.memref_slice %arg5[%add3A_156, %dma_wait3A_207] : memref<512x50xi32, #tpu.memory_space<vmem>> -> memref<1x50xi32, #tpu.memory_space<vmem>>
      %dma_wait3A_209 = tpu.memref_squeeze %dma_wait3A_208 : memref<1x50xi32, #tpu.memory_space<vmem>> -> memref<50xi32, #tpu.memory_space<vmem>>
      %dma_wait3A_210 = arith.constant 0 : i32
      %dma_wait3A_211 = arith.constant 0 : i32
      %dma_wait3A_212 = tpu.memref_slice %arg3[%dma_wait3A_210, %dma_wait3A_211] : memref<1015808x32xi32, #tpu.memory_space<hbm>> -> memref<1015808x32xi32, #tpu.memory_space<hbm>>
      tpu.wait_indirect_dma semaphore(%arg8 : memref<!tpu.dma_semaphore, #tpu.memory_space<semaphore_mem>>) src(%dma_wait3A_212 : memref<1015808x32xi32, #tpu.memory_space<hbm>>) dst(%dma_wait3A_206 : memref<50x32xi32, #tpu.memory_space<vmem>>)
      %dma_wait3A_213 = arith.constant 0 : i32
      %dma_wait3A_214 = arith.constant 3 : i32
      %dma_wait3A_215 = arith.constant 0 : i32
      %dma_wait3A_216 = arith.constant 0 : i32
      %dma_wait3A_217 = tpu.memref_slice %arg6[%dma_wait3A_213, %dma_wait3A_214, %dma_wait3A_215, %dma_wait3A_216] : memref<2x8x50x32xi32, #tpu.memory_space<vmem>> -> memref<1x1x50x32xi32, #tpu.memory_space<vmem>>
      %dma_wait3A_218 = tpu.memref_squeeze %dma_wait3A_217 : memref<1x1x50x32xi32, #tpu.memory_space<vmem>> -> memref<50x32xi32, #tpu.memory_space<vmem>>
      %dma_wait3A_219 = arith.constant 0 : i32
      %dma_wait3A_220 = tpu.memref_slice %arg5[%add3A_160, %dma_wait3A_219] : memref<512x50xi32, #tpu.memory_space<vmem>> -> memref<1x50xi32, #tpu.memory_space<vmem>>
      %dma_wait3A_221 = tpu.memref_squeeze %dma_wait3A_220 : memref<1x50xi32, #tpu.memory_space<vmem>> -> memref<50xi32, #tpu.memory_space<vmem>>
      %dma_wait3A_222 = arith.constant 0 : i32
      %dma_wait3A_223 = arith.constant 0 : i32
      %dma_wait3A_224 = tpu.memref_slice %arg3[%dma_wait3A_222, %dma_wait3A_223] : memref<1015808x32xi32, #tpu.memory_space<hbm>> -> memref<1015808x32xi32, #tpu.memory_space<hbm>>
      tpu.wait_indirect_dma semaphore(%arg8 : memref<!tpu.dma_semaphore, #tpu.memory_space<semaphore_mem>>) src(%dma_wait3A_224 : memref<1015808x32xi32, #tpu.memory_space<hbm>>) dst(%dma_wait3A_218 : memref<50x32xi32, #tpu.memory_space<vmem>>)
      %dma_wait3A_225 = arith.constant 0 : i32
      %dma_wait3A_226 = arith.constant 4 : i32
      %dma_wait3A_227 = arith.constant 0 : i32
      %dma_wait3A_228 = arith.constant 0 : i32
      %dma_wait3A_229 = tpu.memref_slice %arg6[%dma_wait3A_225, %dma_wait3A_226, %dma_wait3A_227, %dma_wait3A_228] : memref<2x8x50x32xi32, #tpu.memory_space<vmem>> -> memref<1x1x50x32xi32, #tpu.memory_space<vmem>>
      %dma_wait3A_230 = tpu.memref_squeeze %dma_wait3A_229 : memref<1x1x50x32xi32, #tpu.memory_space<vmem>> -> memref<50x32xi32, #tpu.memory_space<vmem>>
      %dma_wait3A_231 = arith.constant 0 : i32
      %dma_wait3A_232 = tpu.memref_slice %arg5[%add3A_164, %dma_wait3A_231] : memref<512x50xi32, #tpu.memory_space<vmem>> -> memref<1x50xi32, #tpu.memory_space<vmem>>
      %dma_wait3A_233 = tpu.memref_squeeze %dma_wait3A_232 : memref<1x50xi32, #tpu.memory_space<vmem>> -> memref<50xi32, #tpu.memory_space<vmem>>
      %dma_wait3A_234 = arith.constant 0 : i32
      %dma_wait3A_235 = arith.constant 0 : i32
      %dma_wait3A_236 = tpu.memref_slice %arg3[%dma_wait3A_234, %dma_wait3A_235] : memref<1015808x32xi32, #tpu.memory_space<hbm>> -> memref<1015808x32xi32, #tpu.memory_space<hbm>>
      tpu.wait_indirect_dma semaphore(%arg8 : memref<!tpu.dma_semaphore, #tpu.memory_space<semaphore_mem>>) src(%dma_wait3A_236 : memref<1015808x32xi32, #tpu.memory_space<hbm>>) dst(%dma_wait3A_230 : memref<50x32xi32, #tpu.memory_space<vmem>>)
      %dma_wait3A_237 = arith.constant 0 : i32
      %dma_wait3A_238 = arith.constant 5 : i32
      %dma_wait3A_239 = arith.constant 0 : i32
      %dma_wait3A_240 = arith.constant 0 : i32
      %dma_wait3A_241 = tpu.memref_slice %arg6[%dma_wait3A_237, %dma_wait3A_238, %dma_wait3A_239, %dma_wait3A_240] : memref<2x8x50x32xi32, #tpu.memory_space<vmem>> -> memref<1x1x50x32xi32, #tpu.memory_space<vmem>>
      %dma_wait3A_242 = tpu.memref_squeeze %dma_wait3A_241 : memref<1x1x50x32xi32, #tpu.memory_space<vmem>> -> memref<50x32xi32, #tpu.memory_space<vmem>>
      %dma_wait3A_243 = arith.constant 0 : i32
      %dma_wait3A_244 = tpu.memref_slice %arg5[%add3A_168, %dma_wait3A_243] : memref<512x50xi32, #tpu.memory_space<vmem>> -> memref<1x50xi32, #tpu.memory_space<vmem>>
      %dma_wait3A_245 = tpu.memref_squeeze %dma_wait3A_244 : memref<1x50xi32, #tpu.memory_space<vmem>> -> memref<50xi32, #tpu.memory_space<vmem>>
      %dma_wait3A_246 = arith.constant 0 : i32
      %dma_wait3A_247 = arith.constant 0 : i32
      %dma_wait3A_248 = tpu.memref_slice %arg3[%dma_wait3A_246, %dma_wait3A_247] : memref<1015808x32xi32, #tpu.memory_space<hbm>> -> memref<1015808x32xi32, #tpu.memory_space<hbm>>
      tpu.wait_indirect_dma semaphore(%arg8 : memref<!tpu.dma_semaphore, #tpu.memory_space<semaphore_mem>>) src(%dma_wait3A_248 : memref<1015808x32xi32, #tpu.memory_space<hbm>>) dst(%dma_wait3A_242 : memref<50x32xi32, #tpu.memory_space<vmem>>)
      %dma_wait3A_249 = arith.constant 0 : i32
      %dma_wait3A_250 = arith.constant 6 : i32
      %dma_wait3A_251 = arith.constant 0 : i32
      %dma_wait3A_252 = arith.constant 0 : i32
      %dma_wait3A_253 = tpu.memref_slice %arg6[%dma_wait3A_249, %dma_wait3A_250, %dma_wait3A_251, %dma_wait3A_252] : memref<2x8x50x32xi32, #tpu.memory_space<vmem>> -> memref<1x1x50x32xi32, #tpu.memory_space<vmem>>
      %dma_wait3A_254 = tpu.memref_squeeze %dma_wait3A_253 : memref<1x1x50x32xi32, #tpu.memory_space<vmem>> -> memref<50x32xi32, #tpu.memory_space<vmem>>
      %dma_wait3A_255 = arith.constant 0 : i32
      %dma_wait3A_256 = tpu.memref_slice %arg5[%add3A_172, %dma_wait3A_255] : memref<512x50xi32, #tpu.memory_space<vmem>> -> memref<1x50xi32, #tpu.memory_space<vmem>>
      %dma_wait3A_257 = tpu.memref_squeeze %dma_wait3A_256 : memref<1x50xi32, #tpu.memory_space<vmem>> -> memref<50xi32, #tpu.memory_space<vmem>>
      %dma_wait3A_258 = arith.constant 0 : i32
      %dma_wait3A_259 = arith.constant 0 : i32
      %dma_wait3A_260 = tpu.memref_slice %arg3[%dma_wait3A_258, %dma_wait3A_259] : memref<1015808x32xi32, #tpu.memory_space<hbm>> -> memref<1015808x32xi32, #tpu.memory_space<hbm>>
      tpu.wait_indirect_dma semaphore(%arg8 : memref<!tpu.dma_semaphore, #tpu.memory_space<semaphore_mem>>) src(%dma_wait3A_260 : memref<1015808x32xi32, #tpu.memory_space<hbm>>) dst(%dma_wait3A_254 : memref<50x32xi32, #tpu.memory_space<vmem>>)
      %dma_wait3A_261 = arith.constant 0 : i32
      %dma_wait3A_262 = arith.constant 7 : i32
      %dma_wait3A_263 = arith.constant 0 : i32
      %dma_wait3A_264 = arith.constant 0 : i32
      %dma_wait3A_265 = tpu.memref_slice %arg6[%dma_wait3A_261, %dma_wait3A_262, %dma_wait3A_263, %dma_wait3A_264] : memref<2x8x50x32xi32, #tpu.memory_space<vmem>> -> memref<1x1x50x32xi32, #tpu.memory_space<vmem>>
      %dma_wait3A_266 = tpu.memref_squeeze %dma_wait3A_265 : memref<1x1x50x32xi32, #tpu.memory_space<vmem>> -> memref<50x32xi32, #tpu.memory_space<vmem>>
      %dma_wait3A_267 = arith.constant 0 : i32
      %dma_wait3A_268 = tpu.memref_slice %arg5[%add3A_176, %dma_wait3A_267] : memref<512x50xi32, #tpu.memory_space<vmem>> -> memref<1x50xi32, #tpu.memory_space<vmem>>
      %dma_wait3A_269 = tpu.memref_squeeze %dma_wait3A_268 : memref<1x50xi32, #tpu.memory_space<vmem>> -> memref<50xi32, #tpu.memory_space<vmem>>
      %dma_wait3A_270 = arith.constant 0 : i32
      %dma_wait3A_271 = arith.constant 0 : i32
      %dma_wait3A_272 = tpu.memref_slice %arg3[%dma_wait3A_270, %dma_wait3A_271] : memref<1015808x32xi32, #tpu.memory_space<hbm>> -> memref<1015808x32xi32, #tpu.memory_space<hbm>>
      tpu.wait_indirect_dma semaphore(%arg8 : memref<!tpu.dma_semaphore, #tpu.memory_space<semaphore_mem>>) src(%dma_wait3A_272 : memref<1015808x32xi32, #tpu.memory_space<hbm>>) dst(%dma_wait3A_266 : memref<50x32xi32, #tpu.memory_space<vmem>>)
      %add3A_273 = arith.constant 1 : i32
      %add3A_274 = arith.addi %add3A_144, %add3A_273 : i32
      %lt3A = arith.constant 64 : i32
      %lt3A_275 = arith.cmpi slt, %add3A_274, %lt3A : i32
      %convert_element_type3A = arith.extui %lt3A_275 : i1 to i32
      %cond3A = arith.constant 0 : i32
      %cond3A_276 = arith.cmpi ne, %convert_element_type3A, %cond3A : i32
      scf.if %cond3A_276 {
        %add3A_967 = arith.constant 1 : i32
        %add3A_968 = arith.addi %add3A_144, %add3A_967 : i32
        %mul3A_969 = arith.constant 8 : i32
        %mul3A_970 = arith.muli %add3A_968, %mul3A_969 : i32
        %add3A_971 = arith.constant 0 : i32
        %add3A_972 = arith.addi %mul3A_970, %add3A_971 : i32
        %mul3A_973 = arith.constant 8 : i32
        %mul3A_974 = arith.muli %add3A_968, %mul3A_973 : i32
        %add3A_975 = arith.constant 1 : i32
        %add3A_976 = arith.addi %mul3A_974, %add3A_975 : i32
        %mul3A_977 = arith.constant 8 : i32
        %mul3A_978 = arith.muli %add3A_968, %mul3A_977 : i32
        %add3A_979 = arith.constant 2 : i32
        %add3A_980 = arith.addi %mul3A_978, %add3A_979 : i32
        %mul3A_981 = arith.constant 8 : i32
        %mul3A_982 = arith.muli %add3A_968, %mul3A_981 : i32
        %add3A_983 = arith.constant 3 : i32
        %add3A_984 = arith.addi %mul3A_982, %add3A_983 : i32
        %mul3A_985 = arith.constant 8 : i32
        %mul3A_986 = arith.muli %add3A_968, %mul3A_985 : i32
        %add3A_987 = arith.constant 4 : i32
        %add3A_988 = arith.addi %mul3A_986, %add3A_987 : i32
        %mul3A_989 = arith.constant 8 : i32
        %mul3A_990 = arith.muli %add3A_968, %mul3A_989 : i32
        %add3A_991 = arith.constant 5 : i32
        %add3A_992 = arith.addi %mul3A_990, %add3A_991 : i32
        %mul3A_993 = arith.constant 8 : i32
        %mul3A_994 = arith.muli %add3A_968, %mul3A_993 : i32
        %add3A_995 = arith.constant 6 : i32
        %add3A_996 = arith.addi %mul3A_994, %add3A_995 : i32
        %mul3A_997 = arith.constant 8 : i32
        %mul3A_998 = arith.muli %add3A_968, %mul3A_997 : i32
        %add3A_999 = arith.constant 7 : i32
        %add3A_1000 = arith.addi %mul3A_998, %add3A_999 : i32
        %dma_start3A_1001 = arith.constant 1 : i32
        %dma_start3A_1002 = arith.constant 0 : i32
        %dma_start3A_1003 = arith.constant 0 : i32
        %dma_start3A_1004 = arith.constant 0 : i32
        %dma_start3A_1005 = tpu.memref_slice %arg6[%dma_start3A_1001, %dma_start3A_1002, %dma_start3A_1003, %dma_start3A_1004] : memref<2x8x50x32xi32, #tpu.memory_space<vmem>> -> memref<1x1x50x32xi32, #tpu.memory_space<vmem>>
        %dma_start3A_1006 = tpu.memref_squeeze %dma_start3A_1005 : memref<1x1x50x32xi32, #tpu.memory_space<vmem>> -> memref<50x32xi32, #tpu.memory_space<vmem>>
        %dma_start3A_1007 = arith.constant 0 : i32
        %dma_start3A_1008 = tpu.memref_slice %arg5[%add3A_972, %dma_start3A_1007] : memref<512x50xi32, #tpu.memory_space<vmem>> -> memref<1x50xi32, #tpu.memory_space<vmem>>
        %dma_start3A_1009 = tpu.memref_squeeze %dma_start3A_1008 : memref<1x50xi32, #tpu.memory_space<vmem>> -> memref<50xi32, #tpu.memory_space<vmem>>
        %dma_start3A_1010 = arith.constant 0 : i32
        %dma_start3A_1011 = arith.constant 0 : i32
        %dma_start3A_1012 = tpu.memref_slice %arg3[%dma_start3A_1010, %dma_start3A_1011] : memref<1015808x32xi32, #tpu.memory_space<hbm>> -> memref<1015808x32xi32, #tpu.memory_space<hbm>>
        tpu.enqueue_indirect_dma source(%dma_start3A_1012 : memref<1015808x32xi32, #tpu.memory_space<hbm>>) target(%dma_start3A_1006 : memref<50x32xi32, #tpu.memory_space<vmem>>) offsets(%dma_start3A_1009 : memref<50xi32, #tpu.memory_space<vmem>>) semaphore(%arg9 : memref<!tpu.dma_semaphore, #tpu.memory_space<semaphore_mem>>)
        %dma_start3A_1013 = arith.constant 1 : i32
        %dma_start3A_1014 = arith.constant 1 : i32
        %dma_start3A_1015 = arith.constant 0 : i32
        %dma_start3A_1016 = arith.constant 0 : i32
        %dma_start3A_1017 = tpu.memref_slice %arg6[%dma_start3A_1013, %dma_start3A_1014, %dma_start3A_1015, %dma_start3A_1016] : memref<2x8x50x32xi32, #tpu.memory_space<vmem>> -> memref<1x1x50x32xi32, #tpu.memory_space<vmem>>
        %dma_start3A_1018 = tpu.memref_squeeze %dma_start3A_1017 : memref<1x1x50x32xi32, #tpu.memory_space<vmem>> -> memref<50x32xi32, #tpu.memory_space<vmem>>
        %dma_start3A_1019 = arith.constant 0 : i32
        %dma_start3A_1020 = tpu.memref_slice %arg5[%add3A_976, %dma_start3A_1019] : memref<512x50xi32, #tpu.memory_space<vmem>> -> memref<1x50xi32, #tpu.memory_space<vmem>>
        %dma_start3A_1021 = tpu.memref_squeeze %dma_start3A_1020 : memref<1x50xi32, #tpu.memory_space<vmem>> -> memref<50xi32, #tpu.memory_space<vmem>>
        %dma_start3A_1022 = arith.constant 0 : i32
        %dma_start3A_1023 = arith.constant 0 : i32
        %dma_start3A_1024 = tpu.memref_slice %arg3[%dma_start3A_1022, %dma_start3A_1023] : memref<1015808x32xi32, #tpu.memory_space<hbm>> -> memref<1015808x32xi32, #tpu.memory_space<hbm>>
        tpu.enqueue_indirect_dma source(%dma_start3A_1024 : memref<1015808x32xi32, #tpu.memory_space<hbm>>) target(%dma_start3A_1018 : memref<50x32xi32, #tpu.memory_space<vmem>>) offsets(%dma_start3A_1021 : memref<50xi32, #tpu.memory_space<vmem>>) semaphore(%arg9 : memref<!tpu.dma_semaphore, #tpu.memory_space<semaphore_mem>>)
        %dma_start3A_1025 = arith.constant 1 : i32
        %dma_start3A_1026 = arith.constant 2 : i32
        %dma_start3A_1027 = arith.constant 0 : i32
        %dma_start3A_1028 = arith.constant 0 : i32
        %dma_start3A_1029 = tpu.memref_slice %arg6[%dma_start3A_1025, %dma_start3A_1026, %dma_start3A_1027, %dma_start3A_1028] : memref<2x8x50x32xi32, #tpu.memory_space<vmem>> -> memref<1x1x50x32xi32, #tpu.memory_space<vmem>>
        %dma_start3A_1030 = tpu.memref_squeeze %dma_start3A_1029 : memref<1x1x50x32xi32, #tpu.memory_space<vmem>> -> memref<50x32xi32, #tpu.memory_space<vmem>>
        %dma_start3A_1031 = arith.constant 0 : i32
        %dma_start3A_1032 = tpu.memref_slice %arg5[%add3A_980, %dma_start3A_1031] : memref<512x50xi32, #tpu.memory_space<vmem>> -> memref<1x50xi32, #tpu.memory_space<vmem>>
        %dma_start3A_1033 = tpu.memref_squeeze %dma_start3A_1032 : memref<1x50xi32, #tpu.memory_space<vmem>> -> memref<50xi32, #tpu.memory_space<vmem>>
        %dma_start3A_1034 = arith.constant 0 : i32
        %dma_start3A_1035 = arith.constant 0 : i32
        %dma_start3A_1036 = tpu.memref_slice %arg3[%dma_start3A_1034, %dma_start3A_1035] : memref<1015808x32xi32, #tpu.memory_space<hbm>> -> memref<1015808x32xi32, #tpu.memory_space<hbm>>
        tpu.enqueue_indirect_dma source(%dma_start3A_1036 : memref<1015808x32xi32, #tpu.memory_space<hbm>>) target(%dma_start3A_1030 : memref<50x32xi32, #tpu.memory_space<vmem>>) offsets(%dma_start3A_1033 : memref<50xi32, #tpu.memory_space<vmem>>) semaphore(%arg9 : memref<!tpu.dma_semaphore, #tpu.memory_space<semaphore_mem>>)
        %dma_start3A_1037 = arith.constant 1 : i32
        %dma_start3A_1038 = arith.constant 3 : i32
        %dma_start3A_1039 = arith.constant 0 : i32
        %dma_start3A_1040 = arith.constant 0 : i32
        %dma_start3A_1041 = tpu.memref_slice %arg6[%dma_start3A_1037, %dma_start3A_1038, %dma_start3A_1039, %dma_start3A_1040] : memref<2x8x50x32xi32, #tpu.memory_space<vmem>> -> memref<1x1x50x32xi32, #tpu.memory_space<vmem>>
        %dma_start3A_1042 = tpu.memref_squeeze %dma_start3A_1041 : memref<1x1x50x32xi32, #tpu.memory_space<vmem>> -> memref<50x32xi32, #tpu.memory_space<vmem>>
        %dma_start3A_1043 = arith.constant 0 : i32
        %dma_start3A_1044 = tpu.memref_slice %arg5[%add3A_984, %dma_start3A_1043] : memref<512x50xi32, #tpu.memory_space<vmem>> -> memref<1x50xi32, #tpu.memory_space<vmem>>
        %dma_start3A_1045 = tpu.memref_squeeze %dma_start3A_1044 : memref<1x50xi32, #tpu.memory_space<vmem>> -> memref<50xi32, #tpu.memory_space<vmem>>
        %dma_start3A_1046 = arith.constant 0 : i32
        %dma_start3A_1047 = arith.constant 0 : i32
        %dma_start3A_1048 = tpu.memref_slice %arg3[%dma_start3A_1046, %dma_start3A_1047] : memref<1015808x32xi32, #tpu.memory_space<hbm>> -> memref<1015808x32xi32, #tpu.memory_space<hbm>>
        tpu.enqueue_indirect_dma source(%dma_start3A_1048 : memref<1015808x32xi32, #tpu.memory_space<hbm>>) target(%dma_start3A_1042 : memref<50x32xi32, #tpu.memory_space<vmem>>) offsets(%dma_start3A_1045 : memref<50xi32, #tpu.memory_space<vmem>>) semaphore(%arg9 : memref<!tpu.dma_semaphore, #tpu.memory_space<semaphore_mem>>)
        %dma_start3A_1049 = arith.constant 1 : i32
        %dma_start3A_1050 = arith.constant 4 : i32
        %dma_start3A_1051 = arith.constant 0 : i32
        %dma_start3A_1052 = arith.constant 0 : i32
        %dma_start3A_1053 = tpu.memref_slice %arg6[%dma_start3A_1049, %dma_start3A_1050, %dma_start3A_1051, %dma_start3A_1052] : memref<2x8x50x32xi32, #tpu.memory_space<vmem>> -> memref<1x1x50x32xi32, #tpu.memory_space<vmem>>
        %dma_start3A_1054 = tpu.memref_squeeze %dma_start3A_1053 : memref<1x1x50x32xi32, #tpu.memory_space<vmem>> -> memref<50x32xi32, #tpu.memory_space<vmem>>
        %dma_start3A_1055 = arith.constant 0 : i32
        %dma_start3A_1056 = tpu.memref_slice %arg5[%add3A_988, %dma_start3A_1055] : memref<512x50xi32, #tpu.memory_space<vmem>> -> memref<1x50xi32, #tpu.memory_space<vmem>>
        %dma_start3A_1057 = tpu.memref_squeeze %dma_start3A_1056 : memref<1x50xi32, #tpu.memory_space<vmem>> -> memref<50xi32, #tpu.memory_space<vmem>>
        %dma_start3A_1058 = arith.constant 0 : i32
        %dma_start3A_1059 = arith.constant 0 : i32
        %dma_start3A_1060 = tpu.memref_slice %arg3[%dma_start3A_1058, %dma_start3A_1059] : memref<1015808x32xi32, #tpu.memory_space<hbm>> -> memref<1015808x32xi32, #tpu.memory_space<hbm>>
        tpu.enqueue_indirect_dma source(%dma_start3A_1060 : memref<1015808x32xi32, #tpu.memory_space<hbm>>) target(%dma_start3A_1054 : memref<50x32xi32, #tpu.memory_space<vmem>>) offsets(%dma_start3A_1057 : memref<50xi32, #tpu.memory_space<vmem>>) semaphore(%arg9 : memref<!tpu.dma_semaphore, #tpu.memory_space<semaphore_mem>>)
        %dma_start3A_1061 = arith.constant 1 : i32
        %dma_start3A_1062 = arith.constant 5 : i32
        %dma_start3A_1063 = arith.constant 0 : i32
        %dma_start3A_1064 = arith.constant 0 : i32
        %dma_start3A_1065 = tpu.memref_slice %arg6[%dma_start3A_1061, %dma_start3A_1062, %dma_start3A_1063, %dma_start3A_1064] : memref<2x8x50x32xi32, #tpu.memory_space<vmem>> -> memref<1x1x50x32xi32, #tpu.memory_space<vmem>>
        %dma_start3A_1066 = tpu.memref_squeeze %dma_start3A_1065 : memref<1x1x50x32xi32, #tpu.memory_space<vmem>> -> memref<50x32xi32, #tpu.memory_space<vmem>>
        %dma_start3A_1067 = arith.constant 0 : i32
        %dma_start3A_1068 = tpu.memref_slice %arg5[%add3A_992, %dma_start3A_1067] : memref<512x50xi32, #tpu.memory_space<vmem>> -> memref<1x50xi32, #tpu.memory_space<vmem>>
        %dma_start3A_1069 = tpu.memref_squeeze %dma_start3A_1068 : memref<1x50xi32, #tpu.memory_space<vmem>> -> memref<50xi32, #tpu.memory_space<vmem>>
        %dma_start3A_1070 = arith.constant 0 : i32
        %dma_start3A_1071 = arith.constant 0 : i32
        %dma_start3A_1072 = tpu.memref_slice %arg3[%dma_start3A_1070, %dma_start3A_1071] : memref<1015808x32xi32, #tpu.memory_space<hbm>> -> memref<1015808x32xi32, #tpu.memory_space<hbm>>
        tpu.enqueue_indirect_dma source(%dma_start3A_1072 : memref<1015808x32xi32, #tpu.memory_space<hbm>>) target(%dma_start3A_1066 : memref<50x32xi32, #tpu.memory_space<vmem>>) offsets(%dma_start3A_1069 : memref<50xi32, #tpu.memory_space<vmem>>) semaphore(%arg9 : memref<!tpu.dma_semaphore, #tpu.memory_space<semaphore_mem>>)
        %dma_start3A_1073 = arith.constant 1 : i32
        %dma_start3A_1074 = arith.constant 6 : i32
        %dma_start3A_1075 = arith.constant 0 : i32
        %dma_start3A_1076 = arith.constant 0 : i32
        %dma_start3A_1077 = tpu.memref_slice %arg6[%dma_start3A_1073, %dma_start3A_1074, %dma_start3A_1075, %dma_start3A_1076] : memref<2x8x50x32xi32, #tpu.memory_space<vmem>> -> memref<1x1x50x32xi32, #tpu.memory_space<vmem>>
        %dma_start3A_1078 = tpu.memref_squeeze %dma_start3A_1077 : memref<1x1x50x32xi32, #tpu.memory_space<vmem>> -> memref<50x32xi32, #tpu.memory_space<vmem>>
        %dma_start3A_1079 = arith.constant 0 : i32
        %dma_start3A_1080 = tpu.memref_slice %arg5[%add3A_996, %dma_start3A_1079] : memref<512x50xi32, #tpu.memory_space<vmem>> -> memref<1x50xi32, #tpu.memory_space<vmem>>
        %dma_start3A_1081 = tpu.memref_squeeze %dma_start3A_1080 : memref<1x50xi32, #tpu.memory_space<vmem>> -> memref<50xi32, #tpu.memory_space<vmem>>
        %dma_start3A_1082 = arith.constant 0 : i32
        %dma_start3A_1083 = arith.constant 0 : i32
        %dma_start3A_1084 = tpu.memref_slice %arg3[%dma_start3A_1082, %dma_start3A_1083] : memref<1015808x32xi32, #tpu.memory_space<hbm>> -> memref<1015808x32xi32, #tpu.memory_space<hbm>>
        tpu.enqueue_indirect_dma source(%dma_start3A_1084 : memref<1015808x32xi32, #tpu.memory_space<hbm>>) target(%dma_start3A_1078 : memref<50x32xi32, #tpu.memory_space<vmem>>) offsets(%dma_start3A_1081 : memref<50xi32, #tpu.memory_space<vmem>>) semaphore(%arg9 : memref<!tpu.dma_semaphore, #tpu.memory_space<semaphore_mem>>)
        %dma_start3A_1085 = arith.constant 1 : i32
        %dma_start3A_1086 = arith.constant 7 : i32
        %dma_start3A_1087 = arith.constant 0 : i32
        %dma_start3A_1088 = arith.constant 0 : i32
        %dma_start3A_1089 = tpu.memref_slice %arg6[%dma_start3A_1085, %dma_start3A_1086, %dma_start3A_1087, %dma_start3A_1088] : memref<2x8x50x32xi32, #tpu.memory_space<vmem>> -> memref<1x1x50x32xi32, #tpu.memory_space<vmem>>
        %dma_start3A_1090 = tpu.memref_squeeze %dma_start3A_1089 : memref<1x1x50x32xi32, #tpu.memory_space<vmem>> -> memref<50x32xi32, #tpu.memory_space<vmem>>
        %dma_start3A_1091 = arith.constant 0 : i32
        %dma_start3A_1092 = tpu.memref_slice %arg5[%add3A_1000, %dma_start3A_1091] : memref<512x50xi32, #tpu.memory_space<vmem>> -> memref<1x50xi32, #tpu.memory_space<vmem>>
        %dma_start3A_1093 = tpu.memref_squeeze %dma_start3A_1092 : memref<1x50xi32, #tpu.memory_space<vmem>> -> memref<50xi32, #tpu.memory_space<vmem>>
        %dma_start3A_1094 = arith.constant 0 : i32
        %dma_start3A_1095 = arith.constant 0 : i32
        %dma_start3A_1096 = tpu.memref_slice %arg3[%dma_start3A_1094, %dma_start3A_1095] : memref<1015808x32xi32, #tpu.memory_space<hbm>> -> memref<1015808x32xi32, #tpu.memory_space<hbm>>
        tpu.enqueue_indirect_dma source(%dma_start3A_1096 : memref<1015808x32xi32, #tpu.memory_space<hbm>>) target(%dma_start3A_1090 : memref<50x32xi32, #tpu.memory_space<vmem>>) offsets(%dma_start3A_1093 : memref<50xi32, #tpu.memory_space<vmem>>) semaphore(%arg9 : memref<!tpu.dma_semaphore, #tpu.memory_space<semaphore_mem>>)
      } else {
      }
      %ge3A = arith.constant 2 : i32
      %ge3A_277 = arith.cmpi sge, %add3A_144, %ge3A : i32
      %convert_element_type3A_278 = arith.extui %ge3A_277 : i1 to i32
      %cond3A_279 = arith.constant 0 : i32
      %cond3A_280 = arith.cmpi ne, %convert_element_type3A_278, %cond3A_279 : i32
      scf.if %cond3A_280 {
        %sub3A = arith.constant 2 : i32
        %sub3A_967 = arith.subi %add3A_144, %sub3A : i32
        %mul3A_968 = arith.constant 8 : i32
        %mul3A_969 = arith.muli %sub3A_967, %mul3A_968 : i32
        %add3A_970 = arith.addi %mul3A_2, %mul3A_969 : i32
        %dma_wait3A_971 = arith.constant 0 : i32
        %dma_wait3A_972 = arith.constant 0 : i32
        %dma_wait3A_973 = arith.constant 0 : i32
        %dma_wait3A_974 = tpu.memref_slice %arg7[%dma_wait3A_971, %dma_wait3A_972, %dma_wait3A_973] : memref<2x8x64xf32, #tpu.memory_space<vmem>> -> memref<1x8x64xf32, #tpu.memory_space<vmem>>
        %dma_wait3A_975 = tpu.memref_squeeze %dma_wait3A_974 : memref<1x8x64xf32, #tpu.memory_space<vmem>> -> memref<8x64xf32, #tpu.memory_space<vmem>>
        %dma_wait3A_976 = arith.constant 0 : i32
        %dma_wait3A_977 = tpu.memref_slice %arg4[%add3A_970, %dma_wait3A_976] : memref<16384x64xf32, #tpu.memory_space<hbm>> -> memref<8x64xf32, #tpu.memory_space<hbm>>
        %dma_wait3A_978 = arith.constant 0 : i32
        %dma_wait3A_979 = tpu.memref_slice %arg4[%add3A_970, %dma_wait3A_978] : memref<16384x64xf32, #tpu.memory_space<hbm>> -> memref<8x64xf32, #tpu.memory_space<hbm>>
        %dma_wait3A_980 = arith.constant 0 : i32
        %dma_wait3A_981 = arith.constant 0 : i32
        %dma_wait3A_982 = tpu.memref_slice %arg7[%dma_wait3A_971, %dma_wait3A_980, %dma_wait3A_981] : memref<2x8x64xf32, #tpu.memory_space<vmem>> -> memref<1x8x64xf32, #tpu.memory_space<vmem>>
        %dma_wait3A_983 = tpu.memref_squeeze %dma_wait3A_982 : memref<1x8x64xf32, #tpu.memory_space<vmem>> -> memref<8x64xf32, #tpu.memory_space<vmem>>
        tpu.wait_dma2 semaphore(%arg10 : memref<!tpu.dma_semaphore, #tpu.memory_space<semaphore_mem>>) src(%dma_wait3A_983 : memref<8x64xf32, #tpu.memory_space<vmem>>) dst(%dma_wait3A_979 : memref<8x64xf32, #tpu.memory_space<hbm>>)
      } else {
      }
      %broadcast_in_dim3A = arith.constant 0.000000e+00 : f32
      %broadcast_in_dim3A_281 = vector.broadcast %broadcast_in_dim3A : f32 to vector<16xf32>
      %scan3A_282 = arith.constant 0 : i32
      %scan3A_283 = arith.constant 25 : i32
      %scan3A_284 = arith.addi %scan3A_282, %scan3A_283 : i32
      %scan3A_285 = arith.constant 1 : i32
      %scan3A_286:4 = scf.for %scan3A_967 = %scan3A_282 to %scan3A_284 step %scan3A_285 iter_args(%scan3A_968 = %broadcast_in_dim3A_281, %scan3A_969 = %broadcast_in_dim3A_281, %scan3A_970 = %broadcast_in_dim3A_281, %scan3A_971 = %broadcast_in_dim3A_281) -> (vector<16xf32>, vector<16xf32>, vector<16xf32>, vector<16xf32>)  : i32 {
        %mul3A_972 = arith.constant 2 : i32
        %mul3A_973 = arith.muli %scan3A_967, %mul3A_972 : i32
        %add3A_974 = arith.constant 0 : i32
        %add3A_975 = arith.addi %mul3A_973, %add3A_974 : i32
        %get3A = arith.constant 0 : i32
        %get3A_976 = arith.constant 0 : i32
        %get3A_977 = arith.index_cast %get3A : i32 to index
        %get3A_978 = arith.index_cast %get3A_976 : i32 to index
        %get3A_979 = arith.index_cast %add3A_975 : i32 to index
        %get3A_980 = arith.constant 0 : index
        %get3A_981 = tpu.vector_load %arg6[%get3A_977, %get3A_978, %get3A_979, %get3A_980] {strides = array<i32>} : memref<2x8x50x32xi32, #tpu.memory_space<vmem>>, vector<16xi32>,
        %bitcast3A = vector.bitcast %get3A_981 : vector<16xi32> to vector<32xbf16>
        %add3A_982 = arith.constant 0 : i32
        %add3A_983 = arith.addi %mul3A_973, %add3A_982 : i32
        %get3A_984 = arith.constant 0 : i32
        %get3A_985 = arith.constant 0 : i32
        %get3A_986 = arith.index_cast %get3A_984 : i32 to index
        %get3A_987 = arith.index_cast %get3A_985 : i32 to index
        %get3A_988 = arith.index_cast %add3A_983 : i32 to index
        %get3A_989 = arith.constant 16 : index
        %get3A_990 = tpu.vector_load %arg6[%get3A_986, %get3A_987, %get3A_988, %get3A_989] {strides = array<i32>} : memref<2x8x50x32xi32, #tpu.memory_space<vmem>>, vector<16xi32>,
        %bitcast3A_991 = vector.bitcast %get3A_990 : vector<16xi32> to vector<32xbf16>
        %unpack3A = tpu.unpack_subelements %bitcast3A, 0 {pack_format = #tpu.pack_format<interleaved>} : vector<32xbf16> -> vector<16xf32>
        %unpack3A_992 = tpu.unpack_subelements %bitcast3A, 1 {pack_format = #tpu.pack_format<interleaved>} : vector<32xbf16> -> vector<16xf32>
        %unpack3A_993 = tpu.unpack_subelements %bitcast3A_991, 0 {pack_format = #tpu.pack_format<interleaved>} : vector<32xbf16> -> vector<16xf32>
        %unpack3A_994 = tpu.unpack_subelements %bitcast3A_991, 1 {pack_format = #tpu.pack_format<interleaved>} : vector<32xbf16> -> vector<16xf32>
        %add3A_995 = arith.addf %scan3A_968, %unpack3A : vector<16xf32>
        %add3A_996 = arith.addf %scan3A_969, %unpack3A_992 : vector<16xf32>
        %add3A_997 = arith.addf %scan3A_970, %unpack3A_993 : vector<16xf32>
        %add3A_998 = arith.addf %scan3A_971, %unpack3A_994 : vector<16xf32>
        %add3A_999 = arith.constant 1 : i32
        %add3A_1000 = arith.addi %mul3A_973, %add3A_999 : i32
        %get3A_1001 = arith.constant 0 : i32
        %get3A_1002 = arith.constant 0 : i32
        %get3A_1003 = arith.index_cast %get3A_1001 : i32 to index
        %get3A_1004 = arith.index_cast %get3A_1002 : i32 to index
        %get3A_1005 = arith.index_cast %add3A_1000 : i32 to index
        %get3A_1006 = arith.constant 0 : index
        %get3A_1007 = tpu.vector_load %arg6[%get3A_1003, %get3A_1004, %get3A_1005, %get3A_1006] {strides = array<i32>} : memref<2x8x50x32xi32, #tpu.memory_space<vmem>>, vector<16xi32>,
        %bitcast3A_1008 = vector.bitcast %get3A_1007 : vector<16xi32> to vector<32xbf16>
        %add3A_1009 = arith.constant 1 : i32
        %add3A_1010 = arith.addi %mul3A_973, %add3A_1009 : i32
        %get3A_1011 = arith.constant 0 : i32
        %get3A_1012 = arith.constant 0 : i32
        %get3A_1013 = arith.index_cast %get3A_1011 : i32 to index
        %get3A_1014 = arith.index_cast %get3A_1012 : i32 to index
        %get3A_1015 = arith.index_cast %add3A_1010 : i32 to index
        %get3A_1016 = arith.constant 16 : index
        %get3A_1017 = tpu.vector_load %arg6[%get3A_1013, %get3A_1014, %get3A_1015, %get3A_1016] {strides = array<i32>} : memref<2x8x50x32xi32, #tpu.memory_space<vmem>>, vector<16xi32>,
        %bitcast3A_1018 = vector.bitcast %get3A_1017 : vector<16xi32> to vector<32xbf16>
        %unpack3A_1019 = tpu.unpack_subelements %bitcast3A_1008, 0 {pack_format = #tpu.pack_format<interleaved>} : vector<32xbf16> -> vector<16xf32>
        %unpack3A_1020 = tpu.unpack_subelements %bitcast3A_1008, 1 {pack_format = #tpu.pack_format<interleaved>} : vector<32xbf16> -> vector<16xf32>
        %unpack3A_1021 = tpu.unpack_subelements %bitcast3A_1018, 0 {pack_format = #tpu.pack_format<interleaved>} : vector<32xbf16> -> vector<16xf32>
        %unpack3A_1022 = tpu.unpack_subelements %bitcast3A_1018, 1 {pack_format = #tpu.pack_format<interleaved>} : vector<32xbf16> -> vector<16xf32>
        %add3A_1023 = arith.addf %add3A_995, %unpack3A_1019 : vector<16xf32>
        %add3A_1024 = arith.addf %add3A_996, %unpack3A_1020 : vector<16xf32>
        %add3A_1025 = arith.addf %add3A_997, %unpack3A_1021 : vector<16xf32>
        %add3A_1026 = arith.addf %add3A_998, %unpack3A_1022 : vector<16xf32>
        scf.yield %add3A_1023, %add3A_1024, %add3A_1025, %add3A_1026 : vector<16xf32>, vector<16xf32>, vector<16xf32>, vector<16xf32>
      }
      %scan3A_287 = arith.constant 25 : i32
      %swap3A = arith.constant 0 : i32
      %swap3A_288 = arith.constant 0 : i32
      %swap3A_289 = arith.index_cast %swap3A : i32 to index
      %swap3A_290 = arith.index_cast %swap3A_288 : i32 to index
      %swap3A_291 = arith.constant 0 : index
      %swap3A_292 = tpu.vector_load %arg7[%swap3A_289, %swap3A_290, %swap3A_291] {strides = array<i32>} : memref<2x8x64xf32, #tpu.memory_space<vmem>>, vector<16xf32>,
      tpu.vector_store %arg7[%swap3A_289, %swap3A_290, %swap3A_291], %scan3A_286#0 {strides = array<i32>} : memref<2x8x64xf32, #tpu.memory_space<vmem>>, vector<16xf32>,
      %swap3A_293 = arith.constant 0 : i32
      %swap3A_294 = arith.constant 0 : i32
      %swap3A_295 = arith.index_cast %swap3A_293 : i32 to index
      %swap3A_296 = arith.index_cast %swap3A_294 : i32 to index
      %swap3A_297 = arith.constant 16 : index
      %swap3A_298 = tpu.vector_load %arg7[%swap3A_295, %swap3A_296, %swap3A_297] {strides = array<i32>} : memref<2x8x64xf32, #tpu.memory_space<vmem>>, vector<16xf32>,
      tpu.vector_store %arg7[%swap3A_295, %swap3A_296, %swap3A_297], %scan3A_286#1 {strides = array<i32>} : memref<2x8x64xf32, #tpu.memory_space<vmem>>, vector<16xf32>,
      %swap3A_299 = arith.constant 0 : i32
      %swap3A_300 = arith.constant 0 : i32
      %swap3A_301 = arith.index_cast %swap3A_299 : i32 to index
      %swap3A_302 = arith.index_cast %swap3A_300 : i32 to index
      %swap3A_303 = arith.constant 32 : index
      %swap3A_304 = tpu.vector_load %arg7[%swap3A_301, %swap3A_302, %swap3A_303] {strides = array<i32>} : memref<2x8x64xf32, #tpu.memory_space<vmem>>, vector<16xf32>,
      tpu.vector_store %arg7[%swap3A_301, %swap3A_302, %swap3A_303], %scan3A_286#2 {strides = array<i32>} : memref<2x8x64xf32, #tpu.memory_space<vmem>>, vector<16xf32>,
      %swap3A_305 = arith.constant 0 : i32
      %swap3A_306 = arith.constant 0 : i32
      %swap3A_307 = arith.index_cast %swap3A_305 : i32 to index
      %swap3A_308 = arith.index_cast %swap3A_306 : i32 to index
      %swap3A_309 = arith.constant 48 : index
      %swap3A_310 = tpu.vector_load %arg7[%swap3A_307, %swap3A_308, %swap3A_309] {strides = array<i32>} : memref<2x8x64xf32, #tpu.memory_space<vmem>>, vector<16xf32>,
      tpu.vector_store %arg7[%swap3A_307, %swap3A_308, %swap3A_309], %scan3A_286#3 {strides = array<i32>} : memref<2x8x64xf32, #tpu.memory_space<vmem>>, vector<16xf32>,
      %broadcast_in_dim3A_311 = arith.constant 0.000000e+00 : f32
      %broadcast_in_dim3A_312 = vector.broadcast %broadcast_in_dim3A_311 : f32 to vector<16xf32>
      %scan3A_313 = arith.constant 0 : i32
      %scan3A_314 = arith.constant 25 : i32
      %scan3A_315 = arith.addi %scan3A_313, %scan3A_314 : i32
      %scan3A_316 = arith.constant 1 : i32
      %scan3A_317:4 = scf.for %scan3A_967 = %scan3A_313 to %scan3A_315 step %scan3A_316 iter_args(%scan3A_968 = %broadcast_in_dim3A_312, %scan3A_969 = %broadcast_in_dim3A_312, %scan3A_970 = %broadcast_in_dim3A_312, %scan3A_971 = %broadcast_in_dim3A_312) -> (vector<16xf32>, vector<16xf32>, vector<16xf32>, vector<16xf32>)  : i32 {
        %mul3A_972 = arith.constant 2 : i32
        %mul3A_973 = arith.muli %scan3A_967, %mul3A_972 : i32
        %add3A_974 = arith.constant 0 : i32
        %add3A_975 = arith.addi %mul3A_973, %add3A_974 : i32
        %get3A = arith.constant 0 : i32
        %get3A_976 = arith.constant 1 : i32
        %get3A_977 = arith.index_cast %get3A : i32 to index
        %get3A_978 = arith.index_cast %get3A_976 : i32 to index
        %get3A_979 = arith.index_cast %add3A_975 : i32 to index
        %get3A_980 = arith.constant 0 : index
        %get3A_981 = tpu.vector_load %arg6[%get3A_977, %get3A_978, %get3A_979, %get3A_980] {strides = array<i32>} : memref<2x8x50x32xi32, #tpu.memory_space<vmem>>, vector<16xi32>,
        %bitcast3A = vector.bitcast %get3A_981 : vector<16xi32> to vector<32xbf16>
        %add3A_982 = arith.constant 0 : i32
        %add3A_983 = arith.addi %mul3A_973, %add3A_982 : i32
        %get3A_984 = arith.constant 0 : i32
        %get3A_985 = arith.constant 1 : i32
        %get3A_986 = arith.index_cast %get3A_984 : i32 to index
        %get3A_987 = arith.index_cast %get3A_985 : i32 to index
        %get3A_988 = arith.index_cast %add3A_983 : i32 to index
        %get3A_989 = arith.constant 16 : index
        %get3A_990 = tpu.vector_load %arg6[%get3A_986, %get3A_987, %get3A_988, %get3A_989] {strides = array<i32>} : memref<2x8x50x32xi32, #tpu.memory_space<vmem>>, vector<16xi32>,
        %bitcast3A_991 = vector.bitcast %get3A_990 : vector<16xi32> to vector<32xbf16>
        %unpack3A = tpu.unpack_subelements %bitcast3A, 0 {pack_format = #tpu.pack_format<interleaved>} : vector<32xbf16> -> vector<16xf32>
        %unpack3A_992 = tpu.unpack_subelements %bitcast3A, 1 {pack_format = #tpu.pack_format<interleaved>} : vector<32xbf16> -> vector<16xf32>
        %unpack3A_993 = tpu.unpack_subelements %bitcast3A_991, 0 {pack_format = #tpu.pack_format<interleaved>} : vector<32xbf16> -> vector<16xf32>
        %unpack3A_994 = tpu.unpack_subelements %bitcast3A_991, 1 {pack_format = #tpu.pack_format<interleaved>} : vector<32xbf16> -> vector<16xf32>
        %add3A_995 = arith.addf %scan3A_968, %unpack3A : vector<16xf32>
        %add3A_996 = arith.addf %scan3A_969, %unpack3A_992 : vector<16xf32>
        %add3A_997 = arith.addf %scan3A_970, %unpack3A_993 : vector<16xf32>
        %add3A_998 = arith.addf %scan3A_971, %unpack3A_994 : vector<16xf32>
        %add3A_999 = arith.constant 1 : i32
        %add3A_1000 = arith.addi %mul3A_973, %add3A_999 : i32
        %get3A_1001 = arith.constant 0 : i32
        %get3A_1002 = arith.constant 1 : i32
        %get3A_1003 = arith.index_cast %get3A_1001 : i32 to index
        %get3A_1004 = arith.index_cast %get3A_1002 : i32 to index
        %get3A_1005 = arith.index_cast %add3A_1000 : i32 to index
        %get3A_1006 = arith.constant 0 : index
        %get3A_1007 = tpu.vector_load %arg6[%get3A_1003, %get3A_1004, %get3A_1005, %get3A_1006] {strides = array<i32>} : memref<2x8x50x32xi32, #tpu.memory_space<vmem>>, vector<16xi32>,
        %bitcast3A_1008 = vector.bitcast %get3A_1007 : vector<16xi32> to vector<32xbf16>
        %add3A_1009 = arith.constant 1 : i32
        %add3A_1010 = arith.addi %mul3A_973, %add3A_1009 : i32
        %get3A_1011 = arith.constant 0 : i32
        %get3A_1012 = arith.constant 1 : i32
        %get3A_1013 = arith.index_cast %get3A_1011 : i32 to index
        %get3A_1014 = arith.index_cast %get3A_1012 : i32 to index
        %get3A_1015 = arith.index_cast %add3A_1010 : i32 to index
        %get3A_1016 = arith.constant 16 : index
        %get3A_1017 = tpu.vector_load %arg6[%get3A_1013, %get3A_1014, %get3A_1015, %get3A_1016] {strides = array<i32>} : memref<2x8x50x32xi32, #tpu.memory_space<vmem>>, vector<16xi32>,
        %bitcast3A_1018 = vector.bitcast %get3A_1017 : vector<16xi32> to vector<32xbf16>
        %unpack3A_1019 = tpu.unpack_subelements %bitcast3A_1008, 0 {pack_format = #tpu.pack_format<interleaved>} : vector<32xbf16> -> vector<16xf32>
        %unpack3A_1020 = tpu.unpack_subelements %bitcast3A_1008, 1 {pack_format = #tpu.pack_format<interleaved>} : vector<32xbf16> -> vector<16xf32>
        %unpack3A_1021 = tpu.unpack_subelements %bitcast3A_1018, 0 {pack_format = #tpu.pack_format<interleaved>} : vector<32xbf16> -> vector<16xf32>
        %unpack3A_1022 = tpu.unpack_subelements %bitcast3A_1018, 1 {pack_format = #tpu.pack_format<interleaved>} : vector<32xbf16> -> vector<16xf32>
        %add3A_1023 = arith.addf %add3A_995, %unpack3A_1019 : vector<16xf32>
        %add3A_1024 = arith.addf %add3A_996, %unpack3A_1020 : vector<16xf32>
        %add3A_1025 = arith.addf %add3A_997, %unpack3A_1021 : vector<16xf32>
        %add3A_1026 = arith.addf %add3A_998, %unpack3A_1022 : vector<16xf32>
        scf.yield %add3A_1023, %add3A_1024, %add3A_1025, %add3A_1026 : vector<16xf32>, vector<16xf32>, vector<16xf32>, vector<16xf32>
      }
      %scan3A_318 = arith.constant 25 : i32
      %swap3A_319 = arith.constant 0 : i32
      %swap3A_320 = arith.constant 1 : i32
      %swap3A_321 = arith.index_cast %swap3A_319 : i32 to index
      %swap3A_322 = arith.index_cast %swap3A_320 : i32 to index
      %swap3A_323 = arith.constant 0 : index
      %swap3A_324 = tpu.vector_load %arg7[%swap3A_321, %swap3A_322, %swap3A_323] {strides = array<i32>} : memref<2x8x64xf32, #tpu.memory_space<vmem>>, vector<16xf32>,
      tpu.vector_store %arg7[%swap3A_321, %swap3A_322, %swap3A_323], %scan3A_317#0 {strides = array<i32>} : memref<2x8x64xf32, #tpu.memory_space<vmem>>, vector<16xf32>,
      %swap3A_325 = arith.constant 0 : i32
      %swap3A_326 = arith.constant 1 : i32
      %swap3A_327 = arith.index_cast %swap3A_325 : i32 to index
      %swap3A_328 = arith.index_cast %swap3A_326 : i32 to index
      %swap3A_329 = arith.constant 16 : index
      %swap3A_330 = tpu.vector_load %arg7[%swap3A_327, %swap3A_328, %swap3A_329] {strides = array<i32>} : memref<2x8x64xf32, #tpu.memory_space<vmem>>, vector<16xf32>,
      tpu.vector_store %arg7[%swap3A_327, %swap3A_328, %swap3A_329], %scan3A_317#1 {strides = array<i32>} : memref<2x8x64xf32, #tpu.memory_space<vmem>>, vector<16xf32>,
      %swap3A_331 = arith.constant 0 : i32
      %swap3A_332 = arith.constant 1 : i32
      %swap3A_333 = arith.index_cast %swap3A_331 : i32 to index
      %swap3A_334 = arith.index_cast %swap3A_332 : i32 to index
      %swap3A_335 = arith.constant 32 : index
      %swap3A_336 = tpu.vector_load %arg7[%swap3A_333, %swap3A_334, %swap3A_335] {strides = array<i32>} : memref<2x8x64xf32, #tpu.memory_space<vmem>>, vector<16xf32>,
      tpu.vector_store %arg7[%swap3A_333, %swap3A_334, %swap3A_335], %scan3A_317#2 {strides = array<i32>} : memref<2x8x64xf32, #tpu.memory_space<vmem>>, vector<16xf32>,
      %swap3A_337 = arith.constant 0 : i32
      %swap3A_338 = arith.constant 1 : i32
      %swap3A_339 = arith.index_cast %swap3A_337 : i32 to index
      %swap3A_340 = arith.index_cast %swap3A_338 : i32 to index
      %swap3A_341 = arith.constant 48 : index
      %swap3A_342 = tpu.vector_load %arg7[%swap3A_339, %swap3A_340, %swap3A_341] {strides = array<i32>} : memref<2x8x64xf32, #tpu.memory_space<vmem>>, vector<16xf32>,
      tpu.vector_store %arg7[%swap3A_339, %swap3A_340, %swap3A_341], %scan3A_317#3 {strides = array<i32>} : memref<2x8x64xf32, #tpu.memory_space<vmem>>, vector<16xf32>,
      %broadcast_in_dim3A_343 = arith.constant 0.000000e+00 : f32
      %broadcast_in_dim3A_344 = vector.broadcast %broadcast_in_dim3A_343 : f32 to vector<16xf32>
      %scan3A_345 = arith.constant 0 : i32
      %scan3A_346 = arith.constant 25 : i32
      %scan3A_347 = arith.addi %scan3A_345, %scan3A_346 : i32
      %scan3A_348 = arith.constant 1 : i32
      %scan3A_349:4 = scf.for %scan3A_967 = %scan3A_345 to %scan3A_347 step %scan3A_348 iter_args(%scan3A_968 = %broadcast_in_dim3A_344, %scan3A_969 = %broadcast_in_dim3A_344, %scan3A_970 = %broadcast_in_dim3A_344, %scan3A_971 = %broadcast_in_dim3A_344) -> (vector<16xf32>, vector<16xf32>, vector<16xf32>, vector<16xf32>)  : i32 {
        %mul3A_972 = arith.constant 2 : i32
        %mul3A_973 = arith.muli %scan3A_967, %mul3A_972 : i32
        %add3A_974 = arith.constant 0 : i32
        %add3A_975 = arith.addi %mul3A_973, %add3A_974 : i32
        %get3A = arith.constant 0 : i32
        %get3A_976 = arith.constant 2 : i32
        %get3A_977 = arith.index_cast %get3A : i32 to index
        %get3A_978 = arith.index_cast %get3A_976 : i32 to index
        %get3A_979 = arith.index_cast %add3A_975 : i32 to index
        %get3A_980 = arith.constant 0 : index
        %get3A_981 = tpu.vector_load %arg6[%get3A_977, %get3A_978, %get3A_979, %get3A_980] {strides = array<i32>} : memref<2x8x50x32xi32, #tpu.memory_space<vmem>>, vector<16xi32>,
        %bitcast3A = vector.bitcast %get3A_981 : vector<16xi32> to vector<32xbf16>
        %add3A_982 = arith.constant 0 : i32
        %add3A_983 = arith.addi %mul3A_973, %add3A_982 : i32
        %get3A_984 = arith.constant 0 : i32
        %get3A_985 = arith.constant 2 : i32
        %get3A_986 = arith.index_cast %get3A_984 : i32 to index
        %get3A_987 = arith.index_cast %get3A_985 : i32 to index
        %get3A_988 = arith.index_cast %add3A_983 : i32 to index
        %get3A_989 = arith.constant 16 : index
        %get3A_990 = tpu.vector_load %arg6[%get3A_986, %get3A_987, %get3A_988, %get3A_989] {strides = array<i32>} : memref<2x8x50x32xi32, #tpu.memory_space<vmem>>, vector<16xi32>,
        %bitcast3A_991 = vector.bitcast %get3A_990 : vector<16xi32> to vector<32xbf16>
        %unpack3A = tpu.unpack_subelements %bitcast3A, 0 {pack_format = #tpu.pack_format<interleaved>} : vector<32xbf16> -> vector<16xf32>
        %unpack3A_992 = tpu.unpack_subelements %bitcast3A, 1 {pack_format = #tpu.pack_format<interleaved>} : vector<32xbf16> -> vector<16xf32>
        %unpack3A_993 = tpu.unpack_subelements %bitcast3A_991, 0 {pack_format = #tpu.pack_format<interleaved>} : vector<32xbf16> -> vector<16xf32>
        %unpack3A_994 = tpu.unpack_subelements %bitcast3A_991, 1 {pack_format = #tpu.pack_format<interleaved>} : vector<32xbf16> -> vector<16xf32>
        %add3A_995 = arith.addf %scan3A_968, %unpack3A : vector<16xf32>
        %add3A_996 = arith.addf %scan3A_969, %unpack3A_992 : vector<16xf32>
        %add3A_997 = arith.addf %scan3A_970, %unpack3A_993 : vector<16xf32>
        %add3A_998 = arith.addf %scan3A_971, %unpack3A_994 : vector<16xf32>
        %add3A_999 = arith.constant 1 : i32
        %add3A_1000 = arith.addi %mul3A_973, %add3A_999 : i32
        %get3A_1001 = arith.constant 0 : i32
        %get3A_1002 = arith.constant 2 : i32
        %get3A_1003 = arith.index_cast %get3A_1001 : i32 to index
        %get3A_1004 = arith.index_cast %get3A_1002 : i32 to index
        %get3A_1005 = arith.index_cast %add3A_1000 : i32 to index
        %get3A_1006 = arith.constant 0 : index
        %get3A_1007 = tpu.vector_load %arg6[%get3A_1003, %get3A_1004, %get3A_1005, %get3A_1006] {strides = array<i32>} : memref<2x8x50x32xi32, #tpu.memory_space<vmem>>, vector<16xi32>,
        %bitcast3A_1008 = vector.bitcast %get3A_1007 : vector<16xi32> to vector<32xbf16>
        %add3A_1009 = arith.constant 1 : i32
        %add3A_1010 = arith.addi %mul3A_973, %add3A_1009 : i32
        %get3A_1011 = arith.constant 0 : i32
        %get3A_1012 = arith.constant 2 : i32
        %get3A_1013 = arith.index_cast %get3A_1011 : i32 to index
        %get3A_1014 = arith.index_cast %get3A_1012 : i32 to index
        %get3A_1015 = arith.index_cast %add3A_1010 : i32 to index
        %get3A_1016 = arith.constant 16 : index
        %get3A_1017 = tpu.vector_load %arg6[%get3A_1013, %get3A_1014, %get3A_1015, %get3A_1016] {strides = array<i32>} : memref<2x8x50x32xi32, #tpu.memory_space<vmem>>, vector<16xi32>,
        %bitcast3A_1018 = vector.bitcast %get3A_1017 : vector<16xi32> to vector<32xbf16>
        %unpack3A_1019 = tpu.unpack_subelements %bitcast3A_1008, 0 {pack_format = #tpu.pack_format<interleaved>} : vector<32xbf16> -> vector<16xf32>
        %unpack3A_1020 = tpu.unpack_subelements %bitcast3A_1008, 1 {pack_format = #tpu.pack_format<interleaved>} : vector<32xbf16> -> vector<16xf32>
        %unpack3A_1021 = tpu.unpack_subelements %bitcast3A_1018, 0 {pack_format = #tpu.pack_format<interleaved>} : vector<32xbf16> -> vector<16xf32>
        %unpack3A_1022 = tpu.unpack_subelements %bitcast3A_1018, 1 {pack_format = #tpu.pack_format<interleaved>} : vector<32xbf16> -> vector<16xf32>
        %add3A_1023 = arith.addf %add3A_995, %unpack3A_1019 : vector<16xf32>
        %add3A_1024 = arith.addf %add3A_996, %unpack3A_1020 : vector<16xf32>
        %add3A_1025 = arith.addf %add3A_997, %unpack3A_1021 : vector<16xf32>
        %add3A_1026 = arith.addf %add3A_998, %unpack3A_1022 : vector<16xf32>
        scf.yield %add3A_1023, %add3A_1024, %add3A_1025, %add3A_1026 : vector<16xf32>, vector<16xf32>, vector<16xf32>, vector<16xf32>
      }
      %scan3A_350 = arith.constant 25 : i32
      %swap3A_351 = arith.constant 0 : i32
      %swap3A_352 = arith.constant 2 : i32
      %swap3A_353 = arith.index_cast %swap3A_351 : i32 to index
      %swap3A_354 = arith.index_cast %swap3A_352 : i32 to index
      %swap3A_355 = arith.constant 0 : index
      %swap3A_356 = tpu.vector_load %arg7[%swap3A_353, %swap3A_354, %swap3A_355] {strides = array<i32>} : memref<2x8x64xf32, #tpu.memory_space<vmem>>, vector<16xf32>,
      tpu.vector_store %arg7[%swap3A_353, %swap3A_354, %swap3A_355], %scan3A_349#0 {strides = array<i32>} : memref<2x8x64xf32, #tpu.memory_space<vmem>>, vector<16xf32>,
      %swap3A_357 = arith.constant 0 : i32
      %swap3A_358 = arith.constant 2 : i32
      %swap3A_359 = arith.index_cast %swap3A_357 : i32 to index
      %swap3A_360 = arith.index_cast %swap3A_358 : i32 to index
      %swap3A_361 = arith.constant 16 : index
      %swap3A_362 = tpu.vector_load %arg7[%swap3A_359, %swap3A_360, %swap3A_361] {strides = array<i32>} : memref<2x8x64xf32, #tpu.memory_space<vmem>>, vector<16xf32>,
      tpu.vector_store %arg7[%swap3A_359, %swap3A_360, %swap3A_361], %scan3A_349#1 {strides = array<i32>} : memref<2x8x64xf32, #tpu.memory_space<vmem>>, vector<16xf32>,
      %swap3A_363 = arith.constant 0 : i32
      %swap3A_364 = arith.constant 2 : i32
      %swap3A_365 = arith.index_cast %swap3A_363 : i32 to index
      %swap3A_366 = arith.index_cast %swap3A_364 : i32 to index
      %swap3A_367 = arith.constant 32 : index
      %swap3A_368 = tpu.vector_load %arg7[%swap3A_365, %swap3A_366, %swap3A_367] {strides = array<i32>} : memref<2x8x64xf32, #tpu.memory_space<vmem>>, vector<16xf32>,
      tpu.vector_store %arg7[%swap3A_365, %swap3A_366, %swap3A_367], %scan3A_349#2 {strides = array<i32>} : memref<2x8x64xf32, #tpu.memory_space<vmem>>, vector<16xf32>,
      %swap3A_369 = arith.constant 0 : i32
      %swap3A_370 = arith.constant 2 : i32
      %swap3A_371 = arith.index_cast %swap3A_369 : i32 to index
      %swap3A_372 = arith.index_cast %swap3A_370 : i32 to index
      %swap3A_373 = arith.constant 48 : index
      %swap3A_374 = tpu.vector_load %arg7[%swap3A_371, %swap3A_372, %swap3A_373] {strides = array<i32>} : memref<2x8x64xf32, #tpu.memory_space<vmem>>, vector<16xf32>,
      tpu.vector_store %arg7[%swap3A_371, %swap3A_372, %swap3A_373], %scan3A_349#3 {strides = array<i32>} : memref<2x8x64xf32, #tpu.memory_space<vmem>>, vector<16xf32>,
      %broadcast_in_dim3A_375 = arith.constant 0.000000e+00 : f32
      %broadcast_in_dim3A_376 = vector.broadcast %broadcast_in_dim3A_375 : f32 to vector<16xf32>
      %scan3A_377 = arith.constant 0 : i32
      %scan3A_378 = arith.constant 25 : i32
      %scan3A_379 = arith.addi %scan3A_377, %scan3A_378 : i32
      %scan3A_380 = arith.constant 1 : i32
      %scan3A_381:4 = scf.for %scan3A_967 = %scan3A_377 to %scan3A_379 step %scan3A_380 iter_args(%scan3A_968 = %broadcast_in_dim3A_376, %scan3A_969 = %broadcast_in_dim3A_376, %scan3A_970 = %broadcast_in_dim3A_376, %scan3A_971 = %broadcast_in_dim3A_376) -> (vector<16xf32>, vector<16xf32>, vector<16xf32>, vector<16xf32>)  : i32 {
        %mul3A_972 = arith.constant 2 : i32
        %mul3A_973 = arith.muli %scan3A_967, %mul3A_972 : i32
        %add3A_974 = arith.constant 0 : i32
        %add3A_975 = arith.addi %mul3A_973, %add3A_974 : i32
        %get3A = arith.constant 0 : i32
        %get3A_976 = arith.constant 3 : i32
        %get3A_977 = arith.index_cast %get3A : i32 to index
        %get3A_978 = arith.index_cast %get3A_976 : i32 to index
        %get3A_979 = arith.index_cast %add3A_975 : i32 to index
        %get3A_980 = arith.constant 0 : index
        %get3A_981 = tpu.vector_load %arg6[%get3A_977, %get3A_978, %get3A_979, %get3A_980] {strides = array<i32>} : memref<2x8x50x32xi32, #tpu.memory_space<vmem>>, vector<16xi32>,
        %bitcast3A = vector.bitcast %get3A_981 : vector<16xi32> to vector<32xbf16>
        %add3A_982 = arith.constant 0 : i32
        %add3A_983 = arith.addi %mul3A_973, %add3A_982 : i32
        %get3A_984 = arith.constant 0 : i32
        %get3A_985 = arith.constant 3 : i32
        %get3A_986 = arith.index_cast %get3A_984 : i32 to index
        %get3A_987 = arith.index_cast %get3A_985 : i32 to index
        %get3A_988 = arith.index_cast %add3A_983 : i32 to index
        %get3A_989 = arith.constant 16 : index
        %get3A_990 = tpu.vector_load %arg6[%get3A_986, %get3A_987, %get3A_988, %get3A_989] {strides = array<i32>} : memref<2x8x50x32xi32, #tpu.memory_space<vmem>>, vector<16xi32>,
        %bitcast3A_991 = vector.bitcast %get3A_990 : vector<16xi32> to vector<32xbf16>
        %unpack3A = tpu.unpack_subelements %bitcast3A, 0 {pack_format = #tpu.pack_format<interleaved>} : vector<32xbf16> -> vector<16xf32>
        %unpack3A_992 = tpu.unpack_subelements %bitcast3A, 1 {pack_format = #tpu.pack_format<interleaved>} : vector<32xbf16> -> vector<16xf32>
        %unpack3A_993 = tpu.unpack_subelements %bitcast3A_991, 0 {pack_format = #tpu.pack_format<interleaved>} : vector<32xbf16> -> vector<16xf32>
        %unpack3A_994 = tpu.unpack_subelements %bitcast3A_991, 1 {pack_format = #tpu.pack_format<interleaved>} : vector<32xbf16> -> vector<16xf32>
        %add3A_995 = arith.addf %scan3A_968, %unpack3A : vector<16xf32>
        %add3A_996 = arith.addf %scan3A_969, %unpack3A_992 : vector<16xf32>
        %add3A_997 = arith.addf %scan3A_970, %unpack3A_993 : vector<16xf32>
        %add3A_998 = arith.addf %scan3A_971, %unpack3A_994 : vector<16xf32>
        %add3A_999 = arith.constant 1 : i32
        %add3A_1000 = arith.addi %mul3A_973, %add3A_999 : i32
        %get3A_1001 = arith.constant 0 : i32
        %get3A_1002 = arith.constant 3 : i32
        %get3A_1003 = arith.index_cast %get3A_1001 : i32 to index
        %get3A_1004 = arith.index_cast %get3A_1002 : i32 to index
        %get3A_1005 = arith.index_cast %add3A_1000 : i32 to index
        %get3A_1006 = arith.constant 0 : index
        %get3A_1007 = tpu.vector_load %arg6[%get3A_1003, %get3A_1004, %get3A_1005, %get3A_1006] {strides = array<i32>} : memref<2x8x50x32xi32, #tpu.memory_space<vmem>>, vector<16xi32>,
        %bitcast3A_1008 = vector.bitcast %get3A_1007 : vector<16xi32> to vector<32xbf16>
        %add3A_1009 = arith.constant 1 : i32
        %add3A_1010 = arith.addi %mul3A_973, %add3A_1009 : i32
        %get3A_1011 = arith.constant 0 : i32
        %get3A_1012 = arith.constant 3 : i32
        %get3A_1013 = arith.index_cast %get3A_1011 : i32 to index
        %get3A_1014 = arith.index_cast %get3A_1012 : i32 to index
        %get3A_1015 = arith.index_cast %add3A_1010 : i32 to index
        %get3A_1016 = arith.constant 16 : index
        %get3A_1017 = tpu.vector_load %arg6[%get3A_1013, %get3A_1014, %get3A_1015, %get3A_1016] {strides = array<i32>} : memref<2x8x50x32xi32, #tpu.memory_space<vmem>>, vector<16xi32>,
        %bitcast3A_1018 = vector.bitcast %get3A_1017 : vector<16xi32> to vector<32xbf16>
        %unpack3A_1019 = tpu.unpack_subelements %bitcast3A_1008, 0 {pack_format = #tpu.pack_format<interleaved>} : vector<32xbf16> -> vector<16xf32>
        %unpack3A_1020 = tpu.unpack_subelements %bitcast3A_1008, 1 {pack_format = #tpu.pack_format<interleaved>} : vector<32xbf16> -> vector<16xf32>
        %unpack3A_1021 = tpu.unpack_subelements %bitcast3A_1018, 0 {pack_format = #tpu.pack_format<interleaved>} : vector<32xbf16> -> vector<16xf32>
        %unpack3A_1022 = tpu.unpack_subelements %bitcast3A_1018, 1 {pack_format = #tpu.pack_format<interleaved>} : vector<32xbf16> -> vector<16xf32>
        %add3A_1023 = arith.addf %add3A_995, %unpack3A_1019 : vector<16xf32>
        %add3A_1024 = arith.addf %add3A_996, %unpack3A_1020 : vector<16xf32>
        %add3A_1025 = arith.addf %add3A_997, %unpack3A_1021 : vector<16xf32>
        %add3A_1026 = arith.addf %add3A_998, %unpack3A_1022 : vector<16xf32>
        scf.yield %add3A_1023, %add3A_1024, %add3A_1025, %add3A_1026 : vector<16xf32>, vector<16xf32>, vector<16xf32>, vector<16xf32>
      }
      %scan3A_382 = arith.constant 25 : i32
      %swap3A_383 = arith.constant 0 : i32
      %swap3A_384 = arith.constant 3 : i32
      %swap3A_385 = arith.index_cast %swap3A_383 : i32 to index
      %swap3A_386 = arith.index_cast %swap3A_384 : i32 to index
      %swap3A_387 = arith.constant 0 : index
      %swap3A_388 = tpu.vector_load %arg7[%swap3A_385, %swap3A_386, %swap3A_387] {strides = array<i32>} : memref<2x8x64xf32, #tpu.memory_space<vmem>>, vector<16xf32>,
      tpu.vector_store %arg7[%swap3A_385, %swap3A_386, %swap3A_387], %scan3A_381#0 {strides = array<i32>} : memref<2x8x64xf32, #tpu.memory_space<vmem>>, vector<16xf32>,
      %swap3A_389 = arith.constant 0 : i32
      %swap3A_390 = arith.constant 3 : i32
      %swap3A_391 = arith.index_cast %swap3A_389 : i32 to index
      %swap3A_392 = arith.index_cast %swap3A_390 : i32 to index
      %swap3A_393 = arith.constant 16 : index
      %swap3A_394 = tpu.vector_load %arg7[%swap3A_391, %swap3A_392, %swap3A_393] {strides = array<i32>} : memref<2x8x64xf32, #tpu.memory_space<vmem>>, vector<16xf32>,
      tpu.vector_store %arg7[%swap3A_391, %swap3A_392, %swap3A_393], %scan3A_381#1 {strides = array<i32>} : memref<2x8x64xf32, #tpu.memory_space<vmem>>, vector<16xf32>,
      %swap3A_395 = arith.constant 0 : i32
      %swap3A_396 = arith.constant 3 : i32
      %swap3A_397 = arith.index_cast %swap3A_395 : i32 to index
      %swap3A_398 = arith.index_cast %swap3A_396 : i32 to index
      %swap3A_399 = arith.constant 32 : index
      %swap3A_400 = tpu.vector_load %arg7[%swap3A_397, %swap3A_398, %swap3A_399] {strides = array<i32>} : memref<2x8x64xf32, #tpu.memory_space<vmem>>, vector<16xf32>,
      tpu.vector_store %arg7[%swap3A_397, %swap3A_398, %swap3A_399], %scan3A_381#2 {strides = array<i32>} : memref<2x8x64xf32, #tpu.memory_space<vmem>>, vector<16xf32>,
      %swap3A_401 = arith.constant 0 : i32
      %swap3A_402 = arith.constant 3 : i32
      %swap3A_403 = arith.index_cast %swap3A_401 : i32 to index
      %swap3A_404 = arith.index_cast %swap3A_402 : i32 to index
      %swap3A_405 = arith.constant 48 : index
      %swap3A_406 = tpu.vector_load %arg7[%swap3A_403, %swap3A_404, %swap3A_405] {strides = array<i32>} : memref<2x8x64xf32, #tpu.memory_space<vmem>>, vector<16xf32>,
      tpu.vector_store %arg7[%swap3A_403, %swap3A_404, %swap3A_405], %scan3A_381#3 {strides = array<i32>} : memref<2x8x64xf32, #tpu.memory_space<vmem>>, vector<16xf32>,
      %broadcast_in_dim3A_407 = arith.constant 0.000000e+00 : f32
      %broadcast_in_dim3A_408 = vector.broadcast %broadcast_in_dim3A_407 : f32 to vector<16xf32>
      %scan3A_409 = arith.constant 0 : i32
      %scan3A_410 = arith.constant 25 : i32
      %scan3A_411 = arith.addi %scan3A_409, %scan3A_410 : i32
      %scan3A_412 = arith.constant 1 : i32
      %scan3A_413:4 = scf.for %scan3A_967 = %scan3A_409 to %scan3A_411 step %scan3A_412 iter_args(%scan3A_968 = %broadcast_in_dim3A_408, %scan3A_969 = %broadcast_in_dim3A_408, %scan3A_970 = %broadcast_in_dim3A_408, %scan3A_971 = %broadcast_in_dim3A_408) -> (vector<16xf32>, vector<16xf32>, vector<16xf32>, vector<16xf32>)  : i32 {
        %mul3A_972 = arith.constant 2 : i32
        %mul3A_973 = arith.muli %scan3A_967, %mul3A_972 : i32
        %add3A_974 = arith.constant 0 : i32
        %add3A_975 = arith.addi %mul3A_973, %add3A_974 : i32
        %get3A = arith.constant 0 : i32
        %get3A_976 = arith.constant 4 : i32
        %get3A_977 = arith.index_cast %get3A : i32 to index
        %get3A_978 = arith.index_cast %get3A_976 : i32 to index
        %get3A_979 = arith.index_cast %add3A_975 : i32 to index
        %get3A_980 = arith.constant 0 : index
        %get3A_981 = tpu.vector_load %arg6[%get3A_977, %get3A_978, %get3A_979, %get3A_980] {strides = array<i32>} : memref<2x8x50x32xi32, #tpu.memory_space<vmem>>, vector<16xi32>,
        %bitcast3A = vector.bitcast %get3A_981 : vector<16xi32> to vector<32xbf16>
        %add3A_982 = arith.constant 0 : i32
        %add3A_983 = arith.addi %mul3A_973, %add3A_982 : i32
        %get3A_984 = arith.constant 0 : i32
        %get3A_985 = arith.constant 4 : i32
        %get3A_986 = arith.index_cast %get3A_984 : i32 to index
        %get3A_987 = arith.index_cast %get3A_985 : i32 to index
        %get3A_988 = arith.index_cast %add3A_983 : i32 to index
        %get3A_989 = arith.constant 16 : index
        %get3A_990 = tpu.vector_load %arg6[%get3A_986, %get3A_987, %get3A_988, %get3A_989] {strides = array<i32>} : memref<2x8x50x32xi32, #tpu.memory_space<vmem>>, vector<16xi32>,
        %bitcast3A_991 = vector.bitcast %get3A_990 : vector<16xi32> to vector<32xbf16>
        %unpack3A = tpu.unpack_subelements %bitcast3A, 0 {pack_format = #tpu.pack_format<interleaved>} : vector<32xbf16> -> vector<16xf32>
        %unpack3A_992 = tpu.unpack_subelements %bitcast3A, 1 {pack_format = #tpu.pack_format<interleaved>} : vector<32xbf16> -> vector<16xf32>
        %unpack3A_993 = tpu.unpack_subelements %bitcast3A_991, 0 {pack_format = #tpu.pack_format<interleaved>} : vector<32xbf16> -> vector<16xf32>
        %unpack3A_994 = tpu.unpack_subelements %bitcast3A_991, 1 {pack_format = #tpu.pack_format<interleaved>} : vector<32xbf16> -> vector<16xf32>
        %add3A_995 = arith.addf %scan3A_968, %unpack3A : vector<16xf32>
        %add3A_996 = arith.addf %scan3A_969, %unpack3A_992 : vector<16xf32>
        %add3A_997 = arith.addf %scan3A_970, %unpack3A_993 : vector<16xf32>
        %add3A_998 = arith.addf %scan3A_971, %unpack3A_994 : vector<16xf32>
        %add3A_999 = arith.constant 1 : i32
        %add3A_1000 = arith.addi %mul3A_973, %add3A_999 : i32
        %get3A_1001 = arith.constant 0 : i32
        %get3A_1002 = arith.constant 4 : i32
        %get3A_1003 = arith.index_cast %get3A_1001 : i32 to index
        %get3A_1004 = arith.index_cast %get3A_1002 : i32 to index
        %get3A_1005 = arith.index_cast %add3A_1000 : i32 to index
        %get3A_1006 = arith.constant 0 : index
        %get3A_1007 = tpu.vector_load %arg6[%get3A_1003, %get3A_1004, %get3A_1005, %get3A_1006] {strides = array<i32>} : memref<2x8x50x32xi32, #tpu.memory_space<vmem>>, vector<16xi32>,
        %bitcast3A_1008 = vector.bitcast %get3A_1007 : vector<16xi32> to vector<32xbf16>
        %add3A_1009 = arith.constant 1 : i32
        %add3A_1010 = arith.addi %mul3A_973, %add3A_1009 : i32
        %get3A_1011 = arith.constant 0 : i32
        %get3A_1012 = arith.constant 4 : i32
        %get3A_1013 = arith.index_cast %get3A_1011 : i32 to index
        %get3A_1014 = arith.index_cast %get3A_1012 : i32 to index
        %get3A_1015 = arith.index_cast %add3A_1010 : i32 to index
        %get3A_1016 = arith.constant 16 : index
        %get3A_1017 = tpu.vector_load %arg6[%get3A_1013, %get3A_1014, %get3A_1015, %get3A_1016] {strides = array<i32>} : memref<2x8x50x32xi32, #tpu.memory_space<vmem>>, vector<16xi32>,
        %bitcast3A_1018 = vector.bitcast %get3A_1017 : vector<16xi32> to vector<32xbf16>
        %unpack3A_1019 = tpu.unpack_subelements %bitcast3A_1008, 0 {pack_format = #tpu.pack_format<interleaved>} : vector<32xbf16> -> vector<16xf32>
        %unpack3A_1020 = tpu.unpack_subelements %bitcast3A_1008, 1 {pack_format = #tpu.pack_format<interleaved>} : vector<32xbf16> -> vector<16xf32>
        %unpack3A_1021 = tpu.unpack_subelements %bitcast3A_1018, 0 {pack_format = #tpu.pack_format<interleaved>} : vector<32xbf16> -> vector<16xf32>
        %unpack3A_1022 = tpu.unpack_subelements %bitcast3A_1018, 1 {pack_format = #tpu.pack_format<interleaved>} : vector<32xbf16> -> vector<16xf32>
        %add3A_1023 = arith.addf %add3A_995, %unpack3A_1019 : vector<16xf32>
        %add3A_1024 = arith.addf %add3A_996, %unpack3A_1020 : vector<16xf32>
        %add3A_1025 = arith.addf %add3A_997, %unpack3A_1021 : vector<16xf32>
        %add3A_1026 = arith.addf %add3A_998, %unpack3A_1022 : vector<16xf32>
        scf.yield %add3A_1023, %add3A_1024, %add3A_1025, %add3A_1026 : vector<16xf32>, vector<16xf32>, vector<16xf32>, vector<16xf32>
      }
      %scan3A_414 = arith.constant 25 : i32
      %swap3A_415 = arith.constant 0 : i32
      %swap3A_416 = arith.constant 4 : i32
      %swap3A_417 = arith.index_cast %swap3A_415 : i32 to index
      %swap3A_418 = arith.index_cast %swap3A_416 : i32 to index
      %swap3A_419 = arith.constant 0 : index
      %swap3A_420 = tpu.vector_load %arg7[%swap3A_417, %swap3A_418, %swap3A_419] {strides = array<i32>} : memref<2x8x64xf32, #tpu.memory_space<vmem>>, vector<16xf32>,
      tpu.vector_store %arg7[%swap3A_417, %swap3A_418, %swap3A_419], %scan3A_413#0 {strides = array<i32>} : memref<2x8x64xf32, #tpu.memory_space<vmem>>, vector<16xf32>,
      %swap3A_421 = arith.constant 0 : i32
      %swap3A_422 = arith.constant 4 : i32
      %swap3A_423 = arith.index_cast %swap3A_421 : i32 to index
      %swap3A_424 = arith.index_cast %swap3A_422 : i32 to index
      %swap3A_425 = arith.constant 16 : index
      %swap3A_426 = tpu.vector_load %arg7[%swap3A_423, %swap3A_424, %swap3A_425] {strides = array<i32>} : memref<2x8x64xf32, #tpu.memory_space<vmem>>, vector<16xf32>,
      tpu.vector_store %arg7[%swap3A_423, %swap3A_424, %swap3A_425], %scan3A_413#1 {strides = array<i32>} : memref<2x8x64xf32, #tpu.memory_space<vmem>>, vector<16xf32>,
      %swap3A_427 = arith.constant 0 : i32
      %swap3A_428 = arith.constant 4 : i32
      %swap3A_429 = arith.index_cast %swap3A_427 : i32 to index
      %swap3A_430 = arith.index_cast %swap3A_428 : i32 to index
      %swap3A_431 = arith.constant 32 : index
      %swap3A_432 = tpu.vector_load %arg7[%swap3A_429, %swap3A_430, %swap3A_431] {strides = array<i32>} : memref<2x8x64xf32, #tpu.memory_space<vmem>>, vector<16xf32>,
      tpu.vector_store %arg7[%swap3A_429, %swap3A_430, %swap3A_431], %scan3A_413#2 {strides = array<i32>} : memref<2x8x64xf32, #tpu.memory_space<vmem>>, vector<16xf32>,
      %swap3A_433 = arith.constant 0 : i32
      %swap3A_434 = arith.constant 4 : i32
      %swap3A_435 = arith.index_cast %swap3A_433 : i32 to index
      %swap3A_436 = arith.index_cast %swap3A_434 : i32 to index
      %swap3A_437 = arith.constant 48 : index
      %swap3A_438 = tpu.vector_load %arg7[%swap3A_435, %swap3A_436, %swap3A_437] {strides = array<i32>} : memref<2x8x64xf32, #tpu.memory_space<vmem>>, vector<16xf32>,
      tpu.vector_store %arg7[%swap3A_435, %swap3A_436, %swap3A_437], %scan3A_413#3 {strides = array<i32>} : memref<2x8x64xf32, #tpu.memory_space<vmem>>, vector<16xf32>,
      %broadcast_in_dim3A_439 = arith.constant 0.000000e+00 : f32
      %broadcast_in_dim3A_440 = vector.broadcast %broadcast_in_dim3A_439 : f32 to vector<16xf32>
      %scan3A_441 = arith.constant 0 : i32
      %scan3A_442 = arith.constant 25 : i32
      %scan3A_443 = arith.addi %scan3A_441, %scan3A_442 : i32
      %scan3A_444 = arith.constant 1 : i32
      %scan3A_445:4 = scf.for %scan3A_967 = %scan3A_441 to %scan3A_443 step %scan3A_444 iter_args(%scan3A_968 = %broadcast_in_dim3A_440, %scan3A_969 = %broadcast_in_dim3A_440, %scan3A_970 = %broadcast_in_dim3A_440, %scan3A_971 = %broadcast_in_dim3A_440) -> (vector<16xf32>, vector<16xf32>, vector<16xf32>, vector<16xf32>)  : i32 {
        %mul3A_972 = arith.constant 2 : i32
        %mul3A_973 = arith.muli %scan3A_967, %mul3A_972 : i32
        %add3A_974 = arith.constant 0 : i32
        %add3A_975 = arith.addi %mul3A_973, %add3A_974 : i32
        %get3A = arith.constant 0 : i32
        %get3A_976 = arith.constant 5 : i32
        %get3A_977 = arith.index_cast %get3A : i32 to index
        %get3A_978 = arith.index_cast %get3A_976 : i32 to index
        %get3A_979 = arith.index_cast %add3A_975 : i32 to index
        %get3A_980 = arith.constant 0 : index
        %get3A_981 = tpu.vector_load %arg6[%get3A_977, %get3A_978, %get3A_979, %get3A_980] {strides = array<i32>} : memref<2x8x50x32xi32, #tpu.memory_space<vmem>>, vector<16xi32>,
        %bitcast3A = vector.bitcast %get3A_981 : vector<16xi32> to vector<32xbf16>
        %add3A_982 = arith.constant 0 : i32
        %add3A_983 = arith.addi %mul3A_973, %add3A_982 : i32
        %get3A_984 = arith.constant 0 : i32
        %get3A_985 = arith.constant 5 : i32
        %get3A_986 = arith.index_cast %get3A_984 : i32 to index
        %get3A_987 = arith.index_cast %get3A_985 : i32 to index
        %get3A_988 = arith.index_cast %add3A_983 : i32 to index
        %get3A_989 = arith.constant 16 : index
        %get3A_990 = tpu.vector_load %arg6[%get3A_986, %get3A_987, %get3A_988, %get3A_989] {strides = array<i32>} : memref<2x8x50x32xi32, #tpu.memory_space<vmem>>, vector<16xi32>,
        %bitcast3A_991 = vector.bitcast %get3A_990 : vector<16xi32> to vector<32xbf16>
        %unpack3A = tpu.unpack_subelements %bitcast3A, 0 {pack_format = #tpu.pack_format<interleaved>} : vector<32xbf16> -> vector<16xf32>
        %unpack3A_992 = tpu.unpack_subelements %bitcast3A, 1 {pack_format = #tpu.pack_format<interleaved>} : vector<32xbf16> -> vector<16xf32>
        %unpack3A_993 = tpu.unpack_subelements %bitcast3A_991, 0 {pack_format = #tpu.pack_format<interleaved>} : vector<32xbf16> -> vector<16xf32>
        %unpack3A_994 = tpu.unpack_subelements %bitcast3A_991, 1 {pack_format = #tpu.pack_format<interleaved>} : vector<32xbf16> -> vector<16xf32>
        %add3A_995 = arith.addf %scan3A_968, %unpack3A : vector<16xf32>
        %add3A_996 = arith.addf %scan3A_969, %unpack3A_992 : vector<16xf32>
        %add3A_997 = arith.addf %scan3A_970, %unpack3A_993 : vector<16xf32>
        %add3A_998 = arith.addf %scan3A_971, %unpack3A_994 : vector<16xf32>
        %add3A_999 = arith.constant 1 : i32
        %add3A_1000 = arith.addi %mul3A_973, %add3A_999 : i32
        %get3A_1001 = arith.constant 0 : i32
        %get3A_1002 = arith.constant 5 : i32
        %get3A_1003 = arith.index_cast %get3A_1001 : i32 to index
        %get3A_1004 = arith.index_cast %get3A_1002 : i32 to index
        %get3A_1005 = arith.index_cast %add3A_1000 : i32 to index
        %get3A_1006 = arith.constant 0 : index
        %get3A_1007 = tpu.vector_load %arg6[%get3A_1003, %get3A_1004, %get3A_1005, %get3A_1006] {strides = array<i32>} : memref<2x8x50x32xi32, #tpu.memory_space<vmem>>, vector<16xi32>,
        %bitcast3A_1008 = vector.bitcast %get3A_1007 : vector<16xi32> to vector<32xbf16>
        %add3A_1009 = arith.constant 1 : i32
        %add3A_1010 = arith.addi %mul3A_973, %add3A_1009 : i32
        %get3A_1011 = arith.constant 0 : i32
        %get3A_1012 = arith.constant 5 : i32
        %get3A_1013 = arith.index_cast %get3A_1011 : i32 to index
        %get3A_1014 = arith.index_cast %get3A_1012 : i32 to index
        %get3A_1015 = arith.index_cast %add3A_1010 : i32 to index
        %get3A_1016 = arith.constant 16 : index
        %get3A_1017 = tpu.vector_load %arg6[%get3A_1013, %get3A_1014, %get3A_1015, %get3A_1016] {strides = array<i32>} : memref<2x8x50x32xi32, #tpu.memory_space<vmem>>, vector<16xi32>,
        %bitcast3A_1018 = vector.bitcast %get3A_1017 : vector<16xi32> to vector<32xbf16>
        %unpack3A_1019 = tpu.unpack_subelements %bitcast3A_1008, 0 {pack_format = #tpu.pack_format<interleaved>} : vector<32xbf16> -> vector<16xf32>
        %unpack3A_1020 = tpu.unpack_subelements %bitcast3A_1008, 1 {pack_format = #tpu.pack_format<interleaved>} : vector<32xbf16> -> vector<16xf32>
        %unpack3A_1021 = tpu.unpack_subelements %bitcast3A_1018, 0 {pack_format = #tpu.pack_format<interleaved>} : vector<32xbf16> -> vector<16xf32>
        %unpack3A_1022 = tpu.unpack_subelements %bitcast3A_1018, 1 {pack_format = #tpu.pack_format<interleaved>} : vector<32xbf16> -> vector<16xf32>
        %add3A_1023 = arith.addf %add3A_995, %unpack3A_1019 : vector<16xf32>
        %add3A_1024 = arith.addf %add3A_996, %unpack3A_1020 : vector<16xf32>
        %add3A_1025 = arith.addf %add3A_997, %unpack3A_1021 : vector<16xf32>
        %add3A_1026 = arith.addf %add3A_998, %unpack3A_1022 : vector<16xf32>
        scf.yield %add3A_1023, %add3A_1024, %add3A_1025, %add3A_1026 : vector<16xf32>, vector<16xf32>, vector<16xf32>, vector<16xf32>
      }
      %scan3A_446 = arith.constant 25 : i32
      %swap3A_447 = arith.constant 0 : i32
      %swap3A_448 = arith.constant 5 : i32
      %swap3A_449 = arith.index_cast %swap3A_447 : i32 to index
      %swap3A_450 = arith.index_cast %swap3A_448 : i32 to index
      %swap3A_451 = arith.constant 0 : index
      %swap3A_452 = tpu.vector_load %arg7[%swap3A_449, %swap3A_450, %swap3A_451] {strides = array<i32>} : memref<2x8x64xf32, #tpu.memory_space<vmem>>, vector<16xf32>,
      tpu.vector_store %arg7[%swap3A_449, %swap3A_450, %swap3A_451], %scan3A_445#0 {strides = array<i32>} : memref<2x8x64xf32, #tpu.memory_space<vmem>>, vector<16xf32>,
      %swap3A_453 = arith.constant 0 : i32
      %swap3A_454 = arith.constant 5 : i32
      %swap3A_455 = arith.index_cast %swap3A_453 : i32 to index
      %swap3A_456 = arith.index_cast %swap3A_454 : i32 to index
      %swap3A_457 = arith.constant 16 : index
      %swap3A_458 = tpu.vector_load %arg7[%swap3A_455, %swap3A_456, %swap3A_457] {strides = array<i32>} : memref<2x8x64xf32, #tpu.memory_space<vmem>>, vector<16xf32>,
      tpu.vector_store %arg7[%swap3A_455, %swap3A_456, %swap3A_457], %scan3A_445#1 {strides = array<i32>} : memref<2x8x64xf32, #tpu.memory_space<vmem>>, vector<16xf32>,
      %swap3A_459 = arith.constant 0 : i32
      %swap3A_460 = arith.constant 5 : i32
      %swap3A_461 = arith.index_cast %swap3A_459 : i32 to index
      %swap3A_462 = arith.index_cast %swap3A_460 : i32 to index
      %swap3A_463 = arith.constant 32 : index
      %swap3A_464 = tpu.vector_load %arg7[%swap3A_461, %swap3A_462, %swap3A_463] {strides = array<i32>} : memref<2x8x64xf32, #tpu.memory_space<vmem>>, vector<16xf32>,
      tpu.vector_store %arg7[%swap3A_461, %swap3A_462, %swap3A_463], %scan3A_445#2 {strides = array<i32>} : memref<2x8x64xf32, #tpu.memory_space<vmem>>, vector<16xf32>,
      %swap3A_465 = arith.constant 0 : i32
      %swap3A_466 = arith.constant 5 : i32
      %swap3A_467 = arith.index_cast %swap3A_465 : i32 to index
      %swap3A_468 = arith.index_cast %swap3A_466 : i32 to index
      %swap3A_469 = arith.constant 48 : index
      %swap3A_470 = tpu.vector_load %arg7[%swap3A_467, %swap3A_468, %swap3A_469] {strides = array<i32>} : memref<2x8x64xf32, #tpu.memory_space<vmem>>, vector<16xf32>,
      tpu.vector_store %arg7[%swap3A_467, %swap3A_468, %swap3A_469], %scan3A_445#3 {strides = array<i32>} : memref<2x8x64xf32, #tpu.memory_space<vmem>>, vector<16xf32>,
      %broadcast_in_dim3A_471 = arith.constant 0.000000e+00 : f32
      %broadcast_in_dim3A_472 = vector.broadcast %broadcast_in_dim3A_471 : f32 to vector<16xf32>
      %scan3A_473 = arith.constant 0 : i32
      %scan3A_474 = arith.constant 25 : i32
      %scan3A_475 = arith.addi %scan3A_473, %scan3A_474 : i32
      %scan3A_476 = arith.constant 1 : i32
      %scan3A_477:4 = scf.for %scan3A_967 = %scan3A_473 to %scan3A_475 step %scan3A_476 iter_args(%scan3A_968 = %broadcast_in_dim3A_472, %scan3A_969 = %broadcast_in_dim3A_472, %scan3A_970 = %broadcast_in_dim3A_472, %scan3A_971 = %broadcast_in_dim3A_472) -> (vector<16xf32>, vector<16xf32>, vector<16xf32>, vector<16xf32>)  : i32 {
        %mul3A_972 = arith.constant 2 : i32
        %mul3A_973 = arith.muli %scan3A_967, %mul3A_972 : i32
        %add3A_974 = arith.constant 0 : i32
        %add3A_975 = arith.addi %mul3A_973, %add3A_974 : i32
        %get3A = arith.constant 0 : i32
        %get3A_976 = arith.constant 6 : i32
        %get3A_977 = arith.index_cast %get3A : i32 to index
        %get3A_978 = arith.index_cast %get3A_976 : i32 to index
        %get3A_979 = arith.index_cast %add3A_975 : i32 to index
        %get3A_980 = arith.constant 0 : index
        %get3A_981 = tpu.vector_load %arg6[%get3A_977, %get3A_978, %get3A_979, %get3A_980] {strides = array<i32>} : memref<2x8x50x32xi32, #tpu.memory_space<vmem>>, vector<16xi32>,
        %bitcast3A = vector.bitcast %get3A_981 : vector<16xi32> to vector<32xbf16>
        %add3A_982 = arith.constant 0 : i32
        %add3A_983 = arith.addi %mul3A_973, %add3A_982 : i32
        %get3A_984 = arith.constant 0 : i32
        %get3A_985 = arith.constant 6 : i32
        %get3A_986 = arith.index_cast %get3A_984 : i32 to index
        %get3A_987 = arith.index_cast %get3A_985 : i32 to index
        %get3A_988 = arith.index_cast %add3A_983 : i32 to index
        %get3A_989 = arith.constant 16 : index
        %get3A_990 = tpu.vector_load %arg6[%get3A_986, %get3A_987, %get3A_988, %get3A_989] {strides = array<i32>} : memref<2x8x50x32xi32, #tpu.memory_space<vmem>>, vector<16xi32>,
        %bitcast3A_991 = vector.bitcast %get3A_990 : vector<16xi32> to vector<32xbf16>
        %unpack3A = tpu.unpack_subelements %bitcast3A, 0 {pack_format = #tpu.pack_format<interleaved>} : vector<32xbf16> -> vector<16xf32>
        %unpack3A_992 = tpu.unpack_subelements %bitcast3A, 1 {pack_format = #tpu.pack_format<interleaved>} : vector<32xbf16> -> vector<16xf32>
        %unpack3A_993 = tpu.unpack_subelements %bitcast3A_991, 0 {pack_format = #tpu.pack_format<interleaved>} : vector<32xbf16> -> vector<16xf32>
        %unpack3A_994 = tpu.unpack_subelements %bitcast3A_991, 1 {pack_format = #tpu.pack_format<interleaved>} : vector<32xbf16> -> vector<16xf32>
        %add3A_995 = arith.addf %scan3A_968, %unpack3A : vector<16xf32>
        %add3A_996 = arith.addf %scan3A_969, %unpack3A_992 : vector<16xf32>
        %add3A_997 = arith.addf %scan3A_970, %unpack3A_993 : vector<16xf32>
        %add3A_998 = arith.addf %scan3A_971, %unpack3A_994 : vector<16xf32>
        %add3A_999 = arith.constant 1 : i32
        %add3A_1000 = arith.addi %mul3A_973, %add3A_999 : i32
        %get3A_1001 = arith.constant 0 : i32
        %get3A_1002 = arith.constant 6 : i32
        %get3A_1003 = arith.index_cast %get3A_1001 : i32 to index
        %get3A_1004 = arith.index_cast %get3A_1002 : i32 to index
        %get3A_1005 = arith.index_cast %add3A_1000 : i32 to index
        %get3A_1006 = arith.constant 0 : index
        %get3A_1007 = tpu.vector_load %arg6[%get3A_1003, %get3A_1004, %get3A_1005, %get3A_1006] {strides = array<i32>} : memref<2x8x50x32xi32, #tpu.memory_space<vmem>>, vector<16xi32>,
        %bitcast3A_1008 = vector.bitcast %get3A_1007 : vector<16xi32> to vector<32xbf16>
        %add3A_1009 = arith.constant 1 : i32
        %add3A_1010 = arith.addi %mul3A_973, %add3A_1009 : i32
        %get3A_1011 = arith.constant 0 : i32
        %get3A_1012 = arith.constant 6 : i32
        %get3A_1013 = arith.index_cast %get3A_1011 : i32 to index
        %get3A_1014 = arith.index_cast %get3A_1012 : i32 to index
        %get3A_1015 = arith.index_cast %add3A_1010 : i32 to index
        %get3A_1016 = arith.constant 16 : index
        %get3A_1017 = tpu.vector_load %arg6[%get3A_1013, %get3A_1014, %get3A_1015, %get3A_1016] {strides = array<i32>} : memref<2x8x50x32xi32, #tpu.memory_space<vmem>>, vector<16xi32>,
        %bitcast3A_1018 = vector.bitcast %get3A_1017 : vector<16xi32> to vector<32xbf16>
        %unpack3A_1019 = tpu.unpack_subelements %bitcast3A_1008, 0 {pack_format = #tpu.pack_format<interleaved>} : vector<32xbf16> -> vector<16xf32>
        %unpack3A_1020 = tpu.unpack_subelements %bitcast3A_1008, 1 {pack_format = #tpu.pack_format<interleaved>} : vector<32xbf16> -> vector<16xf32>
        %unpack3A_1021 = tpu.unpack_subelements %bitcast3A_1018, 0 {pack_format = #tpu.pack_format<interleaved>} : vector<32xbf16> -> vector<16xf32>
        %unpack3A_1022 = tpu.unpack_subelements %bitcast3A_1018, 1 {pack_format = #tpu.pack_format<interleaved>} : vector<32xbf16> -> vector<16xf32>
        %add3A_1023 = arith.addf %add3A_995, %unpack3A_1019 : vector<16xf32>
        %add3A_1024 = arith.addf %add3A_996, %unpack3A_1020 : vector<16xf32>
        %add3A_1025 = arith.addf %add3A_997, %unpack3A_1021 : vector<16xf32>
        %add3A_1026 = arith.addf %add3A_998, %unpack3A_1022 : vector<16xf32>
        scf.yield %add3A_1023, %add3A_1024, %add3A_1025, %add3A_1026 : vector<16xf32>, vector<16xf32>, vector<16xf32>, vector<16xf32>
      }
      %scan3A_478 = arith.constant 25 : i32
      %swap3A_479 = arith.constant 0 : i32
      %swap3A_480 = arith.constant 6 : i32
      %swap3A_481 = arith.index_cast %swap3A_479 : i32 to index
      %swap3A_482 = arith.index_cast %swap3A_480 : i32 to index
      %swap3A_483 = arith.constant 0 : index
      %swap3A_484 = tpu.vector_load %arg7[%swap3A_481, %swap3A_482, %swap3A_483] {strides = array<i32>} : memref<2x8x64xf32, #tpu.memory_space<vmem>>, vector<16xf32>,
      tpu.vector_store %arg7[%swap3A_481, %swap3A_482, %swap3A_483], %scan3A_477#0 {strides = array<i32>} : memref<2x8x64xf32, #tpu.memory_space<vmem>>, vector<16xf32>,
      %swap3A_485 = arith.constant 0 : i32
      %swap3A_486 = arith.constant 6 : i32
      %swap3A_487 = arith.index_cast %swap3A_485 : i32 to index
      %swap3A_488 = arith.index_cast %swap3A_486 : i32 to index
      %swap3A_489 = arith.constant 16 : index
      %swap3A_490 = tpu.vector_load %arg7[%swap3A_487, %swap3A_488, %swap3A_489] {strides = array<i32>} : memref<2x8x64xf32, #tpu.memory_space<vmem>>, vector<16xf32>,
      tpu.vector_store %arg7[%swap3A_487, %swap3A_488, %swap3A_489], %scan3A_477#1 {strides = array<i32>} : memref<2x8x64xf32, #tpu.memory_space<vmem>>, vector<16xf32>,
      %swap3A_491 = arith.constant 0 : i32
      %swap3A_492 = arith.constant 6 : i32
      %swap3A_493 = arith.index_cast %swap3A_491 : i32 to index
      %swap3A_494 = arith.index_cast %swap3A_492 : i32 to index
      %swap3A_495 = arith.constant 32 : index
      %swap3A_496 = tpu.vector_load %arg7[%swap3A_493, %swap3A_494, %swap3A_495] {strides = array<i32>} : memref<2x8x64xf32, #tpu.memory_space<vmem>>, vector<16xf32>,
      tpu.vector_store %arg7[%swap3A_493, %swap3A_494, %swap3A_495], %scan3A_477#2 {strides = array<i32>} : memref<2x8x64xf32, #tpu.memory_space<vmem>>, vector<16xf32>,
      %swap3A_497 = arith.constant 0 : i32
      %swap3A_498 = arith.constant 6 : i32
      %swap3A_499 = arith.index_cast %swap3A_497 : i32 to index
      %swap3A_500 = arith.index_cast %swap3A_498 : i32 to index
      %swap3A_501 = arith.constant 48 : index
      %swap3A_502 = tpu.vector_load %arg7[%swap3A_499, %swap3A_500, %swap3A_501] {strides = array<i32>} : memref<2x8x64xf32, #tpu.memory_space<vmem>>, vector<16xf32>,
      tpu.vector_store %arg7[%swap3A_499, %swap3A_500, %swap3A_501], %scan3A_477#3 {strides = array<i32>} : memref<2x8x64xf32, #tpu.memory_space<vmem>>, vector<16xf32>,
      %broadcast_in_dim3A_503 = arith.constant 0.000000e+00 : f32
      %broadcast_in_dim3A_504 = vector.broadcast %broadcast_in_dim3A_503 : f32 to vector<16xf32>
      %scan3A_505 = arith.constant 0 : i32
      %scan3A_506 = arith.constant 25 : i32
      %scan3A_507 = arith.addi %scan3A_505, %scan3A_506 : i32
      %scan3A_508 = arith.constant 1 : i32
      %scan3A_509:4 = scf.for %scan3A_967 = %scan3A_505 to %scan3A_507 step %scan3A_508 iter_args(%scan3A_968 = %broadcast_in_dim3A_504, %scan3A_969 = %broadcast_in_dim3A_504, %scan3A_970 = %broadcast_in_dim3A_504, %scan3A_971 = %broadcast_in_dim3A_504) -> (vector<16xf32>, vector<16xf32>, vector<16xf32>, vector<16xf32>)  : i32 {
        %mul3A_972 = arith.constant 2 : i32
        %mul3A_973 = arith.muli %scan3A_967, %mul3A_972 : i32
        %add3A_974 = arith.constant 0 : i32
        %add3A_975 = arith.addi %mul3A_973, %add3A_974 : i32
        %get3A = arith.constant 0 : i32
        %get3A_976 = arith.constant 7 : i32
        %get3A_977 = arith.index_cast %get3A : i32 to index
        %get3A_978 = arith.index_cast %get3A_976 : i32 to index
        %get3A_979 = arith.index_cast %add3A_975 : i32 to index
        %get3A_980 = arith.constant 0 : index
        %get3A_981 = tpu.vector_load %arg6[%get3A_977, %get3A_978, %get3A_979, %get3A_980] {strides = array<i32>} : memref<2x8x50x32xi32, #tpu.memory_space<vmem>>, vector<16xi32>,
        %bitcast3A = vector.bitcast %get3A_981 : vector<16xi32> to vector<32xbf16>
        %add3A_982 = arith.constant 0 : i32
        %add3A_983 = arith.addi %mul3A_973, %add3A_982 : i32
        %get3A_984 = arith.constant 0 : i32
        %get3A_985 = arith.constant 7 : i32
        %get3A_986 = arith.index_cast %get3A_984 : i32 to index
        %get3A_987 = arith.index_cast %get3A_985 : i32 to index
        %get3A_988 = arith.index_cast %add3A_983 : i32 to index
        %get3A_989 = arith.constant 16 : index
        %get3A_990 = tpu.vector_load %arg6[%get3A_986, %get3A_987, %get3A_988, %get3A_989] {strides = array<i32>} : memref<2x8x50x32xi32, #tpu.memory_space<vmem>>, vector<16xi32>,
        %bitcast3A_991 = vector.bitcast %get3A_990 : vector<16xi32> to vector<32xbf16>
        %unpack3A = tpu.unpack_subelements %bitcast3A, 0 {pack_format = #tpu.pack_format<interleaved>} : vector<32xbf16> -> vector<16xf32>
        %unpack3A_992 = tpu.unpack_subelements %bitcast3A, 1 {pack_format = #tpu.pack_format<interleaved>} : vector<32xbf16> -> vector<16xf32>
        %unpack3A_993 = tpu.unpack_subelements %bitcast3A_991, 0 {pack_format = #tpu.pack_format<interleaved>} : vector<32xbf16> -> vector<16xf32>
        %unpack3A_994 = tpu.unpack_subelements %bitcast3A_991, 1 {pack_format = #tpu.pack_format<interleaved>} : vector<32xbf16> -> vector<16xf32>
        %add3A_995 = arith.addf %scan3A_968, %unpack3A : vector<16xf32>
        %add3A_996 = arith.addf %scan3A_969, %unpack3A_992 : vector<16xf32>
        %add3A_997 = arith.addf %scan3A_970, %unpack3A_993 : vector<16xf32>
        %add3A_998 = arith.addf %scan3A_971, %unpack3A_994 : vector<16xf32>
        %add3A_999 = arith.constant 1 : i32
        %add3A_1000 = arith.addi %mul3A_973, %add3A_999 : i32
        %get3A_1001 = arith.constant 0 : i32
        %get3A_1002 = arith.constant 7 : i32
        %get3A_1003 = arith.index_cast %get3A_1001 : i32 to index
        %get3A_1004 = arith.index_cast %get3A_1002 : i32 to index
        %get3A_1005 = arith.index_cast %add3A_1000 : i32 to index
        %get3A_1006 = arith.constant 0 : index
        %get3A_1007 = tpu.vector_load %arg6[%get3A_1003, %get3A_1004, %get3A_1005, %get3A_1006] {strides = array<i32>} : memref<2x8x50x32xi32, #tpu.memory_space<vmem>>, vector<16xi32>,
        %bitcast3A_1008 = vector.bitcast %get3A_1007 : vector<16xi32> to vector<32xbf16>
        %add3A_1009 = arith.constant 1 : i32
        %add3A_1010 = arith.addi %mul3A_973, %add3A_1009 : i32
        %get3A_1011 = arith.constant 0 : i32
        %get3A_1012 = arith.constant 7 : i32
        %get3A_1013 = arith.index_cast %get3A_1011 : i32 to index
        %get3A_1014 = arith.index_cast %get3A_1012 : i32 to index
        %get3A_1015 = arith.index_cast %add3A_1010 : i32 to index
        %get3A_1016 = arith.constant 16 : index
        %get3A_1017 = tpu.vector_load %arg6[%get3A_1013, %get3A_1014, %get3A_1015, %get3A_1016] {strides = array<i32>} : memref<2x8x50x32xi32, #tpu.memory_space<vmem>>, vector<16xi32>,
        %bitcast3A_1018 = vector.bitcast %get3A_1017 : vector<16xi32> to vector<32xbf16>
        %unpack3A_1019 = tpu.unpack_subelements %bitcast3A_1008, 0 {pack_format = #tpu.pack_format<interleaved>} : vector<32xbf16> -> vector<16xf32>
        %unpack3A_1020 = tpu.unpack_subelements %bitcast3A_1008, 1 {pack_format = #tpu.pack_format<interleaved>} : vector<32xbf16> -> vector<16xf32>
        %unpack3A_1021 = tpu.unpack_subelements %bitcast3A_1018, 0 {pack_format = #tpu.pack_format<interleaved>} : vector<32xbf16> -> vector<16xf32>
        %unpack3A_1022 = tpu.unpack_subelements %bitcast3A_1018, 1 {pack_format = #tpu.pack_format<interleaved>} : vector<32xbf16> -> vector<16xf32>
        %add3A_1023 = arith.addf %add3A_995, %unpack3A_1019 : vector<16xf32>
        %add3A_1024 = arith.addf %add3A_996, %unpack3A_1020 : vector<16xf32>
        %add3A_1025 = arith.addf %add3A_997, %unpack3A_1021 : vector<16xf32>
        %add3A_1026 = arith.addf %add3A_998, %unpack3A_1022 : vector<16xf32>
        scf.yield %add3A_1023, %add3A_1024, %add3A_1025, %add3A_1026 : vector<16xf32>, vector<16xf32>, vector<16xf32>, vector<16xf32>
      }
      %scan3A_510 = arith.constant 25 : i32
      %swap3A_511 = arith.constant 0 : i32
      %swap3A_512 = arith.constant 7 : i32
      %swap3A_513 = arith.index_cast %swap3A_511 : i32 to index
      %swap3A_514 = arith.index_cast %swap3A_512 : i32 to index
      %swap3A_515 = arith.constant 0 : index
      %swap3A_516 = tpu.vector_load %arg7[%swap3A_513, %swap3A_514, %swap3A_515] {strides = array<i32>} : memref<2x8x64xf32, #tpu.memory_space<vmem>>, vector<16xf32>,
      tpu.vector_store %arg7[%swap3A_513, %swap3A_514, %swap3A_515], %scan3A_509#0 {strides = array<i32>} : memref<2x8x64xf32, #tpu.memory_space<vmem>>, vector<16xf32>,
      %swap3A_517 = arith.constant 0 : i32
      %swap3A_518 = arith.constant 7 : i32
      %swap3A_519 = arith.index_cast %swap3A_517 : i32 to index
      %swap3A_520 = arith.index_cast %swap3A_518 : i32 to index
      %swap3A_521 = arith.constant 16 : index
      %swap3A_522 = tpu.vector_load %arg7[%swap3A_519, %swap3A_520, %swap3A_521] {strides = array<i32>} : memref<2x8x64xf32, #tpu.memory_space<vmem>>, vector<16xf32>,
      tpu.vector_store %arg7[%swap3A_519, %swap3A_520, %swap3A_521], %scan3A_509#1 {strides = array<i32>} : memref<2x8x64xf32, #tpu.memory_space<vmem>>, vector<16xf32>,
      %swap3A_523 = arith.constant 0 : i32
      %swap3A_524 = arith.constant 7 : i32
      %swap3A_525 = arith.index_cast %swap3A_523 : i32 to index
      %swap3A_526 = arith.index_cast %swap3A_524 : i32 to index
      %swap3A_527 = arith.constant 32 : index
      %swap3A_528 = tpu.vector_load %arg7[%swap3A_525, %swap3A_526, %swap3A_527] {strides = array<i32>} : memref<2x8x64xf32, #tpu.memory_space<vmem>>, vector<16xf32>,
      tpu.vector_store %arg7[%swap3A_525, %swap3A_526, %swap3A_527], %scan3A_509#2 {strides = array<i32>} : memref<2x8x64xf32, #tpu.memory_space<vmem>>, vector<16xf32>,
      %swap3A_529 = arith.constant 0 : i32
      %swap3A_530 = arith.constant 7 : i32
      %swap3A_531 = arith.index_cast %swap3A_529 : i32 to index
      %swap3A_532 = arith.index_cast %swap3A_530 : i32 to index
      %swap3A_533 = arith.constant 48 : index
      %swap3A_534 = tpu.vector_load %arg7[%swap3A_531, %swap3A_532, %swap3A_533] {strides = array<i32>} : memref<2x8x64xf32, #tpu.memory_space<vmem>>, vector<16xf32>,
      tpu.vector_store %arg7[%swap3A_531, %swap3A_532, %swap3A_533], %scan3A_509#3 {strides = array<i32>} : memref<2x8x64xf32, #tpu.memory_space<vmem>>, vector<16xf32>,
      %mul3A_535 = arith.constant 8 : i32
      %mul3A_536 = arith.muli %add3A_144, %mul3A_535 : i32
      %add3A_537 = arith.addi %mul3A_2, %mul3A_536 : i32
      %dma_start3A_538 = arith.constant 0 : i32
      %dma_start3A_539 = arith.constant 0 : i32
      %dma_start3A_540 = arith.constant 0 : i32
      %dma_start3A_541 = tpu.memref_slice %arg7[%dma_start3A_538, %dma_start3A_539, %dma_start3A_540] : memref<2x8x64xf32, #tpu.memory_space<vmem>> -> memref<1x8x64xf32, #tpu.memory_space<vmem>>
      %dma_start3A_542 = tpu.memref_squeeze %dma_start3A_541 : memref<1x8x64xf32, #tpu.memory_space<vmem>> -> memref<8x64xf32, #tpu.memory_space<vmem>>
      %dma_start3A_543 = arith.constant 0 : i32
      %dma_start3A_544 = tpu.memref_slice %arg4[%add3A_537, %dma_start3A_543] : memref<16384x64xf32, #tpu.memory_space<hbm>> -> memref<8x64xf32, #tpu.memory_space<hbm>>
      %dma_start3A_545 = arith.constant 0 : i32
      %dma_start3A_546 = tpu.memref_slice %arg4[%add3A_537, %dma_start3A_545] : memref<16384x64xf32, #tpu.memory_space<hbm>> -> memref<8x64xf32, #tpu.memory_space<hbm>>
      %dma_start3A_547 = arith.constant 0 : i32
      %dma_start3A_548 = arith.constant 0 : i32
      %dma_start3A_549 = tpu.memref_slice %arg7[%dma_start3A_538, %dma_start3A_547, %dma_start3A_548] : memref<2x8x64xf32, #tpu.memory_space<vmem>> -> memref<1x8x64xf32, #tpu.memory_space<vmem>>
      %dma_start3A_550 = tpu.memref_squeeze %dma_start3A_549 : memref<1x8x64xf32, #tpu.memory_space<vmem>> -> memref<8x64xf32, #tpu.memory_space<vmem>>
      tpu.enqueue_dma source(%dma_start3A_550 : memref<8x64xf32, #tpu.memory_space<vmem>>) target(%dma_start3A_546 : memref<8x64xf32, #tpu.memory_space<hbm>>) target_semaphore(%arg10 : memref<!tpu.dma_semaphore, #tpu.memory_space<semaphore_mem>>)
      %mul3A_551 = arith.constant 2 : i32
      %mul3A_552 = arith.muli %mul3A_551, %scan3A_140 : i32
      %add3A_553 = arith.constant 1 : i32
      %add3A_554 = arith.addi %mul3A_552, %add3A_553 : i32
      %mul3A_555 = arith.constant 8 : i32
      %mul3A_556 = arith.muli %add3A_554, %mul3A_555 : i32
      %add3A_557 = arith.constant 0 : i32
      %add3A_558 = arith.addi %mul3A_556, %add3A_557 : i32
      %mul3A_559 = arith.constant 8 : i32
      %mul3A_560 = arith.muli %add3A_554, %mul3A_559 : i32
      %add3A_561 = arith.constant 1 : i32
      %add3A_562 = arith.addi %mul3A_560, %add3A_561 : i32
      %mul3A_563 = arith.constant 8 : i32
      %mul3A_564 = arith.muli %add3A_554, %mul3A_563 : i32
      %add3A_565 = arith.constant 2 : i32
      %add3A_566 = arith.addi %mul3A_564, %add3A_565 : i32
      %mul3A_567 = arith.constant 8 : i32
      %mul3A_568 = arith.muli %add3A_554, %mul3A_567 : i32
      %add3A_569 = arith.constant 3 : i32
      %add3A_570 = arith.addi %mul3A_568, %add3A_569 : i32
      %mul3A_571 = arith.constant 8 : i32
      %mul3A_572 = arith.muli %add3A_554, %mul3A_571 : i32
      %add3A_573 = arith.constant 4 : i32
      %add3A_574 = arith.addi %mul3A_572, %add3A_573 : i32
      %mul3A_575 = arith.constant 8 : i32
      %mul3A_576 = arith.muli %add3A_554, %mul3A_575 : i32
      %add3A_577 = arith.constant 5 : i32
      %add3A_578 = arith.addi %mul3A_576, %add3A_577 : i32
      %mul3A_579 = arith.constant 8 : i32
      %mul3A_580 = arith.muli %add3A_554, %mul3A_579 : i32
      %add3A_581 = arith.constant 6 : i32
      %add3A_582 = arith.addi %mul3A_580, %add3A_581 : i32
      %mul3A_583 = arith.constant 8 : i32
      %mul3A_584 = arith.muli %add3A_554, %mul3A_583 : i32
      %add3A_585 = arith.constant 7 : i32
      %add3A_586 = arith.addi %mul3A_584, %add3A_585 : i32
      %dma_wait3A_587 = arith.constant 1 : i32
      %dma_wait3A_588 = arith.constant 0 : i32
      %dma_wait3A_589 = arith.constant 0 : i32
      %dma_wait3A_590 = arith.constant 0 : i32
      %dma_wait3A_591 = tpu.memref_slice %arg6[%dma_wait3A_587, %dma_wait3A_588, %dma_wait3A_589, %dma_wait3A_590] : memref<2x8x50x32xi32, #tpu.memory_space<vmem>> -> memref<1x1x50x32xi32, #tpu.memory_space<vmem>>
      %dma_wait3A_592 = tpu.memref_squeeze %dma_wait3A_591 : memref<1x1x50x32xi32, #tpu.memory_space<vmem>> -> memref<50x32xi32, #tpu.memory_space<vmem>>
      %dma_wait3A_593 = arith.constant 0 : i32
      %dma_wait3A_594 = tpu.memref_slice %arg5[%add3A_558, %dma_wait3A_593] : memref<512x50xi32, #tpu.memory_space<vmem>> -> memref<1x50xi32, #tpu.memory_space<vmem>>
      %dma_wait3A_595 = tpu.memref_squeeze %dma_wait3A_594 : memref<1x50xi32, #tpu.memory_space<vmem>> -> memref<50xi32, #tpu.memory_space<vmem>>
      %dma_wait3A_596 = arith.constant 0 : i32
      %dma_wait3A_597 = arith.constant 0 : i32
      %dma_wait3A_598 = tpu.memref_slice %arg3[%dma_wait3A_596, %dma_wait3A_597] : memref<1015808x32xi32, #tpu.memory_space<hbm>> -> memref<1015808x32xi32, #tpu.memory_space<hbm>>
      tpu.wait_indirect_dma semaphore(%arg9 : memref<!tpu.dma_semaphore, #tpu.memory_space<semaphore_mem>>) src(%dma_wait3A_598 : memref<1015808x32xi32, #tpu.memory_space<hbm>>) dst(%dma_wait3A_592 : memref<50x32xi32, #tpu.memory_space<vmem>>)
      %dma_wait3A_599 = arith.constant 1 : i32
      %dma_wait3A_600 = arith.constant 1 : i32
      %dma_wait3A_601 = arith.constant 0 : i32
      %dma_wait3A_602 = arith.constant 0 : i32
      %dma_wait3A_603 = tpu.memref_slice %arg6[%dma_wait3A_599, %dma_wait3A_600, %dma_wait3A_601, %dma_wait3A_602] : memref<2x8x50x32xi32, #tpu.memory_space<vmem>> -> memref<1x1x50x32xi32, #tpu.memory_space<vmem>>
      %dma_wait3A_604 = tpu.memref_squeeze %dma_wait3A_603 : memref<1x1x50x32xi32, #tpu.memory_space<vmem>> -> memref<50x32xi32, #tpu.memory_space<vmem>>
      %dma_wait3A_605 = arith.constant 0 : i32
      %dma_wait3A_606 = tpu.memref_slice %arg5[%add3A_562, %dma_wait3A_605] : memref<512x50xi32, #tpu.memory_space<vmem>> -> memref<1x50xi32, #tpu.memory_space<vmem>>
      %dma_wait3A_607 = tpu.memref_squeeze %dma_wait3A_606 : memref<1x50xi32, #tpu.memory_space<vmem>> -> memref<50xi32, #tpu.memory_space<vmem>>
      %dma_wait3A_608 = arith.constant 0 : i32
      %dma_wait3A_609 = arith.constant 0 : i32
      %dma_wait3A_610 = tpu.memref_slice %arg3[%dma_wait3A_608, %dma_wait3A_609] : memref<1015808x32xi32, #tpu.memory_space<hbm>> -> memref<1015808x32xi32, #tpu.memory_space<hbm>>
      tpu.wait_indirect_dma semaphore(%arg9 : memref<!tpu.dma_semaphore, #tpu.memory_space<semaphore_mem>>) src(%dma_wait3A_610 : memref<1015808x32xi32, #tpu.memory_space<hbm>>) dst(%dma_wait3A_604 : memref<50x32xi32, #tpu.memory_space<vmem>>)
      %dma_wait3A_611 = arith.constant 1 : i32
      %dma_wait3A_612 = arith.constant 2 : i32
      %dma_wait3A_613 = arith.constant 0 : i32
      %dma_wait3A_614 = arith.constant 0 : i32
      %dma_wait3A_615 = tpu.memref_slice %arg6[%dma_wait3A_611, %dma_wait3A_612, %dma_wait3A_613, %dma_wait3A_614] : memref<2x8x50x32xi32, #tpu.memory_space<vmem>> -> memref<1x1x50x32xi32, #tpu.memory_space<vmem>>
      %dma_wait3A_616 = tpu.memref_squeeze %dma_wait3A_615 : memref<1x1x50x32xi32, #tpu.memory_space<vmem>> -> memref<50x32xi32, #tpu.memory_space<vmem>>
      %dma_wait3A_617 = arith.constant 0 : i32
      %dma_wait3A_618 = tpu.memref_slice %arg5[%add3A_566, %dma_wait3A_617] : memref<512x50xi32, #tpu.memory_space<vmem>> -> memref<1x50xi32, #tpu.memory_space<vmem>>
      %dma_wait3A_619 = tpu.memref_squeeze %dma_wait3A_618 : memref<1x50xi32, #tpu.memory_space<vmem>> -> memref<50xi32, #tpu.memory_space<vmem>>
      %dma_wait3A_620 = arith.constant 0 : i32
      %dma_wait3A_621 = arith.constant 0 : i32
      %dma_wait3A_622 = tpu.memref_slice %arg3[%dma_wait3A_620, %dma_wait3A_621] : memref<1015808x32xi32, #tpu.memory_space<hbm>> -> memref<1015808x32xi32, #tpu.memory_space<hbm>>
      tpu.wait_indirect_dma semaphore(%arg9 : memref<!tpu.dma_semaphore, #tpu.memory_space<semaphore_mem>>) src(%dma_wait3A_622 : memref<1015808x32xi32, #tpu.memory_space<hbm>>) dst(%dma_wait3A_616 : memref<50x32xi32, #tpu.memory_space<vmem>>)
      %dma_wait3A_623 = arith.constant 1 : i32
      %dma_wait3A_624 = arith.constant 3 : i32
      %dma_wait3A_625 = arith.constant 0 : i32
      %dma_wait3A_626 = arith.constant 0 : i32
      %dma_wait3A_627 = tpu.memref_slice %arg6[%dma_wait3A_623, %dma_wait3A_624, %dma_wait3A_625, %dma_wait3A_626] : memref<2x8x50x32xi32, #tpu.memory_space<vmem>> -> memref<1x1x50x32xi32, #tpu.memory_space<vmem>>
      %dma_wait3A_628 = tpu.memref_squeeze %dma_wait3A_627 : memref<1x1x50x32xi32, #tpu.memory_space<vmem>> -> memref<50x32xi32, #tpu.memory_space<vmem>>
      %dma_wait3A_629 = arith.constant 0 : i32
      %dma_wait3A_630 = tpu.memref_slice %arg5[%add3A_570, %dma_wait3A_629] : memref<512x50xi32, #tpu.memory_space<vmem>> -> memref<1x50xi32, #tpu.memory_space<vmem>>
      %dma_wait3A_631 = tpu.memref_squeeze %dma_wait3A_630 : memref<1x50xi32, #tpu.memory_space<vmem>> -> memref<50xi32, #tpu.memory_space<vmem>>
      %dma_wait3A_632 = arith.constant 0 : i32
      %dma_wait3A_633 = arith.constant 0 : i32
      %dma_wait3A_634 = tpu.memref_slice %arg3[%dma_wait3A_632, %dma_wait3A_633] : memref<1015808x32xi32, #tpu.memory_space<hbm>> -> memref<1015808x32xi32, #tpu.memory_space<hbm>>
      tpu.wait_indirect_dma semaphore(%arg9 : memref<!tpu.dma_semaphore, #tpu.memory_space<semaphore_mem>>) src(%dma_wait3A_634 : memref<1015808x32xi32, #tpu.memory_space<hbm>>) dst(%dma_wait3A_628 : memref<50x32xi32, #tpu.memory_space<vmem>>)
      %dma_wait3A_635 = arith.constant 1 : i32
      %dma_wait3A_636 = arith.constant 4 : i32
      %dma_wait3A_637 = arith.constant 0 : i32
      %dma_wait3A_638 = arith.constant 0 : i32
      %dma_wait3A_639 = tpu.memref_slice %arg6[%dma_wait3A_635, %dma_wait3A_636, %dma_wait3A_637, %dma_wait3A_638] : memref<2x8x50x32xi32, #tpu.memory_space<vmem>> -> memref<1x1x50x32xi32, #tpu.memory_space<vmem>>
      %dma_wait3A_640 = tpu.memref_squeeze %dma_wait3A_639 : memref<1x1x50x32xi32, #tpu.memory_space<vmem>> -> memref<50x32xi32, #tpu.memory_space<vmem>>
      %dma_wait3A_641 = arith.constant 0 : i32
      %dma_wait3A_642 = tpu.memref_slice %arg5[%add3A_574, %dma_wait3A_641] : memref<512x50xi32, #tpu.memory_space<vmem>> -> memref<1x50xi32, #tpu.memory_space<vmem>>
      %dma_wait3A_643 = tpu.memref_squeeze %dma_wait3A_642 : memref<1x50xi32, #tpu.memory_space<vmem>> -> memref<50xi32, #tpu.memory_space<vmem>>
      %dma_wait3A_644 = arith.constant 0 : i32
      %dma_wait3A_645 = arith.constant 0 : i32
      %dma_wait3A_646 = tpu.memref_slice %arg3[%dma_wait3A_644, %dma_wait3A_645] : memref<1015808x32xi32, #tpu.memory_space<hbm>> -> memref<1015808x32xi32, #tpu.memory_space<hbm>>
      tpu.wait_indirect_dma semaphore(%arg9 : memref<!tpu.dma_semaphore, #tpu.memory_space<semaphore_mem>>) src(%dma_wait3A_646 : memref<1015808x32xi32, #tpu.memory_space<hbm>>) dst(%dma_wait3A_640 : memref<50x32xi32, #tpu.memory_space<vmem>>)
      %dma_wait3A_647 = arith.constant 1 : i32
      %dma_wait3A_648 = arith.constant 5 : i32
      %dma_wait3A_649 = arith.constant 0 : i32
      %dma_wait3A_650 = arith.constant 0 : i32
      %dma_wait3A_651 = tpu.memref_slice %arg6[%dma_wait3A_647, %dma_wait3A_648, %dma_wait3A_649, %dma_wait3A_650] : memref<2x8x50x32xi32, #tpu.memory_space<vmem>> -> memref<1x1x50x32xi32, #tpu.memory_space<vmem>>
      %dma_wait3A_652 = tpu.memref_squeeze %dma_wait3A_651 : memref<1x1x50x32xi32, #tpu.memory_space<vmem>> -> memref<50x32xi32, #tpu.memory_space<vmem>>
      %dma_wait3A_653 = arith.constant 0 : i32
      %dma_wait3A_654 = tpu.memref_slice %arg5[%add3A_578, %dma_wait3A_653] : memref<512x50xi32, #tpu.memory_space<vmem>> -> memref<1x50xi32, #tpu.memory_space<vmem>>
      %dma_wait3A_655 = tpu.memref_squeeze %dma_wait3A_654 : memref<1x50xi32, #tpu.memory_space<vmem>> -> memref<50xi32, #tpu.memory_space<vmem>>
      %dma_wait3A_656 = arith.constant 0 : i32
      %dma_wait3A_657 = arith.constant 0 : i32
      %dma_wait3A_658 = tpu.memref_slice %arg3[%dma_wait3A_656, %dma_wait3A_657] : memref<1015808x32xi32, #tpu.memory_space<hbm>> -> memref<1015808x32xi32, #tpu.memory_space<hbm>>
      tpu.wait_indirect_dma semaphore(%arg9 : memref<!tpu.dma_semaphore, #tpu.memory_space<semaphore_mem>>) src(%dma_wait3A_658 : memref<1015808x32xi32, #tpu.memory_space<hbm>>) dst(%dma_wait3A_652 : memref<50x32xi32, #tpu.memory_space<vmem>>)
      %dma_wait3A_659 = arith.constant 1 : i32
      %dma_wait3A_660 = arith.constant 6 : i32
      %dma_wait3A_661 = arith.constant 0 : i32
      %dma_wait3A_662 = arith.constant 0 : i32
      %dma_wait3A_663 = tpu.memref_slice %arg6[%dma_wait3A_659, %dma_wait3A_660, %dma_wait3A_661, %dma_wait3A_662] : memref<2x8x50x32xi32, #tpu.memory_space<vmem>> -> memref<1x1x50x32xi32, #tpu.memory_space<vmem>>
      %dma_wait3A_664 = tpu.memref_squeeze %dma_wait3A_663 : memref<1x1x50x32xi32, #tpu.memory_space<vmem>> -> memref<50x32xi32, #tpu.memory_space<vmem>>
      %dma_wait3A_665 = arith.constant 0 : i32
      %dma_wait3A_666 = tpu.memref_slice %arg5[%add3A_582, %dma_wait3A_665] : memref<512x50xi32, #tpu.memory_space<vmem>> -> memref<1x50xi32, #tpu.memory_space<vmem>>
      %dma_wait3A_667 = tpu.memref_squeeze %dma_wait3A_666 : memref<1x50xi32, #tpu.memory_space<vmem>> -> memref<50xi32, #tpu.memory_space<vmem>>
      %dma_wait3A_668 = arith.constant 0 : i32
      %dma_wait3A_669 = arith.constant 0 : i32
      %dma_wait3A_670 = tpu.memref_slice %arg3[%dma_wait3A_668, %dma_wait3A_669] : memref<1015808x32xi32, #tpu.memory_space<hbm>> -> memref<1015808x32xi32, #tpu.memory_space<hbm>>
      tpu.wait_indirect_dma semaphore(%arg9 : memref<!tpu.dma_semaphore, #tpu.memory_space<semaphore_mem>>) src(%dma_wait3A_670 : memref<1015808x32xi32, #tpu.memory_space<hbm>>) dst(%dma_wait3A_664 : memref<50x32xi32, #tpu.memory_space<vmem>>)
      %dma_wait3A_671 = arith.constant 1 : i32
      %dma_wait3A_672 = arith.constant 7 : i32
      %dma_wait3A_673 = arith.constant 0 : i32
      %dma_wait3A_674 = arith.constant 0 : i32
      %dma_wait3A_675 = tpu.memref_slice %arg6[%dma_wait3A_671, %dma_wait3A_672, %dma_wait3A_673, %dma_wait3A_674] : memref<2x8x50x32xi32, #tpu.memory_space<vmem>> -> memref<1x1x50x32xi32, #tpu.memory_space<vmem>>
      %dma_wait3A_676 = tpu.memref_squeeze %dma_wait3A_675 : memref<1x1x50x32xi32, #tpu.memory_space<vmem>> -> memref<50x32xi32, #tpu.memory_space<vmem>>
      %dma_wait3A_677 = arith.constant 0 : i32
      %dma_wait3A_678 = tpu.memref_slice %arg5[%add3A_586, %dma_wait3A_677] : memref<512x50xi32, #tpu.memory_space<vmem>> -> memref<1x50xi32, #tpu.memory_space<vmem>>
      %dma_wait3A_679 = tpu.memref_squeeze %dma_wait3A_678 : memref<1x50xi32, #tpu.memory_space<vmem>> -> memref<50xi32, #tpu.memory_space<vmem>>
      %dma_wait3A_680 = arith.constant 0 : i32
      %dma_wait3A_681 = arith.constant 0 : i32
      %dma_wait3A_682 = tpu.memref_slice %arg3[%dma_wait3A_680, %dma_wait3A_681] : memref<1015808x32xi32, #tpu.memory_space<hbm>> -> memref<1015808x32xi32, #tpu.memory_space<hbm>>
      tpu.wait_indirect_dma semaphore(%arg9 : memref<!tpu.dma_semaphore, #tpu.memory_space<semaphore_mem>>) src(%dma_wait3A_682 : memref<1015808x32xi32, #tpu.memory_space<hbm>>) dst(%dma_wait3A_676 : memref<50x32xi32, #tpu.memory_space<vmem>>)
      %add3A_683 = arith.constant 1 : i32
      %add3A_684 = arith.addi %add3A_554, %add3A_683 : i32
      %lt3A_685 = arith.constant 64 : i32
      %lt3A_686 = arith.cmpi slt, %add3A_684, %lt3A_685 : i32
      %convert_element_type3A_687 = arith.extui %lt3A_686 : i1 to i32
      %cond3A_688 = arith.constant 0 : i32
      %cond3A_689 = arith.cmpi ne, %convert_element_type3A_687, %cond3A_688 : i32
      scf.if %cond3A_689 {
        %add3A_967 = arith.constant 1 : i32
        %add3A_968 = arith.addi %add3A_554, %add3A_967 : i32
        %mul3A_969 = arith.constant 8 : i32
        %mul3A_970 = arith.muli %add3A_968, %mul3A_969 : i32
        %add3A_971 = arith.constant 0 : i32
        %add3A_972 = arith.addi %mul3A_970, %add3A_971 : i32
        %mul3A_973 = arith.constant 8 : i32
        %mul3A_974 = arith.muli %add3A_968, %mul3A_973 : i32
        %add3A_975 = arith.constant 1 : i32
        %add3A_976 = arith.addi %mul3A_974, %add3A_975 : i32
        %mul3A_977 = arith.constant 8 : i32
        %mul3A_978 = arith.muli %add3A_968, %mul3A_977 : i32
        %add3A_979 = arith.constant 2 : i32
        %add3A_980 = arith.addi %mul3A_978, %add3A_979 : i32
        %mul3A_981 = arith.constant 8 : i32
        %mul3A_982 = arith.muli %add3A_968, %mul3A_981 : i32
        %add3A_983 = arith.constant 3 : i32
        %add3A_984 = arith.addi %mul3A_982, %add3A_983 : i32
        %mul3A_985 = arith.constant 8 : i32
        %mul3A_986 = arith.muli %add3A_968, %mul3A_985 : i32
        %add3A_987 = arith.constant 4 : i32
        %add3A_988 = arith.addi %mul3A_986, %add3A_987 : i32
        %mul3A_989 = arith.constant 8 : i32
        %mul3A_990 = arith.muli %add3A_968, %mul3A_989 : i32
        %add3A_991 = arith.constant 5 : i32
        %add3A_992 = arith.addi %mul3A_990, %add3A_991 : i32
        %mul3A_993 = arith.constant 8 : i32
        %mul3A_994 = arith.muli %add3A_968, %mul3A_993 : i32
        %add3A_995 = arith.constant 6 : i32
        %add3A_996 = arith.addi %mul3A_994, %add3A_995 : i32
        %mul3A_997 = arith.constant 8 : i32
        %mul3A_998 = arith.muli %add3A_968, %mul3A_997 : i32
        %add3A_999 = arith.constant 7 : i32
        %add3A_1000 = arith.addi %mul3A_998, %add3A_999 : i32
        %dma_start3A_1001 = arith.constant 0 : i32
        %dma_start3A_1002 = arith.constant 0 : i32
        %dma_start3A_1003 = arith.constant 0 : i32
        %dma_start3A_1004 = arith.constant 0 : i32
        %dma_start3A_1005 = tpu.memref_slice %arg6[%dma_start3A_1001, %dma_start3A_1002, %dma_start3A_1003, %dma_start3A_1004] : memref<2x8x50x32xi32, #tpu.memory_space<vmem>> -> memref<1x1x50x32xi32, #tpu.memory_space<vmem>>
        %dma_start3A_1006 = tpu.memref_squeeze %dma_start3A_1005 : memref<1x1x50x32xi32, #tpu.memory_space<vmem>> -> memref<50x32xi32, #tpu.memory_space<vmem>>
        %dma_start3A_1007 = arith.constant 0 : i32
        %dma_start3A_1008 = tpu.memref_slice %arg5[%add3A_972, %dma_start3A_1007] : memref<512x50xi32, #tpu.memory_space<vmem>> -> memref<1x50xi32, #tpu.memory_space<vmem>>
        %dma_start3A_1009 = tpu.memref_squeeze %dma_start3A_1008 : memref<1x50xi32, #tpu.memory_space<vmem>> -> memref<50xi32, #tpu.memory_space<vmem>>
        %dma_start3A_1010 = arith.constant 0 : i32
        %dma_start3A_1011 = arith.constant 0 : i32
        %dma_start3A_1012 = tpu.memref_slice %arg3[%dma_start3A_1010, %dma_start3A_1011] : memref<1015808x32xi32, #tpu.memory_space<hbm>> -> memref<1015808x32xi32, #tpu.memory_space<hbm>>
        tpu.enqueue_indirect_dma source(%dma_start3A_1012 : memref<1015808x32xi32, #tpu.memory_space<hbm>>) target(%dma_start3A_1006 : memref<50x32xi32, #tpu.memory_space<vmem>>) offsets(%dma_start3A_1009 : memref<50xi32, #tpu.memory_space<vmem>>) semaphore(%arg8 : memref<!tpu.dma_semaphore, #tpu.memory_space<semaphore_mem>>)
        %dma_start3A_1013 = arith.constant 0 : i32
        %dma_start3A_1014 = arith.constant 1 : i32
        %dma_start3A_1015 = arith.constant 0 : i32
        %dma_start3A_1016 = arith.constant 0 : i32
        %dma_start3A_1017 = tpu.memref_slice %arg6[%dma_start3A_1013, %dma_start3A_1014, %dma_start3A_1015, %dma_start3A_1016] : memref<2x8x50x32xi32, #tpu.memory_space<vmem>> -> memref<1x1x50x32xi32, #tpu.memory_space<vmem>>
        %dma_start3A_1018 = tpu.memref_squeeze %dma_start3A_1017 : memref<1x1x50x32xi32, #tpu.memory_space<vmem>> -> memref<50x32xi32, #tpu.memory_space<vmem>>
        %dma_start3A_1019 = arith.constant 0 : i32
        %dma_start3A_1020 = tpu.memref_slice %arg5[%add3A_976, %dma_start3A_1019] : memref<512x50xi32, #tpu.memory_space<vmem>> -> memref<1x50xi32, #tpu.memory_space<vmem>>
        %dma_start3A_1021 = tpu.memref_squeeze %dma_start3A_1020 : memref<1x50xi32, #tpu.memory_space<vmem>> -> memref<50xi32, #tpu.memory_space<vmem>>
        %dma_start3A_1022 = arith.constant 0 : i32
        %dma_start3A_1023 = arith.constant 0 : i32
        %dma_start3A_1024 = tpu.memref_slice %arg3[%dma_start3A_1022, %dma_start3A_1023] : memref<1015808x32xi32, #tpu.memory_space<hbm>> -> memref<1015808x32xi32, #tpu.memory_space<hbm>>
        tpu.enqueue_indirect_dma source(%dma_start3A_1024 : memref<1015808x32xi32, #tpu.memory_space<hbm>>) target(%dma_start3A_1018 : memref<50x32xi32, #tpu.memory_space<vmem>>) offsets(%dma_start3A_1021 : memref<50xi32, #tpu.memory_space<vmem>>) semaphore(%arg8 : memref<!tpu.dma_semaphore, #tpu.memory_space<semaphore_mem>>)
        %dma_start3A_1025 = arith.constant 0 : i32
        %dma_start3A_1026 = arith.constant 2 : i32
        %dma_start3A_1027 = arith.constant 0 : i32
        %dma_start3A_1028 = arith.constant 0 : i32
        %dma_start3A_1029 = tpu.memref_slice %arg6[%dma_start3A_1025, %dma_start3A_1026, %dma_start3A_1027, %dma_start3A_1028] : memref<2x8x50x32xi32, #tpu.memory_space<vmem>> -> memref<1x1x50x32xi32, #tpu.memory_space<vmem>>
        %dma_start3A_1030 = tpu.memref_squeeze %dma_start3A_1029 : memref<1x1x50x32xi32, #tpu.memory_space<vmem>> -> memref<50x32xi32, #tpu.memory_space<vmem>>
        %dma_start3A_1031 = arith.constant 0 : i32
        %dma_start3A_1032 = tpu.memref_slice %arg5[%add3A_980, %dma_start3A_1031] : memref<512x50xi32, #tpu.memory_space<vmem>> -> memref<1x50xi32, #tpu.memory_space<vmem>>
        %dma_start3A_1033 = tpu.memref_squeeze %dma_start3A_1032 : memref<1x50xi32, #tpu.memory_space<vmem>> -> memref<50xi32, #tpu.memory_space<vmem>>
        %dma_start3A_1034 = arith.constant 0 : i32
        %dma_start3A_1035 = arith.constant 0 : i32
        %dma_start3A_1036 = tpu.memref_slice %arg3[%dma_start3A_1034, %dma_start3A_1035] : memref<1015808x32xi32, #tpu.memory_space<hbm>> -> memref<1015808x32xi32, #tpu.memory_space<hbm>>
        tpu.enqueue_indirect_dma source(%dma_start3A_1036 : memref<1015808x32xi32, #tpu.memory_space<hbm>>) target(%dma_start3A_1030 : memref<50x32xi32, #tpu.memory_space<vmem>>) offsets(%dma_start3A_1033 : memref<50xi32, #tpu.memory_space<vmem>>) semaphore(%arg8 : memref<!tpu.dma_semaphore, #tpu.memory_space<semaphore_mem>>)
        %dma_start3A_1037 = arith.constant 0 : i32
        %dma_start3A_1038 = arith.constant 3 : i32
        %dma_start3A_1039 = arith.constant 0 : i32
        %dma_start3A_1040 = arith.constant 0 : i32
        %dma_start3A_1041 = tpu.memref_slice %arg6[%dma_start3A_1037, %dma_start3A_1038, %dma_start3A_1039, %dma_start3A_1040] : memref<2x8x50x32xi32, #tpu.memory_space<vmem>> -> memref<1x1x50x32xi32, #tpu.memory_space<vmem>>
        %dma_start3A_1042 = tpu.memref_squeeze %dma_start3A_1041 : memref<1x1x50x32xi32, #tpu.memory_space<vmem>> -> memref<50x32xi32, #tpu.memory_space<vmem>>
        %dma_start3A_1043 = arith.constant 0 : i32
        %dma_start3A_1044 = tpu.memref_slice %arg5[%add3A_984, %dma_start3A_1043] : memref<512x50xi32, #tpu.memory_space<vmem>> -> memref<1x50xi32, #tpu.memory_space<vmem>>
        %dma_start3A_1045 = tpu.memref_squeeze %dma_start3A_1044 : memref<1x50xi32, #tpu.memory_space<vmem>> -> memref<50xi32, #tpu.memory_space<vmem>>
        %dma_start3A_1046 = arith.constant 0 : i32
        %dma_start3A_1047 = arith.constant 0 : i32
        %dma_start3A_1048 = tpu.memref_slice %arg3[%dma_start3A_1046, %dma_start3A_1047] : memref<1015808x32xi32, #tpu.memory_space<hbm>> -> memref<1015808x32xi32, #tpu.memory_space<hbm>>
        tpu.enqueue_indirect_dma source(%dma_start3A_1048 : memref<1015808x32xi32, #tpu.memory_space<hbm>>) target(%dma_start3A_1042 : memref<50x32xi32, #tpu.memory_space<vmem>>) offsets(%dma_start3A_1045 : memref<50xi32, #tpu.memory_space<vmem>>) semaphore(%arg8 : memref<!tpu.dma_semaphore, #tpu.memory_space<semaphore_mem>>)
        %dma_start3A_1049 = arith.constant 0 : i32
        %dma_start3A_1050 = arith.constant 4 : i32
        %dma_start3A_1051 = arith.constant 0 : i32
        %dma_start3A_1052 = arith.constant 0 : i32
        %dma_start3A_1053 = tpu.memref_slice %arg6[%dma_start3A_1049, %dma_start3A_1050, %dma_start3A_1051, %dma_start3A_1052] : memref<2x8x50x32xi32, #tpu.memory_space<vmem>> -> memref<1x1x50x32xi32, #tpu.memory_space<vmem>>
        %dma_start3A_1054 = tpu.memref_squeeze %dma_start3A_1053 : memref<1x1x50x32xi32, #tpu.memory_space<vmem>> -> memref<50x32xi32, #tpu.memory_space<vmem>>
        %dma_start3A_1055 = arith.constant 0 : i32
        %dma_start3A_1056 = tpu.memref_slice %arg5[%add3A_988, %dma_start3A_1055] : memref<512x50xi32, #tpu.memory_space<vmem>> -> memref<1x50xi32, #tpu.memory_space<vmem>>
        %dma_start3A_1057 = tpu.memref_squeeze %dma_start3A_1056 : memref<1x50xi32, #tpu.memory_space<vmem>> -> memref<50xi32, #tpu.memory_space<vmem>>
        %dma_start3A_1058 = arith.constant 0 : i32
        %dma_start3A_1059 = arith.constant 0 : i32
        %dma_start3A_1060 = tpu.memref_slice %arg3[%dma_start3A_1058, %dma_start3A_1059] : memref<1015808x32xi32, #tpu.memory_space<hbm>> -> memref<1015808x32xi32, #tpu.memory_space<hbm>>
        tpu.enqueue_indirect_dma source(%dma_start3A_1060 : memref<1015808x32xi32, #tpu.memory_space<hbm>>) target(%dma_start3A_1054 : memref<50x32xi32, #tpu.memory_space<vmem>>) offsets(%dma_start3A_1057 : memref<50xi32, #tpu.memory_space<vmem>>) semaphore(%arg8 : memref<!tpu.dma_semaphore, #tpu.memory_space<semaphore_mem>>)
        %dma_start3A_1061 = arith.constant 0 : i32
        %dma_start3A_1062 = arith.constant 5 : i32
        %dma_start3A_1063 = arith.constant 0 : i32
        %dma_start3A_1064 = arith.constant 0 : i32
        %dma_start3A_1065 = tpu.memref_slice %arg6[%dma_start3A_1061, %dma_start3A_1062, %dma_start3A_1063, %dma_start3A_1064] : memref<2x8x50x32xi32, #tpu.memory_space<vmem>> -> memref<1x1x50x32xi32, #tpu.memory_space<vmem>>
        %dma_start3A_1066 = tpu.memref_squeeze %dma_start3A_1065 : memref<1x1x50x32xi32, #tpu.memory_space<vmem>> -> memref<50x32xi32, #tpu.memory_space<vmem>>
        %dma_start3A_1067 = arith.constant 0 : i32
        %dma_start3A_1068 = tpu.memref_slice %arg5[%add3A_992, %dma_start3A_1067] : memref<512x50xi32, #tpu.memory_space<vmem>> -> memref<1x50xi32, #tpu.memory_space<vmem>>
        %dma_start3A_1069 = tpu.memref_squeeze %dma_start3A_1068 : memref<1x50xi32, #tpu.memory_space<vmem>> -> memref<50xi32, #tpu.memory_space<vmem>>
        %dma_start3A_1070 = arith.constant 0 : i32
        %dma_start3A_1071 = arith.constant 0 : i32
        %dma_start3A_1072 = tpu.memref_slice %arg3[%dma_start3A_1070, %dma_start3A_1071] : memref<1015808x32xi32, #tpu.memory_space<hbm>> -> memref<1015808x32xi32, #tpu.memory_space<hbm>>
        tpu.enqueue_indirect_dma source(%dma_start3A_1072 : memref<1015808x32xi32, #tpu.memory_space<hbm>>) target(%dma_start3A_1066 : memref<50x32xi32, #tpu.memory_space<vmem>>) offsets(%dma_start3A_1069 : memref<50xi32, #tpu.memory_space<vmem>>) semaphore(%arg8 : memref<!tpu.dma_semaphore, #tpu.memory_space<semaphore_mem>>)
        %dma_start3A_1073 = arith.constant 0 : i32
        %dma_start3A_1074 = arith.constant 6 : i32
        %dma_start3A_1075 = arith.constant 0 : i32
        %dma_start3A_1076 = arith.constant 0 : i32
        %dma_start3A_1077 = tpu.memref_slice %arg6[%dma_start3A_1073, %dma_start3A_1074, %dma_start3A_1075, %dma_start3A_1076] : memref<2x8x50x32xi32, #tpu.memory_space<vmem>> -> memref<1x1x50x32xi32, #tpu.memory_space<vmem>>
        %dma_start3A_1078 = tpu.memref_squeeze %dma_start3A_1077 : memref<1x1x50x32xi32, #tpu.memory_space<vmem>> -> memref<50x32xi32, #tpu.memory_space<vmem>>
        %dma_start3A_1079 = arith.constant 0 : i32
        %dma_start3A_1080 = tpu.memref_slice %arg5[%add3A_996, %dma_start3A_1079] : memref<512x50xi32, #tpu.memory_space<vmem>> -> memref<1x50xi32, #tpu.memory_space<vmem>>
        %dma_start3A_1081 = tpu.memref_squeeze %dma_start3A_1080 : memref<1x50xi32, #tpu.memory_space<vmem>> -> memref<50xi32, #tpu.memory_space<vmem>>
        %dma_start3A_1082 = arith.constant 0 : i32
        %dma_start3A_1083 = arith.constant 0 : i32
        %dma_start3A_1084 = tpu.memref_slice %arg3[%dma_start3A_1082, %dma_start3A_1083] : memref<1015808x32xi32, #tpu.memory_space<hbm>> -> memref<1015808x32xi32, #tpu.memory_space<hbm>>
        tpu.enqueue_indirect_dma source(%dma_start3A_1084 : memref<1015808x32xi32, #tpu.memory_space<hbm>>) target(%dma_start3A_1078 : memref<50x32xi32, #tpu.memory_space<vmem>>) offsets(%dma_start3A_1081 : memref<50xi32, #tpu.memory_space<vmem>>) semaphore(%arg8 : memref<!tpu.dma_semaphore, #tpu.memory_space<semaphore_mem>>)
        %dma_start3A_1085 = arith.constant 0 : i32
        %dma_start3A_1086 = arith.constant 7 : i32
        %dma_start3A_1087 = arith.constant 0 : i32
        %dma_start3A_1088 = arith.constant 0 : i32
        %dma_start3A_1089 = tpu.memref_slice %arg6[%dma_start3A_1085, %dma_start3A_1086, %dma_start3A_1087, %dma_start3A_1088] : memref<2x8x50x32xi32, #tpu.memory_space<vmem>> -> memref<1x1x50x32xi32, #tpu.memory_space<vmem>>
        %dma_start3A_1090 = tpu.memref_squeeze %dma_start3A_1089 : memref<1x1x50x32xi32, #tpu.memory_space<vmem>> -> memref<50x32xi32, #tpu.memory_space<vmem>>
        %dma_start3A_1091 = arith.constant 0 : i32
        %dma_start3A_1092 = tpu.memref_slice %arg5[%add3A_1000, %dma_start3A_1091] : memref<512x50xi32, #tpu.memory_space<vmem>> -> memref<1x50xi32, #tpu.memory_space<vmem>>
        %dma_start3A_1093 = tpu.memref_squeeze %dma_start3A_1092 : memref<1x50xi32, #tpu.memory_space<vmem>> -> memref<50xi32, #tpu.memory_space<vmem>>
        %dma_start3A_1094 = arith.constant 0 : i32
        %dma_start3A_1095 = arith.constant 0 : i32
        %dma_start3A_1096 = tpu.memref_slice %arg3[%dma_start3A_1094, %dma_start3A_1095] : memref<1015808x32xi32, #tpu.memory_space<hbm>> -> memref<1015808x32xi32, #tpu.memory_space<hbm>>
        tpu.enqueue_indirect_dma source(%dma_start3A_1096 : memref<1015808x32xi32, #tpu.memory_space<hbm>>) target(%dma_start3A_1090 : memref<50x32xi32, #tpu.memory_space<vmem>>) offsets(%dma_start3A_1093 : memref<50xi32, #tpu.memory_space<vmem>>) semaphore(%arg8 : memref<!tpu.dma_semaphore, #tpu.memory_space<semaphore_mem>>)
      } else {
      }
      %ge3A_690 = arith.constant 2 : i32
      %ge3A_691 = arith.cmpi sge, %add3A_554, %ge3A_690 : i32
      %convert_element_type3A_692 = arith.extui %ge3A_691 : i1 to i32
      %cond3A_693 = arith.constant 0 : i32
      %cond3A_694 = arith.cmpi ne, %convert_element_type3A_692, %cond3A_693 : i32
      scf.if %cond3A_694 {
        %sub3A = arith.constant 2 : i32
        %sub3A_967 = arith.subi %add3A_554, %sub3A : i32
        %mul3A_968 = arith.constant 8 : i32
        %mul3A_969 = arith.muli %sub3A_967, %mul3A_968 : i32
        %add3A_970 = arith.addi %mul3A_2, %mul3A_969 : i32
        %dma_wait3A_971 = arith.constant 1 : i32
        %dma_wait3A_972 = arith.constant 0 : i32
        %dma_wait3A_973 = arith.constant 0 : i32
        %dma_wait3A_974 = tpu.memref_slice %arg7[%dma_wait3A_971, %dma_wait3A_972, %dma_wait3A_973] : memref<2x8x64xf32, #tpu.memory_space<vmem>> -> memref<1x8x64xf32, #tpu.memory_space<vmem>>
        %dma_wait3A_975 = tpu.memref_squeeze %dma_wait3A_974 : memref<1x8x64xf32, #tpu.memory_space<vmem>> -> memref<8x64xf32, #tpu.memory_space<vmem>>
        %dma_wait3A_976 = arith.constant 0 : i32
        %dma_wait3A_977 = tpu.memref_slice %arg4[%add3A_970, %dma_wait3A_976] : memref<16384x64xf32, #tpu.memory_space<hbm>> -> memref<8x64xf32, #tpu.memory_space<hbm>>
        %dma_wait3A_978 = arith.constant 0 : i32
        %dma_wait3A_979 = tpu.memref_slice %arg4[%add3A_970, %dma_wait3A_978] : memref<16384x64xf32, #tpu.memory_space<hbm>> -> memref<8x64xf32, #tpu.memory_space<hbm>>
        %dma_wait3A_980 = arith.constant 0 : i32
        %dma_wait3A_981 = arith.constant 0 : i32
        %dma_wait3A_982 = tpu.memref_slice %arg7[%dma_wait3A_971, %dma_wait3A_980, %dma_wait3A_981] : memref<2x8x64xf32, #tpu.memory_space<vmem>> -> memref<1x8x64xf32, #tpu.memory_space<vmem>>
        %dma_wait3A_983 = tpu.memref_squeeze %dma_wait3A_982 : memref<1x8x64xf32, #tpu.memory_space<vmem>> -> memref<8x64xf32, #tpu.memory_space<vmem>>
        tpu.wait_dma2 semaphore(%arg11 : memref<!tpu.dma_semaphore, #tpu.memory_space<semaphore_mem>>) src(%dma_wait3A_983 : memref<8x64xf32, #tpu.memory_space<vmem>>) dst(%dma_wait3A_979 : memref<8x64xf32, #tpu.memory_space<hbm>>)
      } else {
      }
      %broadcast_in_dim3A_695 = arith.constant 0.000000e+00 : f32
      %broadcast_in_dim3A_696 = vector.broadcast %broadcast_in_dim3A_695 : f32 to vector<16xf32>
      %scan3A_697 = arith.constant 0 : i32
      %scan3A_698 = arith.constant 25 : i32
      %scan3A_699 = arith.addi %scan3A_697, %scan3A_698 : i32
      %scan3A_700 = arith.constant 1 : i32
      %scan3A_701:4 = scf.for %scan3A_967 = %scan3A_697 to %scan3A_699 step %scan3A_700 iter_args(%scan3A_968 = %broadcast_in_dim3A_696, %scan3A_969 = %broadcast_in_dim3A_696, %scan3A_970 = %broadcast_in_dim3A_696, %scan3A_971 = %broadcast_in_dim3A_696) -> (vector<16xf32>, vector<16xf32>, vector<16xf32>, vector<16xf32>)  : i32 {
        %mul3A_972 = arith.constant 2 : i32
        %mul3A_973 = arith.muli %scan3A_967, %mul3A_972 : i32
        %add3A_974 = arith.constant 0 : i32
        %add3A_975 = arith.addi %mul3A_973, %add3A_974 : i32
        %get3A = arith.constant 1 : i32
        %get3A_976 = arith.constant 0 : i32
        %get3A_977 = arith.index_cast %get3A : i32 to index
        %get3A_978 = arith.index_cast %get3A_976 : i32 to index
        %get3A_979 = arith.index_cast %add3A_975 : i32 to index
        %get3A_980 = arith.constant 0 : index
        %get3A_981 = tpu.vector_load %arg6[%get3A_977, %get3A_978, %get3A_979, %get3A_980] {strides = array<i32>} : memref<2x8x50x32xi32, #tpu.memory_space<vmem>>, vector<16xi32>,
        %bitcast3A = vector.bitcast %get3A_981 : vector<16xi32> to vector<32xbf16>
        %add3A_982 = arith.constant 0 : i32
        %add3A_983 = arith.addi %mul3A_973, %add3A_982 : i32
        %get3A_984 = arith.constant 1 : i32
        %get3A_985 = arith.constant 0 : i32
        %get3A_986 = arith.index_cast %get3A_984 : i32 to index
        %get3A_987 = arith.index_cast %get3A_985 : i32 to index
        %get3A_988 = arith.index_cast %add3A_983 : i32 to index
        %get3A_989 = arith.constant 16 : index
        %get3A_990 = tpu.vector_load %arg6[%get3A_986, %get3A_987, %get3A_988, %get3A_989] {strides = array<i32>} : memref<2x8x50x32xi32, #tpu.memory_space<vmem>>, vector<16xi32>,
        %bitcast3A_991 = vector.bitcast %get3A_990 : vector<16xi32> to vector<32xbf16>
        %unpack3A = tpu.unpack_subelements %bitcast3A, 0 {pack_format = #tpu.pack_format<interleaved>} : vector<32xbf16> -> vector<16xf32>
        %unpack3A_992 = tpu.unpack_subelements %bitcast3A, 1 {pack_format = #tpu.pack_format<interleaved>} : vector<32xbf16> -> vector<16xf32>
        %unpack3A_993 = tpu.unpack_subelements %bitcast3A_991, 0 {pack_format = #tpu.pack_format<interleaved>} : vector<32xbf16> -> vector<16xf32>
        %unpack3A_994 = tpu.unpack_subelements %bitcast3A_991, 1 {pack_format = #tpu.pack_format<interleaved>} : vector<32xbf16> -> vector<16xf32>
        %add3A_995 = arith.addf %scan3A_968, %unpack3A : vector<16xf32>
        %add3A_996 = arith.addf %scan3A_969, %unpack3A_992 : vector<16xf32>
        %add3A_997 = arith.addf %scan3A_970, %unpack3A_993 : vector<16xf32>
        %add3A_998 = arith.addf %scan3A_971, %unpack3A_994 : vector<16xf32>
        %add3A_999 = arith.constant 1 : i32
        %add3A_1000 = arith.addi %mul3A_973, %add3A_999 : i32
        %get3A_1001 = arith.constant 1 : i32
        %get3A_1002 = arith.constant 0 : i32
        %get3A_1003 = arith.index_cast %get3A_1001 : i32 to index
        %get3A_1004 = arith.index_cast %get3A_1002 : i32 to index
        %get3A_1005 = arith.index_cast %add3A_1000 : i32 to index
        %get3A_1006 = arith.constant 0 : index
        %get3A_1007 = tpu.vector_load %arg6[%get3A_1003, %get3A_1004, %get3A_1005, %get3A_1006] {strides = array<i32>} : memref<2x8x50x32xi32, #tpu.memory_space<vmem>>, vector<16xi32>,
        %bitcast3A_1008 = vector.bitcast %get3A_1007 : vector<16xi32> to vector<32xbf16>
        %add3A_1009 = arith.constant 1 : i32
        %add3A_1010 = arith.addi %mul3A_973, %add3A_1009 : i32
        %get3A_1011 = arith.constant 1 : i32
        %get3A_1012 = arith.constant 0 : i32
        %get3A_1013 = arith.index_cast %get3A_1011 : i32 to index
        %get3A_1014 = arith.index_cast %get3A_1012 : i32 to index
        %get3A_1015 = arith.index_cast %add3A_1010 : i32 to index
        %get3A_1016 = arith.constant 16 : index
        %get3A_1017 = tpu.vector_load %arg6[%get3A_1013, %get3A_1014, %get3A_1015, %get3A_1016] {strides = array<i32>} : memref<2x8x50x32xi32, #tpu.memory_space<vmem>>, vector<16xi32>,
        %bitcast3A_1018 = vector.bitcast %get3A_1017 : vector<16xi32> to vector<32xbf16>
        %unpack3A_1019 = tpu.unpack_subelements %bitcast3A_1008, 0 {pack_format = #tpu.pack_format<interleaved>} : vector<32xbf16> -> vector<16xf32>
        %unpack3A_1020 = tpu.unpack_subelements %bitcast3A_1008, 1 {pack_format = #tpu.pack_format<interleaved>} : vector<32xbf16> -> vector<16xf32>
        %unpack3A_1021 = tpu.unpack_subelements %bitcast3A_1018, 0 {pack_format = #tpu.pack_format<interleaved>} : vector<32xbf16> -> vector<16xf32>
        %unpack3A_1022 = tpu.unpack_subelements %bitcast3A_1018, 1 {pack_format = #tpu.pack_format<interleaved>} : vector<32xbf16> -> vector<16xf32>
        %add3A_1023 = arith.addf %add3A_995, %unpack3A_1019 : vector<16xf32>
        %add3A_1024 = arith.addf %add3A_996, %unpack3A_1020 : vector<16xf32>
        %add3A_1025 = arith.addf %add3A_997, %unpack3A_1021 : vector<16xf32>
        %add3A_1026 = arith.addf %add3A_998, %unpack3A_1022 : vector<16xf32>
        scf.yield %add3A_1023, %add3A_1024, %add3A_1025, %add3A_1026 : vector<16xf32>, vector<16xf32>, vector<16xf32>, vector<16xf32>
      }
      %scan3A_702 = arith.constant 25 : i32
      %swap3A_703 = arith.constant 1 : i32
      %swap3A_704 = arith.constant 0 : i32
      %swap3A_705 = arith.index_cast %swap3A_703 : i32 to index
      %swap3A_706 = arith.index_cast %swap3A_704 : i32 to index
      %swap3A_707 = arith.constant 0 : index
      %swap3A_708 = tpu.vector_load %arg7[%swap3A_705, %swap3A_706, %swap3A_707] {strides = array<i32>} : memref<2x8x64xf32, #tpu.memory_space<vmem>>, vector<16xf32>,
      tpu.vector_store %arg7[%swap3A_705, %swap3A_706, %swap3A_707], %scan3A_701#0 {strides = array<i32>} : memref<2x8x64xf32, #tpu.memory_space<vmem>>, vector<16xf32>,
      %swap3A_709 = arith.constant 1 : i32
      %swap3A_710 = arith.constant 0 : i32
      %swap3A_711 = arith.index_cast %swap3A_709 : i32 to index
      %swap3A_712 = arith.index_cast %swap3A_710 : i32 to index
      %swap3A_713 = arith.constant 16 : index
      %swap3A_714 = tpu.vector_load %arg7[%swap3A_711, %swap3A_712, %swap3A_713] {strides = array<i32>} : memref<2x8x64xf32, #tpu.memory_space<vmem>>, vector<16xf32>,
      tpu.vector_store %arg7[%swap3A_711, %swap3A_712, %swap3A_713], %scan3A_701#1 {strides = array<i32>} : memref<2x8x64xf32, #tpu.memory_space<vmem>>, vector<16xf32>,
      %swap3A_715 = arith.constant 1 : i32
      %swap3A_716 = arith.constant 0 : i32
      %swap3A_717 = arith.index_cast %swap3A_715 : i32 to index
      %swap3A_718 = arith.index_cast %swap3A_716 : i32 to index
      %swap3A_719 = arith.constant 32 : index
      %swap3A_720 = tpu.vector_load %arg7[%swap3A_717, %swap3A_718, %swap3A_719] {strides = array<i32>} : memref<2x8x64xf32, #tpu.memory_space<vmem>>, vector<16xf32>,
      tpu.vector_store %arg7[%swap3A_717, %swap3A_718, %swap3A_719], %scan3A_701#2 {strides = array<i32>} : memref<2x8x64xf32, #tpu.memory_space<vmem>>, vector<16xf32>,
      %swap3A_721 = arith.constant 1 : i32
      %swap3A_722 = arith.constant 0 : i32
      %swap3A_723 = arith.index_cast %swap3A_721 : i32 to index
      %swap3A_724 = arith.index_cast %swap3A_722 : i32 to index
      %swap3A_725 = arith.constant 48 : index
      %swap3A_726 = tpu.vector_load %arg7[%swap3A_723, %swap3A_724, %swap3A_725] {strides = array<i32>} : memref<2x8x64xf32, #tpu.memory_space<vmem>>, vector<16xf32>,
      tpu.vector_store %arg7[%swap3A_723, %swap3A_724, %swap3A_725], %scan3A_701#3 {strides = array<i32>} : memref<2x8x64xf32, #tpu.memory_space<vmem>>, vector<16xf32>,
      %broadcast_in_dim3A_727 = arith.constant 0.000000e+00 : f32
      %broadcast_in_dim3A_728 = vector.broadcast %broadcast_in_dim3A_727 : f32 to vector<16xf32>
      %scan3A_729 = arith.constant 0 : i32
      %scan3A_730 = arith.constant 25 : i32
      %scan3A_731 = arith.addi %scan3A_729, %scan3A_730 : i32
      %scan3A_732 = arith.constant 1 : i32
      %scan3A_733:4 = scf.for %scan3A_967 = %scan3A_729 to %scan3A_731 step %scan3A_732 iter_args(%scan3A_968 = %broadcast_in_dim3A_728, %scan3A_969 = %broadcast_in_dim3A_728, %scan3A_970 = %broadcast_in_dim3A_728, %scan3A_971 = %broadcast_in_dim3A_728) -> (vector<16xf32>, vector<16xf32>, vector<16xf32>, vector<16xf32>)  : i32 {
        %mul3A_972 = arith.constant 2 : i32
        %mul3A_973 = arith.muli %scan3A_967, %mul3A_972 : i32
        %add3A_974 = arith.constant 0 : i32
        %add3A_975 = arith.addi %mul3A_973, %add3A_974 : i32
        %get3A = arith.constant 1 : i32
        %get3A_976 = arith.constant 1 : i32
        %get3A_977 = arith.index_cast %get3A : i32 to index
        %get3A_978 = arith.index_cast %get3A_976 : i32 to index
        %get3A_979 = arith.index_cast %add3A_975 : i32 to index
        %get3A_980 = arith.constant 0 : index
        %get3A_981 = tpu.vector_load %arg6[%get3A_977, %get3A_978, %get3A_979, %get3A_980] {strides = array<i32>} : memref<2x8x50x32xi32, #tpu.memory_space<vmem>>, vector<16xi32>,
        %bitcast3A = vector.bitcast %get3A_981 : vector<16xi32> to vector<32xbf16>
        %add3A_982 = arith.constant 0 : i32
        %add3A_983 = arith.addi %mul3A_973, %add3A_982 : i32
        %get3A_984 = arith.constant 1 : i32
        %get3A_985 = arith.constant 1 : i32
        %get3A_986 = arith.index_cast %get3A_984 : i32 to index
        %get3A_987 = arith.index_cast %get3A_985 : i32 to index
        %get3A_988 = arith.index_cast %add3A_983 : i32 to index
        %get3A_989 = arith.constant 16 : index
        %get3A_990 = tpu.vector_load %arg6[%get3A_986, %get3A_987, %get3A_988, %get3A_989] {strides = array<i32>} : memref<2x8x50x32xi32, #tpu.memory_space<vmem>>, vector<16xi32>,
        %bitcast3A_991 = vector.bitcast %get3A_990 : vector<16xi32> to vector<32xbf16>
        %unpack3A = tpu.unpack_subelements %bitcast3A, 0 {pack_format = #tpu.pack_format<interleaved>} : vector<32xbf16> -> vector<16xf32>
        %unpack3A_992 = tpu.unpack_subelements %bitcast3A, 1 {pack_format = #tpu.pack_format<interleaved>} : vector<32xbf16> -> vector<16xf32>
        %unpack3A_993 = tpu.unpack_subelements %bitcast3A_991, 0 {pack_format = #tpu.pack_format<interleaved>} : vector<32xbf16> -> vector<16xf32>
        %unpack3A_994 = tpu.unpack_subelements %bitcast3A_991, 1 {pack_format = #tpu.pack_format<interleaved>} : vector<32xbf16> -> vector<16xf32>
        %add3A_995 = arith.addf %scan3A_968, %unpack3A : vector<16xf32>
        %add3A_996 = arith.addf %scan3A_969, %unpack3A_992 : vector<16xf32>
        %add3A_997 = arith.addf %scan3A_970, %unpack3A_993 : vector<16xf32>
        %add3A_998 = arith.addf %scan3A_971, %unpack3A_994 : vector<16xf32>
        %add3A_999 = arith.constant 1 : i32
        %add3A_1000 = arith.addi %mul3A_973, %add3A_999 : i32
        %get3A_1001 = arith.constant 1 : i32
        %get3A_1002 = arith.constant 1 : i32
        %get3A_1003 = arith.index_cast %get3A_1001 : i32 to index
        %get3A_1004 = arith.index_cast %get3A_1002 : i32 to index
        %get3A_1005 = arith.index_cast %add3A_1000 : i32 to index
        %get3A_1006 = arith.constant 0 : index
        %get3A_1007 = tpu.vector_load %arg6[%get3A_1003, %get3A_1004, %get3A_1005, %get3A_1006] {strides = array<i32>} : memref<2x8x50x32xi32, #tpu.memory_space<vmem>>, vector<16xi32>,
        %bitcast3A_1008 = vector.bitcast %get3A_1007 : vector<16xi32> to vector<32xbf16>
        %add3A_1009 = arith.constant 1 : i32
        %add3A_1010 = arith.addi %mul3A_973, %add3A_1009 : i32
        %get3A_1011 = arith.constant 1 : i32
        %get3A_1012 = arith.constant 1 : i32
        %get3A_1013 = arith.index_cast %get3A_1011 : i32 to index
        %get3A_1014 = arith.index_cast %get3A_1012 : i32 to index
        %get3A_1015 = arith.index_cast %add3A_1010 : i32 to index
        %get3A_1016 = arith.constant 16 : index
        %get3A_1017 = tpu.vector_load %arg6[%get3A_1013, %get3A_1014, %get3A_1015, %get3A_1016] {strides = array<i32>} : memref<2x8x50x32xi32, #tpu.memory_space<vmem>>, vector<16xi32>,
        %bitcast3A_1018 = vector.bitcast %get3A_1017 : vector<16xi32> to vector<32xbf16>
        %unpack3A_1019 = tpu.unpack_subelements %bitcast3A_1008, 0 {pack_format = #tpu.pack_format<interleaved>} : vector<32xbf16> -> vector<16xf32>
        %unpack3A_1020 = tpu.unpack_subelements %bitcast3A_1008, 1 {pack_format = #tpu.pack_format<interleaved>} : vector<32xbf16> -> vector<16xf32>
        %unpack3A_1021 = tpu.unpack_subelements %bitcast3A_1018, 0 {pack_format = #tpu.pack_format<interleaved>} : vector<32xbf16> -> vector<16xf32>
        %unpack3A_1022 = tpu.unpack_subelements %bitcast3A_1018, 1 {pack_format = #tpu.pack_format<interleaved>} : vector<32xbf16> -> vector<16xf32>
        %add3A_1023 = arith.addf %add3A_995, %unpack3A_1019 : vector<16xf32>
        %add3A_1024 = arith.addf %add3A_996, %unpack3A_1020 : vector<16xf32>
        %add3A_1025 = arith.addf %add3A_997, %unpack3A_1021 : vector<16xf32>
        %add3A_1026 = arith.addf %add3A_998, %unpack3A_1022 : vector<16xf32>
        scf.yield %add3A_1023, %add3A_1024, %add3A_1025, %add3A_1026 : vector<16xf32>, vector<16xf32>, vector<16xf32>, vector<16xf32>
      }
      %scan3A_734 = arith.constant 25 : i32
      %swap3A_735 = arith.constant 1 : i32
      %swap3A_736 = arith.constant 1 : i32
      %swap3A_737 = arith.index_cast %swap3A_735 : i32 to index
      %swap3A_738 = arith.index_cast %swap3A_736 : i32 to index
      %swap3A_739 = arith.constant 0 : index
      %swap3A_740 = tpu.vector_load %arg7[%swap3A_737, %swap3A_738, %swap3A_739] {strides = array<i32>} : memref<2x8x64xf32, #tpu.memory_space<vmem>>, vector<16xf32>,
      tpu.vector_store %arg7[%swap3A_737, %swap3A_738, %swap3A_739], %scan3A_733#0 {strides = array<i32>} : memref<2x8x64xf32, #tpu.memory_space<vmem>>, vector<16xf32>,
      %swap3A_741 = arith.constant 1 : i32
      %swap3A_742 = arith.constant 1 : i32
      %swap3A_743 = arith.index_cast %swap3A_741 : i32 to index
      %swap3A_744 = arith.index_cast %swap3A_742 : i32 to index
      %swap3A_745 = arith.constant 16 : index
      %swap3A_746 = tpu.vector_load %arg7[%swap3A_743, %swap3A_744, %swap3A_745] {strides = array<i32>} : memref<2x8x64xf32, #tpu.memory_space<vmem>>, vector<16xf32>,
      tpu.vector_store %arg7[%swap3A_743, %swap3A_744, %swap3A_745], %scan3A_733#1 {strides = array<i32>} : memref<2x8x64xf32, #tpu.memory_space<vmem>>, vector<16xf32>,
      %swap3A_747 = arith.constant 1 : i32
      %swap3A_748 = arith.constant 1 : i32
      %swap3A_749 = arith.index_cast %swap3A_747 : i32 to index
      %swap3A_750 = arith.index_cast %swap3A_748 : i32 to index
      %swap3A_751 = arith.constant 32 : index
      %swap3A_752 = tpu.vector_load %arg7[%swap3A_749, %swap3A_750, %swap3A_751] {strides = array<i32>} : memref<2x8x64xf32, #tpu.memory_space<vmem>>, vector<16xf32>,
      tpu.vector_store %arg7[%swap3A_749, %swap3A_750, %swap3A_751], %scan3A_733#2 {strides = array<i32>} : memref<2x8x64xf32, #tpu.memory_space<vmem>>, vector<16xf32>,
      %swap3A_753 = arith.constant 1 : i32
      %swap3A_754 = arith.constant 1 : i32
      %swap3A_755 = arith.index_cast %swap3A_753 : i32 to index
      %swap3A_756 = arith.index_cast %swap3A_754 : i32 to index
      %swap3A_757 = arith.constant 48 : index
      %swap3A_758 = tpu.vector_load %arg7[%swap3A_755, %swap3A_756, %swap3A_757] {strides = array<i32>} : memref<2x8x64xf32, #tpu.memory_space<vmem>>, vector<16xf32>,
      tpu.vector_store %arg7[%swap3A_755, %swap3A_756, %swap3A_757], %scan3A_733#3 {strides = array<i32>} : memref<2x8x64xf32, #tpu.memory_space<vmem>>, vector<16xf32>,
      %broadcast_in_dim3A_759 = arith.constant 0.000000e+00 : f32
      %broadcast_in_dim3A_760 = vector.broadcast %broadcast_in_dim3A_759 : f32 to vector<16xf32>
      %scan3A_761 = arith.constant 0 : i32
      %scan3A_762 = arith.constant 25 : i32
      %scan3A_763 = arith.addi %scan3A_761, %scan3A_762 : i32
      %scan3A_764 = arith.constant 1 : i32
      %scan3A_765:4 = scf.for %scan3A_967 = %scan3A_761 to %scan3A_763 step %scan3A_764 iter_args(%scan3A_968 = %broadcast_in_dim3A_760, %scan3A_969 = %broadcast_in_dim3A_760, %scan3A_970 = %broadcast_in_dim3A_760, %scan3A_971 = %broadcast_in_dim3A_760) -> (vector<16xf32>, vector<16xf32>, vector<16xf32>, vector<16xf32>)  : i32 {
        %mul3A_972 = arith.constant 2 : i32
        %mul3A_973 = arith.muli %scan3A_967, %mul3A_972 : i32
        %add3A_974 = arith.constant 0 : i32
        %add3A_975 = arith.addi %mul3A_973, %add3A_974 : i32
        %get3A = arith.constant 1 : i32
        %get3A_976 = arith.constant 2 : i32
        %get3A_977 = arith.index_cast %get3A : i32 to index
        %get3A_978 = arith.index_cast %get3A_976 : i32 to index
        %get3A_979 = arith.index_cast %add3A_975 : i32 to index
        %get3A_980 = arith.constant 0 : index
        %get3A_981 = tpu.vector_load %arg6[%get3A_977, %get3A_978, %get3A_979, %get3A_980] {strides = array<i32>} : memref<2x8x50x32xi32, #tpu.memory_space<vmem>>, vector<16xi32>,
        %bitcast3A = vector.bitcast %get3A_981 : vector<16xi32> to vector<32xbf16>
        %add3A_982 = arith.constant 0 : i32
        %add3A_983 = arith.addi %mul3A_973, %add3A_982 : i32
        %get3A_984 = arith.constant 1 : i32
        %get3A_985 = arith.constant 2 : i32
        %get3A_986 = arith.index_cast %get3A_984 : i32 to index
        %get3A_987 = arith.index_cast %get3A_985 : i32 to index
        %get3A_988 = arith.index_cast %add3A_983 : i32 to index
        %get3A_989 = arith.constant 16 : index
        %get3A_990 = tpu.vector_load %arg6[%get3A_986, %get3A_987, %get3A_988, %get3A_989] {strides = array<i32>} : memref<2x8x50x32xi32, #tpu.memory_space<vmem>>, vector<16xi32>,
        %bitcast3A_991 = vector.bitcast %get3A_990 : vector<16xi32> to vector<32xbf16>
        %unpack3A = tpu.unpack_subelements %bitcast3A, 0 {pack_format = #tpu.pack_format<interleaved>} : vector<32xbf16> -> vector<16xf32>
        %unpack3A_992 = tpu.unpack_subelements %bitcast3A, 1 {pack_format = #tpu.pack_format<interleaved>} : vector<32xbf16> -> vector<16xf32>
        %unpack3A_993 = tpu.unpack_subelements %bitcast3A_991, 0 {pack_format = #tpu.pack_format<interleaved>} : vector<32xbf16> -> vector<16xf32>
        %unpack3A_994 = tpu.unpack_subelements %bitcast3A_991, 1 {pack_format = #tpu.pack_format<interleaved>} : vector<32xbf16> -> vector<16xf32>
        %add3A_995 = arith.addf %scan3A_968, %unpack3A : vector<16xf32>
        %add3A_996 = arith.addf %scan3A_969, %unpack3A_992 : vector<16xf32>
        %add3A_997 = arith.addf %scan3A_970, %unpack3A_993 : vector<16xf32>
        %add3A_998 = arith.addf %scan3A_971, %unpack3A_994 : vector<16xf32>
        %add3A_999 = arith.constant 1 : i32
        %add3A_1000 = arith.addi %mul3A_973, %add3A_999 : i32
        %get3A_1001 = arith.constant 1 : i32
        %get3A_1002 = arith.constant 2 : i32
        %get3A_1003 = arith.index_cast %get3A_1001 : i32 to index
        %get3A_1004 = arith.index_cast %get3A_1002 : i32 to index
        %get3A_1005 = arith.index_cast %add3A_1000 : i32 to index
        %get3A_1006 = arith.constant 0 : index
        %get3A_1007 = tpu.vector_load %arg6[%get3A_1003, %get3A_1004, %get3A_1005, %get3A_1006] {strides = array<i32>} : memref<2x8x50x32xi32, #tpu.memory_space<vmem>>, vector<16xi32>,
        %bitcast3A_1008 = vector.bitcast %get3A_1007 : vector<16xi32> to vector<32xbf16>
        %add3A_1009 = arith.constant 1 : i32
        %add3A_1010 = arith.addi %mul3A_973, %add3A_1009 : i32
        %get3A_1011 = arith.constant 1 : i32
        %get3A_1012 = arith.constant 2 : i32
        %get3A_1013 = arith.index_cast %get3A_1011 : i32 to index
        %get3A_1014 = arith.index_cast %get3A_1012 : i32 to index
        %get3A_1015 = arith.index_cast %add3A_1010 : i32 to index
        %get3A_1016 = arith.constant 16 : index
        %get3A_1017 = tpu.vector_load %arg6[%get3A_1013, %get3A_1014, %get3A_1015, %get3A_1016] {strides = array<i32>} : memref<2x8x50x32xi32, #tpu.memory_space<vmem>>, vector<16xi32>,
        %bitcast3A_1018 = vector.bitcast %get3A_1017 : vector<16xi32> to vector<32xbf16>
        %unpack3A_1019 = tpu.unpack_subelements %bitcast3A_1008, 0 {pack_format = #tpu.pack_format<interleaved>} : vector<32xbf16> -> vector<16xf32>
        %unpack3A_1020 = tpu.unpack_subelements %bitcast3A_1008, 1 {pack_format = #tpu.pack_format<interleaved>} : vector<32xbf16> -> vector<16xf32>
        %unpack3A_1021 = tpu.unpack_subelements %bitcast3A_1018, 0 {pack_format = #tpu.pack_format<interleaved>} : vector<32xbf16> -> vector<16xf32>
        %unpack3A_1022 = tpu.unpack_subelements %bitcast3A_1018, 1 {pack_format = #tpu.pack_format<interleaved>} : vector<32xbf16> -> vector<16xf32>
        %add3A_1023 = arith.addf %add3A_995, %unpack3A_1019 : vector<16xf32>
        %add3A_1024 = arith.addf %add3A_996, %unpack3A_1020 : vector<16xf32>
        %add3A_1025 = arith.addf %add3A_997, %unpack3A_1021 : vector<16xf32>
        %add3A_1026 = arith.addf %add3A_998, %unpack3A_1022 : vector<16xf32>
        scf.yield %add3A_1023, %add3A_1024, %add3A_1025, %add3A_1026 : vector<16xf32>, vector<16xf32>, vector<16xf32>, vector<16xf32>
      }
      %scan3A_766 = arith.constant 25 : i32
      %swap3A_767 = arith.constant 1 : i32
      %swap3A_768 = arith.constant 2 : i32
      %swap3A_769 = arith.index_cast %swap3A_767 : i32 to index
      %swap3A_770 = arith.index_cast %swap3A_768 : i32 to index
      %swap3A_771 = arith.constant 0 : index
      %swap3A_772 = tpu.vector_load %arg7[%swap3A_769, %swap3A_770, %swap3A_771] {strides = array<i32>} : memref<2x8x64xf32, #tpu.memory_space<vmem>>, vector<16xf32>,
      tpu.vector_store %arg7[%swap3A_769, %swap3A_770, %swap3A_771], %scan3A_765#0 {strides = array<i32>} : memref<2x8x64xf32, #tpu.memory_space<vmem>>, vector<16xf32>,
      %swap3A_773 = arith.constant 1 : i32
      %swap3A_774 = arith.constant 2 : i32
      %swap3A_775 = arith.index_cast %swap3A_773 : i32 to index
      %swap3A_776 = arith.index_cast %swap3A_774 : i32 to index
      %swap3A_777 = arith.constant 16 : index
      %swap3A_778 = tpu.vector_load %arg7[%swap3A_775, %swap3A_776, %swap3A_777] {strides = array<i32>} : memref<2x8x64xf32, #tpu.memory_space<vmem>>, vector<16xf32>,
      tpu.vector_store %arg7[%swap3A_775, %swap3A_776, %swap3A_777], %scan3A_765#1 {strides = array<i32>} : memref<2x8x64xf32, #tpu.memory_space<vmem>>, vector<16xf32>,
      %swap3A_779 = arith.constant 1 : i32
      %swap3A_780 = arith.constant 2 : i32
      %swap3A_781 = arith.index_cast %swap3A_779 : i32 to index
      %swap3A_782 = arith.index_cast %swap3A_780 : i32 to index
      %swap3A_783 = arith.constant 32 : index
      %swap3A_784 = tpu.vector_load %arg7[%swap3A_781, %swap3A_782, %swap3A_783] {strides = array<i32>} : memref<2x8x64xf32, #tpu.memory_space<vmem>>, vector<16xf32>,
      tpu.vector_store %arg7[%swap3A_781, %swap3A_782, %swap3A_783], %scan3A_765#2 {strides = array<i32>} : memref<2x8x64xf32, #tpu.memory_space<vmem>>, vector<16xf32>,
      %swap3A_785 = arith.constant 1 : i32
      %swap3A_786 = arith.constant 2 : i32
      %swap3A_787 = arith.index_cast %swap3A_785 : i32 to index
      %swap3A_788 = arith.index_cast %swap3A_786 : i32 to index
      %swap3A_789 = arith.constant 48 : index
      %swap3A_790 = tpu.vector_load %arg7[%swap3A_787, %swap3A_788, %swap3A_789] {strides = array<i32>} : memref<2x8x64xf32, #tpu.memory_space<vmem>>, vector<16xf32>,
      tpu.vector_store %arg7[%swap3A_787, %swap3A_788, %swap3A_789], %scan3A_765#3 {strides = array<i32>} : memref<2x8x64xf32, #tpu.memory_space<vmem>>, vector<16xf32>,
      %broadcast_in_dim3A_791 = arith.constant 0.000000e+00 : f32
      %broadcast_in_dim3A_792 = vector.broadcast %broadcast_in_dim3A_791 : f32 to vector<16xf32>
      %scan3A_793 = arith.constant 0 : i32
      %scan3A_794 = arith.constant 25 : i32
      %scan3A_795 = arith.addi %scan3A_793, %scan3A_794 : i32
      %scan3A_796 = arith.constant 1 : i32
      %scan3A_797:4 = scf.for %scan3A_967 = %scan3A_793 to %scan3A_795 step %scan3A_796 iter_args(%scan3A_968 = %broadcast_in_dim3A_792, %scan3A_969 = %broadcast_in_dim3A_792, %scan3A_970 = %broadcast_in_dim3A_792, %scan3A_971 = %broadcast_in_dim3A_792) -> (vector<16xf32>, vector<16xf32>, vector<16xf32>, vector<16xf32>)  : i32 {
        %mul3A_972 = arith.constant 2 : i32
        %mul3A_973 = arith.muli %scan3A_967, %mul3A_972 : i32
        %add3A_974 = arith.constant 0 : i32
        %add3A_975 = arith.addi %mul3A_973, %add3A_974 : i32
        %get3A = arith.constant 1 : i32
        %get3A_976 = arith.constant 3 : i32
        %get3A_977 = arith.index_cast %get3A : i32 to index
        %get3A_978 = arith.index_cast %get3A_976 : i32 to index
        %get3A_979 = arith.index_cast %add3A_975 : i32 to index
        %get3A_980 = arith.constant 0 : index
        %get3A_981 = tpu.vector_load %arg6[%get3A_977, %get3A_978, %get3A_979, %get3A_980] {strides = array<i32>} : memref<2x8x50x32xi32, #tpu.memory_space<vmem>>, vector<16xi32>,
        %bitcast3A = vector.bitcast %get3A_981 : vector<16xi32> to vector<32xbf16>
        %add3A_982 = arith.constant 0 : i32
        %add3A_983 = arith.addi %mul3A_973, %add3A_982 : i32
        %get3A_984 = arith.constant 1 : i32
        %get3A_985 = arith.constant 3 : i32
        %get3A_986 = arith.index_cast %get3A_984 : i32 to index
        %get3A_987 = arith.index_cast %get3A_985 : i32 to index
        %get3A_988 = arith.index_cast %add3A_983 : i32 to index
        %get3A_989 = arith.constant 16 : index
        %get3A_990 = tpu.vector_load %arg6[%get3A_986, %get3A_987, %get3A_988, %get3A_989] {strides = array<i32>} : memref<2x8x50x32xi32, #tpu.memory_space<vmem>>, vector<16xi32>,
        %bitcast3A_991 = vector.bitcast %get3A_990 : vector<16xi32> to vector<32xbf16>
        %unpack3A = tpu.unpack_subelements %bitcast3A, 0 {pack_format = #tpu.pack_format<interleaved>} : vector<32xbf16> -> vector<16xf32>
        %unpack3A_992 = tpu.unpack_subelements %bitcast3A, 1 {pack_format = #tpu.pack_format<interleaved>} : vector<32xbf16> -> vector<16xf32>
        %unpack3A_993 = tpu.unpack_subelements %bitcast3A_991, 0 {pack_format = #tpu.pack_format<interleaved>} : vector<32xbf16> -> vector<16xf32>
        %unpack3A_994 = tpu.unpack_subelements %bitcast3A_991, 1 {pack_format = #tpu.pack_format<interleaved>} : vector<32xbf16> -> vector<16xf32>
        %add3A_995 = arith.addf %scan3A_968, %unpack3A : vector<16xf32>
        %add3A_996 = arith.addf %scan3A_969, %unpack3A_992 : vector<16xf32>
        %add3A_997 = arith.addf %scan3A_970, %unpack3A_993 : vector<16xf32>
        %add3A_998 = arith.addf %scan3A_971, %unpack3A_994 : vector<16xf32>
        %add3A_999 = arith.constant 1 : i32
        %add3A_1000 = arith.addi %mul3A_973, %add3A_999 : i32
        %get3A_1001 = arith.constant 1 : i32
        %get3A_1002 = arith.constant 3 : i32
        %get3A_1003 = arith.index_cast %get3A_1001 : i32 to index
        %get3A_1004 = arith.index_cast %get3A_1002 : i32 to index
        %get3A_1005 = arith.index_cast %add3A_1000 : i32 to index
        %get3A_1006 = arith.constant 0 : index
        %get3A_1007 = tpu.vector_load %arg6[%get3A_1003, %get3A_1004, %get3A_1005, %get3A_1006] {strides = array<i32>} : memref<2x8x50x32xi32, #tpu.memory_space<vmem>>, vector<16xi32>,
        %bitcast3A_1008 = vector.bitcast %get3A_1007 : vector<16xi32> to vector<32xbf16>
        %add3A_1009 = arith.constant 1 : i32
        %add3A_1010 = arith.addi %mul3A_973, %add3A_1009 : i32
        %get3A_1011 = arith.constant 1 : i32
        %get3A_1012 = arith.constant 3 : i32
        %get3A_1013 = arith.index_cast %get3A_1011 : i32 to index
        %get3A_1014 = arith.index_cast %get3A_1012 : i32 to index
        %get3A_1015 = arith.index_cast %add3A_1010 : i32 to index
        %get3A_1016 = arith.constant 16 : index
        %get3A_1017 = tpu.vector_load %arg6[%get3A_1013, %get3A_1014, %get3A_1015, %get3A_1016] {strides = array<i32>} : memref<2x8x50x32xi32, #tpu.memory_space<vmem>>, vector<16xi32>,
        %bitcast3A_1018 = vector.bitcast %get3A_1017 : vector<16xi32> to vector<32xbf16>
        %unpack3A_1019 = tpu.unpack_subelements %bitcast3A_1008, 0 {pack_format = #tpu.pack_format<interleaved>} : vector<32xbf16> -> vector<16xf32>
        %unpack3A_1020 = tpu.unpack_subelements %bitcast3A_1008, 1 {pack_format = #tpu.pack_format<interleaved>} : vector<32xbf16> -> vector<16xf32>
        %unpack3A_1021 = tpu.unpack_subelements %bitcast3A_1018, 0 {pack_format = #tpu.pack_format<interleaved>} : vector<32xbf16> -> vector<16xf32>
        %unpack3A_1022 = tpu.unpack_subelements %bitcast3A_1018, 1 {pack_format = #tpu.pack_format<interleaved>} : vector<32xbf16> -> vector<16xf32>
        %add3A_1023 = arith.addf %add3A_995, %unpack3A_1019 : vector<16xf32>
        %add3A_1024 = arith.addf %add3A_996, %unpack3A_1020 : vector<16xf32>
        %add3A_1025 = arith.addf %add3A_997, %unpack3A_1021 : vector<16xf32>
        %add3A_1026 = arith.addf %add3A_998, %unpack3A_1022 : vector<16xf32>
        scf.yield %add3A_1023, %add3A_1024, %add3A_1025, %add3A_1026 : vector<16xf32>, vector<16xf32>, vector<16xf32>, vector<16xf32>
      }
      %scan3A_798 = arith.constant 25 : i32
      %swap3A_799 = arith.constant 1 : i32
      %swap3A_800 = arith.constant 3 : i32
      %swap3A_801 = arith.index_cast %swap3A_799 : i32 to index
      %swap3A_802 = arith.index_cast %swap3A_800 : i32 to index
      %swap3A_803 = arith.constant 0 : index
      %swap3A_804 = tpu.vector_load %arg7[%swap3A_801, %swap3A_802, %swap3A_803] {strides = array<i32>} : memref<2x8x64xf32, #tpu.memory_space<vmem>>, vector<16xf32>,
      tpu.vector_store %arg7[%swap3A_801, %swap3A_802, %swap3A_803], %scan3A_797#0 {strides = array<i32>} : memref<2x8x64xf32, #tpu.memory_space<vmem>>, vector<16xf32>,
      %swap3A_805 = arith.constant 1 : i32
      %swap3A_806 = arith.constant 3 : i32
      %swap3A_807 = arith.index_cast %swap3A_805 : i32 to index
      %swap3A_808 = arith.index_cast %swap3A_806 : i32 to index
      %swap3A_809 = arith.constant 16 : index
      %swap3A_810 = tpu.vector_load %arg7[%swap3A_807, %swap3A_808, %swap3A_809] {strides = array<i32>} : memref<2x8x64xf32, #tpu.memory_space<vmem>>, vector<16xf32>,
      tpu.vector_store %arg7[%swap3A_807, %swap3A_808, %swap3A_809], %scan3A_797#1 {strides = array<i32>} : memref<2x8x64xf32, #tpu.memory_space<vmem>>, vector<16xf32>,
      %swap3A_811 = arith.constant 1 : i32
      %swap3A_812 = arith.constant 3 : i32
      %swap3A_813 = arith.index_cast %swap3A_811 : i32 to index
      %swap3A_814 = arith.index_cast %swap3A_812 : i32 to index
      %swap3A_815 = arith.constant 32 : index
      %swap3A_816 = tpu.vector_load %arg7[%swap3A_813, %swap3A_814, %swap3A_815] {strides = array<i32>} : memref<2x8x64xf32, #tpu.memory_space<vmem>>, vector<16xf32>,
      tpu.vector_store %arg7[%swap3A_813, %swap3A_814, %swap3A_815], %scan3A_797#2 {strides = array<i32>} : memref<2x8x64xf32, #tpu.memory_space<vmem>>, vector<16xf32>,
      %swap3A_817 = arith.constant 1 : i32
      %swap3A_818 = arith.constant 3 : i32
      %swap3A_819 = arith.index_cast %swap3A_817 : i32 to index
      %swap3A_820 = arith.index_cast %swap3A_818 : i32 to index
      %swap3A_821 = arith.constant 48 : index
      %swap3A_822 = tpu.vector_load %arg7[%swap3A_819, %swap3A_820, %swap3A_821] {strides = array<i32>} : memref<2x8x64xf32, #tpu.memory_space<vmem>>, vector<16xf32>,
      tpu.vector_store %arg7[%swap3A_819, %swap3A_820, %swap3A_821], %scan3A_797#3 {strides = array<i32>} : memref<2x8x64xf32, #tpu.memory_space<vmem>>, vector<16xf32>,
      %broadcast_in_dim3A_823 = arith.constant 0.000000e+00 : f32
      %broadcast_in_dim3A_824 = vector.broadcast %broadcast_in_dim3A_823 : f32 to vector<16xf32>
      %scan3A_825 = arith.constant 0 : i32
      %scan3A_826 = arith.constant 25 : i32
      %scan3A_827 = arith.addi %scan3A_825, %scan3A_826 : i32
      %scan3A_828 = arith.constant 1 : i32
      %scan3A_829:4 = scf.for %scan3A_967 = %scan3A_825 to %scan3A_827 step %scan3A_828 iter_args(%scan3A_968 = %broadcast_in_dim3A_824, %scan3A_969 = %broadcast_in_dim3A_824, %scan3A_970 = %broadcast_in_dim3A_824, %scan3A_971 = %broadcast_in_dim3A_824) -> (vector<16xf32>, vector<16xf32>, vector<16xf32>, vector<16xf32>)  : i32 {
        %mul3A_972 = arith.constant 2 : i32
        %mul3A_973 = arith.muli %scan3A_967, %mul3A_972 : i32
        %add3A_974 = arith.constant 0 : i32
        %add3A_975 = arith.addi %mul3A_973, %add3A_974 : i32
        %get3A = arith.constant 1 : i32
        %get3A_976 = arith.constant 4 : i32
        %get3A_977 = arith.index_cast %get3A : i32 to index
        %get3A_978 = arith.index_cast %get3A_976 : i32 to index
        %get3A_979 = arith.index_cast %add3A_975 : i32 to index
        %get3A_980 = arith.constant 0 : index
        %get3A_981 = tpu.vector_load %arg6[%get3A_977, %get3A_978, %get3A_979, %get3A_980] {strides = array<i32>} : memref<2x8x50x32xi32, #tpu.memory_space<vmem>>, vector<16xi32>,
        %bitcast3A = vector.bitcast %get3A_981 : vector<16xi32> to vector<32xbf16>
        %add3A_982 = arith.constant 0 : i32
        %add3A_983 = arith.addi %mul3A_973, %add3A_982 : i32
        %get3A_984 = arith.constant 1 : i32
        %get3A_985 = arith.constant 4 : i32
        %get3A_986 = arith.index_cast %get3A_984 : i32 to index
        %get3A_987 = arith.index_cast %get3A_985 : i32 to index
        %get3A_988 = arith.index_cast %add3A_983 : i32 to index
        %get3A_989 = arith.constant 16 : index
        %get3A_990 = tpu.vector_load %arg6[%get3A_986, %get3A_987, %get3A_988, %get3A_989] {strides = array<i32>} : memref<2x8x50x32xi32, #tpu.memory_space<vmem>>, vector<16xi32>,
        %bitcast3A_991 = vector.bitcast %get3A_990 : vector<16xi32> to vector<32xbf16>
        %unpack3A = tpu.unpack_subelements %bitcast3A, 0 {pack_format = #tpu.pack_format<interleaved>} : vector<32xbf16> -> vector<16xf32>
        %unpack3A_992 = tpu.unpack_subelements %bitcast3A, 1 {pack_format = #tpu.pack_format<interleaved>} : vector<32xbf16> -> vector<16xf32>
        %unpack3A_993 = tpu.unpack_subelements %bitcast3A_991, 0 {pack_format = #tpu.pack_format<interleaved>} : vector<32xbf16> -> vector<16xf32>
        %unpack3A_994 = tpu.unpack_subelements %bitcast3A_991, 1 {pack_format = #tpu.pack_format<interleaved>} : vector<32xbf16> -> vector<16xf32>
        %add3A_995 = arith.addf %scan3A_968, %unpack3A : vector<16xf32>
        %add3A_996 = arith.addf %scan3A_969, %unpack3A_992 : vector<16xf32>
        %add3A_997 = arith.addf %scan3A_970, %unpack3A_993 : vector<16xf32>
        %add3A_998 = arith.addf %scan3A_971, %unpack3A_994 : vector<16xf32>
        %add3A_999 = arith.constant 1 : i32
        %add3A_1000 = arith.addi %mul3A_973, %add3A_999 : i32
        %get3A_1001 = arith.constant 1 : i32
        %get3A_1002 = arith.constant 4 : i32
        %get3A_1003 = arith.index_cast %get3A_1001 : i32 to index
        %get3A_1004 = arith.index_cast %get3A_1002 : i32 to index
        %get3A_1005 = arith.index_cast %add3A_1000 : i32 to index
        %get3A_1006 = arith.constant 0 : index
        %get3A_1007 = tpu.vector_load %arg6[%get3A_1003, %get3A_1004, %get3A_1005, %get3A_1006] {strides = array<i32>} : memref<2x8x50x32xi32, #tpu.memory_space<vmem>>, vector<16xi32>,
        %bitcast3A_1008 = vector.bitcast %get3A_1007 : vector<16xi32> to vector<32xbf16>
        %add3A_1009 = arith.constant 1 : i32
        %add3A_1010 = arith.addi %mul3A_973, %add3A_1009 : i32
        %get3A_1011 = arith.constant 1 : i32
        %get3A_1012 = arith.constant 4 : i32
        %get3A_1013 = arith.index_cast %get3A_1011 : i32 to index
        %get3A_1014 = arith.index_cast %get3A_1012 : i32 to index
        %get3A_1015 = arith.index_cast %add3A_1010 : i32 to index
        %get3A_1016 = arith.constant 16 : index
        %get3A_1017 = tpu.vector_load %arg6[%get3A_1013, %get3A_1014, %get3A_1015, %get3A_1016] {strides = array<i32>} : memref<2x8x50x32xi32, #tpu.memory_space<vmem>>, vector<16xi32>,
        %bitcast3A_1018 = vector.bitcast %get3A_1017 : vector<16xi32> to vector<32xbf16>
        %unpack3A_1019 = tpu.unpack_subelements %bitcast3A_1008, 0 {pack_format = #tpu.pack_format<interleaved>} : vector<32xbf16> -> vector<16xf32>
        %unpack3A_1020 = tpu.unpack_subelements %bitcast3A_1008, 1 {pack_format = #tpu.pack_format<interleaved>} : vector<32xbf16> -> vector<16xf32>
        %unpack3A_1021 = tpu.unpack_subelements %bitcast3A_1018, 0 {pack_format = #tpu.pack_format<interleaved>} : vector<32xbf16> -> vector<16xf32>
        %unpack3A_1022 = tpu.unpack_subelements %bitcast3A_1018, 1 {pack_format = #tpu.pack_format<interleaved>} : vector<32xbf16> -> vector<16xf32>
        %add3A_1023 = arith.addf %add3A_995, %unpack3A_1019 : vector<16xf32>
        %add3A_1024 = arith.addf %add3A_996, %unpack3A_1020 : vector<16xf32>
        %add3A_1025 = arith.addf %add3A_997, %unpack3A_1021 : vector<16xf32>
        %add3A_1026 = arith.addf %add3A_998, %unpack3A_1022 : vector<16xf32>
        scf.yield %add3A_1023, %add3A_1024, %add3A_1025, %add3A_1026 : vector<16xf32>, vector<16xf32>, vector<16xf32>, vector<16xf32>
      }
      %scan3A_830 = arith.constant 25 : i32
      %swap3A_831 = arith.constant 1 : i32
      %swap3A_832 = arith.constant 4 : i32
      %swap3A_833 = arith.index_cast %swap3A_831 : i32 to index
      %swap3A_834 = arith.index_cast %swap3A_832 : i32 to index
      %swap3A_835 = arith.constant 0 : index
      %swap3A_836 = tpu.vector_load %arg7[%swap3A_833, %swap3A_834, %swap3A_835] {strides = array<i32>} : memref<2x8x64xf32, #tpu.memory_space<vmem>>, vector<16xf32>,
      tpu.vector_store %arg7[%swap3A_833, %swap3A_834, %swap3A_835], %scan3A_829#0 {strides = array<i32>} : memref<2x8x64xf32, #tpu.memory_space<vmem>>, vector<16xf32>,
      %swap3A_837 = arith.constant 1 : i32
      %swap3A_838 = arith.constant 4 : i32
      %swap3A_839 = arith.index_cast %swap3A_837 : i32 to index
      %swap3A_840 = arith.index_cast %swap3A_838 : i32 to index
      %swap3A_841 = arith.constant 16 : index
      %swap3A_842 = tpu.vector_load %arg7[%swap3A_839, %swap3A_840, %swap3A_841] {strides = array<i32>} : memref<2x8x64xf32, #tpu.memory_space<vmem>>, vector<16xf32>,
      tpu.vector_store %arg7[%swap3A_839, %swap3A_840, %swap3A_841], %scan3A_829#1 {strides = array<i32>} : memref<2x8x64xf32, #tpu.memory_space<vmem>>, vector<16xf32>,
      %swap3A_843 = arith.constant 1 : i32
      %swap3A_844 = arith.constant 4 : i32
      %swap3A_845 = arith.index_cast %swap3A_843 : i32 to index
      %swap3A_846 = arith.index_cast %swap3A_844 : i32 to index
      %swap3A_847 = arith.constant 32 : index
      %swap3A_848 = tpu.vector_load %arg7[%swap3A_845, %swap3A_846, %swap3A_847] {strides = array<i32>} : memref<2x8x64xf32, #tpu.memory_space<vmem>>, vector<16xf32>,
      tpu.vector_store %arg7[%swap3A_845, %swap3A_846, %swap3A_847], %scan3A_829#2 {strides = array<i32>} : memref<2x8x64xf32, #tpu.memory_space<vmem>>, vector<16xf32>,
      %swap3A_849 = arith.constant 1 : i32
      %swap3A_850 = arith.constant 4 : i32
      %swap3A_851 = arith.index_cast %swap3A_849 : i32 to index
      %swap3A_852 = arith.index_cast %swap3A_850 : i32 to index
      %swap3A_853 = arith.constant 48 : index
      %swap3A_854 = tpu.vector_load %arg7[%swap3A_851, %swap3A_852, %swap3A_853] {strides = array<i32>} : memref<2x8x64xf32, #tpu.memory_space<vmem>>, vector<16xf32>,
      tpu.vector_store %arg7[%swap3A_851, %swap3A_852, %swap3A_853], %scan3A_829#3 {strides = array<i32>} : memref<2x8x64xf32, #tpu.memory_space<vmem>>, vector<16xf32>,
      %broadcast_in_dim3A_855 = arith.constant 0.000000e+00 : f32
      %broadcast_in_dim3A_856 = vector.broadcast %broadcast_in_dim3A_855 : f32 to vector<16xf32>
      %scan3A_857 = arith.constant 0 : i32
      %scan3A_858 = arith.constant 25 : i32
      %scan3A_859 = arith.addi %scan3A_857, %scan3A_858 : i32
      %scan3A_860 = arith.constant 1 : i32
      %scan3A_861:4 = scf.for %scan3A_967 = %scan3A_857 to %scan3A_859 step %scan3A_860 iter_args(%scan3A_968 = %broadcast_in_dim3A_856, %scan3A_969 = %broadcast_in_dim3A_856, %scan3A_970 = %broadcast_in_dim3A_856, %scan3A_971 = %broadcast_in_dim3A_856) -> (vector<16xf32>, vector<16xf32>, vector<16xf32>, vector<16xf32>)  : i32 {
        %mul3A_972 = arith.constant 2 : i32
        %mul3A_973 = arith.muli %scan3A_967, %mul3A_972 : i32
        %add3A_974 = arith.constant 0 : i32
        %add3A_975 = arith.addi %mul3A_973, %add3A_974 : i32
        %get3A = arith.constant 1 : i32
        %get3A_976 = arith.constant 5 : i32
        %get3A_977 = arith.index_cast %get3A : i32 to index
        %get3A_978 = arith.index_cast %get3A_976 : i32 to index
        %get3A_979 = arith.index_cast %add3A_975 : i32 to index
        %get3A_980 = arith.constant 0 : index
        %get3A_981 = tpu.vector_load %arg6[%get3A_977, %get3A_978, %get3A_979, %get3A_980] {strides = array<i32>} : memref<2x8x50x32xi32, #tpu.memory_space<vmem>>, vector<16xi32>,
        %bitcast3A = vector.bitcast %get3A_981 : vector<16xi32> to vector<32xbf16>
        %add3A_982 = arith.constant 0 : i32
        %add3A_983 = arith.addi %mul3A_973, %add3A_982 : i32
        %get3A_984 = arith.constant 1 : i32
        %get3A_985 = arith.constant 5 : i32
        %get3A_986 = arith.index_cast %get3A_984 : i32 to index
        %get3A_987 = arith.index_cast %get3A_985 : i32 to index
        %get3A_988 = arith.index_cast %add3A_983 : i32 to index
        %get3A_989 = arith.constant 16 : index
        %get3A_990 = tpu.vector_load %arg6[%get3A_986, %get3A_987, %get3A_988, %get3A_989] {strides = array<i32>} : memref<2x8x50x32xi32, #tpu.memory_space<vmem>>, vector<16xi32>,
        %bitcast3A_991 = vector.bitcast %get3A_990 : vector<16xi32> to vector<32xbf16>
        %unpack3A = tpu.unpack_subelements %bitcast3A, 0 {pack_format = #tpu.pack_format<interleaved>} : vector<32xbf16> -> vector<16xf32>
        %unpack3A_992 = tpu.unpack_subelements %bitcast3A, 1 {pack_format = #tpu.pack_format<interleaved>} : vector<32xbf16> -> vector<16xf32>
        %unpack3A_993 = tpu.unpack_subelements %bitcast3A_991, 0 {pack_format = #tpu.pack_format<interleaved>} : vector<32xbf16> -> vector<16xf32>
        %unpack3A_994 = tpu.unpack_subelements %bitcast3A_991, 1 {pack_format = #tpu.pack_format<interleaved>} : vector<32xbf16> -> vector<16xf32>
        %add3A_995 = arith.addf %scan3A_968, %unpack3A : vector<16xf32>
        %add3A_996 = arith.addf %scan3A_969, %unpack3A_992 : vector<16xf32>
        %add3A_997 = arith.addf %scan3A_970, %unpack3A_993 : vector<16xf32>
        %add3A_998 = arith.addf %scan3A_971, %unpack3A_994 : vector<16xf32>
        %add3A_999 = arith.constant 1 : i32
        %add3A_1000 = arith.addi %mul3A_973, %add3A_999 : i32
        %get3A_1001 = arith.constant 1 : i32
        %get3A_1002 = arith.constant 5 : i32
        %get3A_1003 = arith.index_cast %get3A_1001 : i32 to index
        %get3A_1004 = arith.index_cast %get3A_1002 : i32 to index
        %get3A_1005 = arith.index_cast %add3A_1000 : i32 to index
        %get3A_1006 = arith.constant 0 : index
        %get3A_1007 = tpu.vector_load %arg6[%get3A_1003, %get3A_1004, %get3A_1005, %get3A_1006] {strides = array<i32>} : memref<2x8x50x32xi32, #tpu.memory_space<vmem>>, vector<16xi32>,
        %bitcast3A_1008 = vector.bitcast %get3A_1007 : vector<16xi32> to vector<32xbf16>
        %add3A_1009 = arith.constant 1 : i32
        %add3A_1010 = arith.addi %mul3A_973, %add3A_1009 : i32
        %get3A_1011 = arith.constant 1 : i32
        %get3A_1012 = arith.constant 5 : i32
        %get3A_1013 = arith.index_cast %get3A_1011 : i32 to index
        %get3A_1014 = arith.index_cast %get3A_1012 : i32 to index
        %get3A_1015 = arith.index_cast %add3A_1010 : i32 to index
        %get3A_1016 = arith.constant 16 : index
        %get3A_1017 = tpu.vector_load %arg6[%get3A_1013, %get3A_1014, %get3A_1015, %get3A_1016] {strides = array<i32>} : memref<2x8x50x32xi32, #tpu.memory_space<vmem>>, vector<16xi32>,
        %bitcast3A_1018 = vector.bitcast %get3A_1017 : vector<16xi32> to vector<32xbf16>
        %unpack3A_1019 = tpu.unpack_subelements %bitcast3A_1008, 0 {pack_format = #tpu.pack_format<interleaved>} : vector<32xbf16> -> vector<16xf32>
        %unpack3A_1020 = tpu.unpack_subelements %bitcast3A_1008, 1 {pack_format = #tpu.pack_format<interleaved>} : vector<32xbf16> -> vector<16xf32>
        %unpack3A_1021 = tpu.unpack_subelements %bitcast3A_1018, 0 {pack_format = #tpu.pack_format<interleaved>} : vector<32xbf16> -> vector<16xf32>
        %unpack3A_1022 = tpu.unpack_subelements %bitcast3A_1018, 1 {pack_format = #tpu.pack_format<interleaved>} : vector<32xbf16> -> vector<16xf32>
        %add3A_1023 = arith.addf %add3A_995, %unpack3A_1019 : vector<16xf32>
        %add3A_1024 = arith.addf %add3A_996, %unpack3A_1020 : vector<16xf32>
        %add3A_1025 = arith.addf %add3A_997, %unpack3A_1021 : vector<16xf32>
        %add3A_1026 = arith.addf %add3A_998, %unpack3A_1022 : vector<16xf32>
        scf.yield %add3A_1023, %add3A_1024, %add3A_1025, %add3A_1026 : vector<16xf32>, vector<16xf32>, vector<16xf32>, vector<16xf32>
      }
      %scan3A_862 = arith.constant 25 : i32
      %swap3A_863 = arith.constant 1 : i32
      %swap3A_864 = arith.constant 5 : i32
      %swap3A_865 = arith.index_cast %swap3A_863 : i32 to index
      %swap3A_866 = arith.index_cast %swap3A_864 : i32 to index
      %swap3A_867 = arith.constant 0 : index
      %swap3A_868 = tpu.vector_load %arg7[%swap3A_865, %swap3A_866, %swap3A_867] {strides = array<i32>} : memref<2x8x64xf32, #tpu.memory_space<vmem>>, vector<16xf32>,
      tpu.vector_store %arg7[%swap3A_865, %swap3A_866, %swap3A_867], %scan3A_861#0 {strides = array<i32>} : memref<2x8x64xf32, #tpu.memory_space<vmem>>, vector<16xf32>,
      %swap3A_869 = arith.constant 1 : i32
      %swap3A_870 = arith.constant 5 : i32
      %swap3A_871 = arith.index_cast %swap3A_869 : i32 to index
      %swap3A_872 = arith.index_cast %swap3A_870 : i32 to index
      %swap3A_873 = arith.constant 16 : index
      %swap3A_874 = tpu.vector_load %arg7[%swap3A_871, %swap3A_872, %swap3A_873] {strides = array<i32>} : memref<2x8x64xf32, #tpu.memory_space<vmem>>, vector<16xf32>,
      tpu.vector_store %arg7[%swap3A_871, %swap3A_872, %swap3A_873], %scan3A_861#1 {strides = array<i32>} : memref<2x8x64xf32, #tpu.memory_space<vmem>>, vector<16xf32>,
      %swap3A_875 = arith.constant 1 : i32
      %swap3A_876 = arith.constant 5 : i32
      %swap3A_877 = arith.index_cast %swap3A_875 : i32 to index
      %swap3A_878 = arith.index_cast %swap3A_876 : i32 to index
      %swap3A_879 = arith.constant 32 : index
      %swap3A_880 = tpu.vector_load %arg7[%swap3A_877, %swap3A_878, %swap3A_879] {strides = array<i32>} : memref<2x8x64xf32, #tpu.memory_space<vmem>>, vector<16xf32>,
      tpu.vector_store %arg7[%swap3A_877, %swap3A_878, %swap3A_879], %scan3A_861#2 {strides = array<i32>} : memref<2x8x64xf32, #tpu.memory_space<vmem>>, vector<16xf32>,
      %swap3A_881 = arith.constant 1 : i32
      %swap3A_882 = arith.constant 5 : i32
      %swap3A_883 = arith.index_cast %swap3A_881 : i32 to index
      %swap3A_884 = arith.index_cast %swap3A_882 : i32 to index
      %swap3A_885 = arith.constant 48 : index
      %swap3A_886 = tpu.vector_load %arg7[%swap3A_883, %swap3A_884, %swap3A_885] {strides = array<i32>} : memref<2x8x64xf32, #tpu.memory_space<vmem>>, vector<16xf32>,
      tpu.vector_store %arg7[%swap3A_883, %swap3A_884, %swap3A_885], %scan3A_861#3 {strides = array<i32>} : memref<2x8x64xf32, #tpu.memory_space<vmem>>, vector<16xf32>,
      %broadcast_in_dim3A_887 = arith.constant 0.000000e+00 : f32
      %broadcast_in_dim3A_888 = vector.broadcast %broadcast_in_dim3A_887 : f32 to vector<16xf32>
      %scan3A_889 = arith.constant 0 : i32
      %scan3A_890 = arith.constant 25 : i32
      %scan3A_891 = arith.addi %scan3A_889, %scan3A_890 : i32
      %scan3A_892 = arith.constant 1 : i32
      %scan3A_893:4 = scf.for %scan3A_967 = %scan3A_889 to %scan3A_891 step %scan3A_892 iter_args(%scan3A_968 = %broadcast_in_dim3A_888, %scan3A_969 = %broadcast_in_dim3A_888, %scan3A_970 = %broadcast_in_dim3A_888, %scan3A_971 = %broadcast_in_dim3A_888) -> (vector<16xf32>, vector<16xf32>, vector<16xf32>, vector<16xf32>)  : i32 {
        %mul3A_972 = arith.constant 2 : i32
        %mul3A_973 = arith.muli %scan3A_967, %mul3A_972 : i32
        %add3A_974 = arith.constant 0 : i32
        %add3A_975 = arith.addi %mul3A_973, %add3A_974 : i32
        %get3A = arith.constant 1 : i32
        %get3A_976 = arith.constant 6 : i32
        %get3A_977 = arith.index_cast %get3A : i32 to index
        %get3A_978 = arith.index_cast %get3A_976 : i32 to index
        %get3A_979 = arith.index_cast %add3A_975 : i32 to index
        %get3A_980 = arith.constant 0 : index
        %get3A_981 = tpu.vector_load %arg6[%get3A_977, %get3A_978, %get3A_979, %get3A_980] {strides = array<i32>} : memref<2x8x50x32xi32, #tpu.memory_space<vmem>>, vector<16xi32>,
        %bitcast3A = vector.bitcast %get3A_981 : vector<16xi32> to vector<32xbf16>
        %add3A_982 = arith.constant 0 : i32
        %add3A_983 = arith.addi %mul3A_973, %add3A_982 : i32
        %get3A_984 = arith.constant 1 : i32
        %get3A_985 = arith.constant 6 : i32
        %get3A_986 = arith.index_cast %get3A_984 : i32 to index
        %get3A_987 = arith.index_cast %get3A_985 : i32 to index
        %get3A_988 = arith.index_cast %add3A_983 : i32 to index
        %get3A_989 = arith.constant 16 : index
        %get3A_990 = tpu.vector_load %arg6[%get3A_986, %get3A_987, %get3A_988, %get3A_989] {strides = array<i32>} : memref<2x8x50x32xi32, #tpu.memory_space<vmem>>, vector<16xi32>,
        %bitcast3A_991 = vector.bitcast %get3A_990 : vector<16xi32> to vector<32xbf16>
        %unpack3A = tpu.unpack_subelements %bitcast3A, 0 {pack_format = #tpu.pack_format<interleaved>} : vector<32xbf16> -> vector<16xf32>
        %unpack3A_992 = tpu.unpack_subelements %bitcast3A, 1 {pack_format = #tpu.pack_format<interleaved>} : vector<32xbf16> -> vector<16xf32>
        %unpack3A_993 = tpu.unpack_subelements %bitcast3A_991, 0 {pack_format = #tpu.pack_format<interleaved>} : vector<32xbf16> -> vector<16xf32>
        %unpack3A_994 = tpu.unpack_subelements %bitcast3A_991, 1 {pack_format = #tpu.pack_format<interleaved>} : vector<32xbf16> -> vector<16xf32>
        %add3A_995 = arith.addf %scan3A_968, %unpack3A : vector<16xf32>
        %add3A_996 = arith.addf %scan3A_969, %unpack3A_992 : vector<16xf32>
        %add3A_997 = arith.addf %scan3A_970, %unpack3A_993 : vector<16xf32>
        %add3A_998 = arith.addf %scan3A_971, %unpack3A_994 : vector<16xf32>
        %add3A_999 = arith.constant 1 : i32
        %add3A_1000 = arith.addi %mul3A_973, %add3A_999 : i32
        %get3A_1001 = arith.constant 1 : i32
        %get3A_1002 = arith.constant 6 : i32
        %get3A_1003 = arith.index_cast %get3A_1001 : i32 to index
        %get3A_1004 = arith.index_cast %get3A_1002 : i32 to index
        %get3A_1005 = arith.index_cast %add3A_1000 : i32 to index
        %get3A_1006 = arith.constant 0 : index
        %get3A_1007 = tpu.vector_load %arg6[%get3A_1003, %get3A_1004, %get3A_1005, %get3A_1006] {strides = array<i32>} : memref<2x8x50x32xi32, #tpu.memory_space<vmem>>, vector<16xi32>,
        %bitcast3A_1008 = vector.bitcast %get3A_1007 : vector<16xi32> to vector<32xbf16>
        %add3A_1009 = arith.constant 1 : i32
        %add3A_1010 = arith.addi %mul3A_973, %add3A_1009 : i32
        %get3A_1011 = arith.constant 1 : i32
        %get3A_1012 = arith.constant 6 : i32
        %get3A_1013 = arith.index_cast %get3A_1011 : i32 to index
        %get3A_1014 = arith.index_cast %get3A_1012 : i32 to index
        %get3A_1015 = arith.index_cast %add3A_1010 : i32 to index
        %get3A_1016 = arith.constant 16 : index
        %get3A_1017 = tpu.vector_load %arg6[%get3A_1013, %get3A_1014, %get3A_1015, %get3A_1016] {strides = array<i32>} : memref<2x8x50x32xi32, #tpu.memory_space<vmem>>, vector<16xi32>,
        %bitcast3A_1018 = vector.bitcast %get3A_1017 : vector<16xi32> to vector<32xbf16>
        %unpack3A_1019 = tpu.unpack_subelements %bitcast3A_1008, 0 {pack_format = #tpu.pack_format<interleaved>} : vector<32xbf16> -> vector<16xf32>
        %unpack3A_1020 = tpu.unpack_subelements %bitcast3A_1008, 1 {pack_format = #tpu.pack_format<interleaved>} : vector<32xbf16> -> vector<16xf32>
        %unpack3A_1021 = tpu.unpack_subelements %bitcast3A_1018, 0 {pack_format = #tpu.pack_format<interleaved>} : vector<32xbf16> -> vector<16xf32>
        %unpack3A_1022 = tpu.unpack_subelements %bitcast3A_1018, 1 {pack_format = #tpu.pack_format<interleaved>} : vector<32xbf16> -> vector<16xf32>
        %add3A_1023 = arith.addf %add3A_995, %unpack3A_1019 : vector<16xf32>
        %add3A_1024 = arith.addf %add3A_996, %unpack3A_1020 : vector<16xf32>
        %add3A_1025 = arith.addf %add3A_997, %unpack3A_1021 : vector<16xf32>
        %add3A_1026 = arith.addf %add3A_998, %unpack3A_1022 : vector<16xf32>
        scf.yield %add3A_1023, %add3A_1024, %add3A_1025, %add3A_1026 : vector<16xf32>, vector<16xf32>, vector<16xf32>, vector<16xf32>
      }
      %scan3A_894 = arith.constant 25 : i32
      %swap3A_895 = arith.constant 1 : i32
      %swap3A_896 = arith.constant 6 : i32
      %swap3A_897 = arith.index_cast %swap3A_895 : i32 to index
      %swap3A_898 = arith.index_cast %swap3A_896 : i32 to index
      %swap3A_899 = arith.constant 0 : index
      %swap3A_900 = tpu.vector_load %arg7[%swap3A_897, %swap3A_898, %swap3A_899] {strides = array<i32>} : memref<2x8x64xf32, #tpu.memory_space<vmem>>, vector<16xf32>,
      tpu.vector_store %arg7[%swap3A_897, %swap3A_898, %swap3A_899], %scan3A_893#0 {strides = array<i32>} : memref<2x8x64xf32, #tpu.memory_space<vmem>>, vector<16xf32>,
      %swap3A_901 = arith.constant 1 : i32
      %swap3A_902 = arith.constant 6 : i32
      %swap3A_903 = arith.index_cast %swap3A_901 : i32 to index
      %swap3A_904 = arith.index_cast %swap3A_902 : i32 to index
      %swap3A_905 = arith.constant 16 : index
      %swap3A_906 = tpu.vector_load %arg7[%swap3A_903, %swap3A_904, %swap3A_905] {strides = array<i32>} : memref<2x8x64xf32, #tpu.memory_space<vmem>>, vector<16xf32>,
      tpu.vector_store %arg7[%swap3A_903, %swap3A_904, %swap3A_905], %scan3A_893#1 {strides = array<i32>} : memref<2x8x64xf32, #tpu.memory_space<vmem>>, vector<16xf32>,
      %swap3A_907 = arith.constant 1 : i32
      %swap3A_908 = arith.constant 6 : i32
      %swap3A_909 = arith.index_cast %swap3A_907 : i32 to index
      %swap3A_910 = arith.index_cast %swap3A_908 : i32 to index
      %swap3A_911 = arith.constant 32 : index
      %swap3A_912 = tpu.vector_load %arg7[%swap3A_909, %swap3A_910, %swap3A_911] {strides = array<i32>} : memref<2x8x64xf32, #tpu.memory_space<vmem>>, vector<16xf32>,
      tpu.vector_store %arg7[%swap3A_909, %swap3A_910, %swap3A_911], %scan3A_893#2 {strides = array<i32>} : memref<2x8x64xf32, #tpu.memory_space<vmem>>, vector<16xf32>,
      %swap3A_913 = arith.constant 1 : i32
      %swap3A_914 = arith.constant 6 : i32
      %swap3A_915 = arith.index_cast %swap3A_913 : i32 to index
      %swap3A_916 = arith.index_cast %swap3A_914 : i32 to index
      %swap3A_917 = arith.constant 48 : index
      %swap3A_918 = tpu.vector_load %arg7[%swap3A_915, %swap3A_916, %swap3A_917] {strides = array<i32>} : memref<2x8x64xf32, #tpu.memory_space<vmem>>, vector<16xf32>,
      tpu.vector_store %arg7[%swap3A_915, %swap3A_916, %swap3A_917], %scan3A_893#3 {strides = array<i32>} : memref<2x8x64xf32, #tpu.memory_space<vmem>>, vector<16xf32>,
      %broadcast_in_dim3A_919 = arith.constant 0.000000e+00 : f32
      %broadcast_in_dim3A_920 = vector.broadcast %broadcast_in_dim3A_919 : f32 to vector<16xf32>
      %scan3A_921 = arith.constant 0 : i32
      %scan3A_922 = arith.constant 25 : i32
      %scan3A_923 = arith.addi %scan3A_921, %scan3A_922 : i32
      %scan3A_924 = arith.constant 1 : i32
      %scan3A_925:4 = scf.for %scan3A_967 = %scan3A_921 to %scan3A_923 step %scan3A_924 iter_args(%scan3A_968 = %broadcast_in_dim3A_920, %scan3A_969 = %broadcast_in_dim3A_920, %scan3A_970 = %broadcast_in_dim3A_920, %scan3A_971 = %broadcast_in_dim3A_920) -> (vector<16xf32>, vector<16xf32>, vector<16xf32>, vector<16xf32>)  : i32 {
        %mul3A_972 = arith.constant 2 : i32
        %mul3A_973 = arith.muli %scan3A_967, %mul3A_972 : i32
        %add3A_974 = arith.constant 0 : i32
        %add3A_975 = arith.addi %mul3A_973, %add3A_974 : i32
        %get3A = arith.constant 1 : i32
        %get3A_976 = arith.constant 7 : i32
        %get3A_977 = arith.index_cast %get3A : i32 to index
        %get3A_978 = arith.index_cast %get3A_976 : i32 to index
        %get3A_979 = arith.index_cast %add3A_975 : i32 to index
        %get3A_980 = arith.constant 0 : index
        %get3A_981 = tpu.vector_load %arg6[%get3A_977, %get3A_978, %get3A_979, %get3A_980] {strides = array<i32>} : memref<2x8x50x32xi32, #tpu.memory_space<vmem>>, vector<16xi32>,
        %bitcast3A = vector.bitcast %get3A_981 : vector<16xi32> to vector<32xbf16>
        %add3A_982 = arith.constant 0 : i32
        %add3A_983 = arith.addi %mul3A_973, %add3A_982 : i32
        %get3A_984 = arith.constant 1 : i32
        %get3A_985 = arith.constant 7 : i32
        %get3A_986 = arith.index_cast %get3A_984 : i32 to index
        %get3A_987 = arith.index_cast %get3A_985 : i32 to index
        %get3A_988 = arith.index_cast %add3A_983 : i32 to index
        %get3A_989 = arith.constant 16 : index
        %get3A_990 = tpu.vector_load %arg6[%get3A_986, %get3A_987, %get3A_988, %get3A_989] {strides = array<i32>} : memref<2x8x50x32xi32, #tpu.memory_space<vmem>>, vector<16xi32>,
        %bitcast3A_991 = vector.bitcast %get3A_990 : vector<16xi32> to vector<32xbf16>
        %unpack3A = tpu.unpack_subelements %bitcast3A, 0 {pack_format = #tpu.pack_format<interleaved>} : vector<32xbf16> -> vector<16xf32>
        %unpack3A_992 = tpu.unpack_subelements %bitcast3A, 1 {pack_format = #tpu.pack_format<interleaved>} : vector<32xbf16> -> vector<16xf32>
        %unpack3A_993 = tpu.unpack_subelements %bitcast3A_991, 0 {pack_format = #tpu.pack_format<interleaved>} : vector<32xbf16> -> vector<16xf32>
        %unpack3A_994 = tpu.unpack_subelements %bitcast3A_991, 1 {pack_format = #tpu.pack_format<interleaved>} : vector<32xbf16> -> vector<16xf32>
        %add3A_995 = arith.addf %scan3A_968, %unpack3A : vector<16xf32>
        %add3A_996 = arith.addf %scan3A_969, %unpack3A_992 : vector<16xf32>
        %add3A_997 = arith.addf %scan3A_970, %unpack3A_993 : vector<16xf32>
        %add3A_998 = arith.addf %scan3A_971, %unpack3A_994 : vector<16xf32>
        %add3A_999 = arith.constant 1 : i32
        %add3A_1000 = arith.addi %mul3A_973, %add3A_999 : i32
        %get3A_1001 = arith.constant 1 : i32
        %get3A_1002 = arith.constant 7 : i32
        %get3A_1003 = arith.index_cast %get3A_1001 : i32 to index
        %get3A_1004 = arith.index_cast %get3A_1002 : i32 to index
        %get3A_1005 = arith.index_cast %add3A_1000 : i32 to index
        %get3A_1006 = arith.constant 0 : index
        %get3A_1007 = tpu.vector_load %arg6[%get3A_1003, %get3A_1004, %get3A_1005, %get3A_1006] {strides = array<i32>} : memref<2x8x50x32xi32, #tpu.memory_space<vmem>>, vector<16xi32>,
        %bitcast3A_1008 = vector.bitcast %get3A_1007 : vector<16xi32> to vector<32xbf16>
        %add3A_1009 = arith.constant 1 : i32
        %add3A_1010 = arith.addi %mul3A_973, %add3A_1009 : i32
        %get3A_1011 = arith.constant 1 : i32
        %get3A_1012 = arith.constant 7 : i32
        %get3A_1013 = arith.index_cast %get3A_1011 : i32 to index
        %get3A_1014 = arith.index_cast %get3A_1012 : i32 to index
        %get3A_1015 = arith.index_cast %add3A_1010 : i32 to index
        %get3A_1016 = arith.constant 16 : index
        %get3A_1017 = tpu.vector_load %arg6[%get3A_1013, %get3A_1014, %get3A_1015, %get3A_1016] {strides = array<i32>} : memref<2x8x50x32xi32, #tpu.memory_space<vmem>>, vector<16xi32>,
        %bitcast3A_1018 = vector.bitcast %get3A_1017 : vector<16xi32> to vector<32xbf16>
        %unpack3A_1019 = tpu.unpack_subelements %bitcast3A_1008, 0 {pack_format = #tpu.pack_format<interleaved>} : vector<32xbf16> -> vector<16xf32>
        %unpack3A_1020 = tpu.unpack_subelements %bitcast3A_1008, 1 {pack_format = #tpu.pack_format<interleaved>} : vector<32xbf16> -> vector<16xf32>
        %unpack3A_1021 = tpu.unpack_subelements %bitcast3A_1018, 0 {pack_format = #tpu.pack_format<interleaved>} : vector<32xbf16> -> vector<16xf32>
        %unpack3A_1022 = tpu.unpack_subelements %bitcast3A_1018, 1 {pack_format = #tpu.pack_format<interleaved>} : vector<32xbf16> -> vector<16xf32>
        %add3A_1023 = arith.addf %add3A_995, %unpack3A_1019 : vector<16xf32>
        %add3A_1024 = arith.addf %add3A_996, %unpack3A_1020 : vector<16xf32>
        %add3A_1025 = arith.addf %add3A_997, %unpack3A_1021 : vector<16xf32>
        %add3A_1026 = arith.addf %add3A_998, %unpack3A_1022 : vector<16xf32>
        scf.yield %add3A_1023, %add3A_1024, %add3A_1025, %add3A_1026 : vector<16xf32>, vector<16xf32>, vector<16xf32>, vector<16xf32>
      }
      %scan3A_926 = arith.constant 25 : i32
      %swap3A_927 = arith.constant 1 : i32
      %swap3A_928 = arith.constant 7 : i32
      %swap3A_929 = arith.index_cast %swap3A_927 : i32 to index
      %swap3A_930 = arith.index_cast %swap3A_928 : i32 to index
      %swap3A_931 = arith.constant 0 : index
      %swap3A_932 = tpu.vector_load %arg7[%swap3A_929, %swap3A_930, %swap3A_931] {strides = array<i32>} : memref<2x8x64xf32, #tpu.memory_space<vmem>>, vector<16xf32>,
      tpu.vector_store %arg7[%swap3A_929, %swap3A_930, %swap3A_931], %scan3A_925#0 {strides = array<i32>} : memref<2x8x64xf32, #tpu.memory_space<vmem>>, vector<16xf32>,
      %swap3A_933 = arith.constant 1 : i32
      %swap3A_934 = arith.constant 7 : i32
      %swap3A_935 = arith.index_cast %swap3A_933 : i32 to index
      %swap3A_936 = arith.index_cast %swap3A_934 : i32 to index
      %swap3A_937 = arith.constant 16 : index
      %swap3A_938 = tpu.vector_load %arg7[%swap3A_935, %swap3A_936, %swap3A_937] {strides = array<i32>} : memref<2x8x64xf32, #tpu.memory_space<vmem>>, vector<16xf32>,
      tpu.vector_store %arg7[%swap3A_935, %swap3A_936, %swap3A_937], %scan3A_925#1 {strides = array<i32>} : memref<2x8x64xf32, #tpu.memory_space<vmem>>, vector<16xf32>,
      %swap3A_939 = arith.constant 1 : i32
      %swap3A_940 = arith.constant 7 : i32
      %swap3A_941 = arith.index_cast %swap3A_939 : i32 to index
      %swap3A_942 = arith.index_cast %swap3A_940 : i32 to index
      %swap3A_943 = arith.constant 32 : index
      %swap3A_944 = tpu.vector_load %arg7[%swap3A_941, %swap3A_942, %swap3A_943] {strides = array<i32>} : memref<2x8x64xf32, #tpu.memory_space<vmem>>, vector<16xf32>,
      tpu.vector_store %arg7[%swap3A_941, %swap3A_942, %swap3A_943], %scan3A_925#2 {strides = array<i32>} : memref<2x8x64xf32, #tpu.memory_space<vmem>>, vector<16xf32>,
      %swap3A_945 = arith.constant 1 : i32
      %swap3A_946 = arith.constant 7 : i32
      %swap3A_947 = arith.index_cast %swap3A_945 : i32 to index
      %swap3A_948 = arith.index_cast %swap3A_946 : i32 to index
      %swap3A_949 = arith.constant 48 : index
      %swap3A_950 = tpu.vector_load %arg7[%swap3A_947, %swap3A_948, %swap3A_949] {strides = array<i32>} : memref<2x8x64xf32, #tpu.memory_space<vmem>>, vector<16xf32>,
      tpu.vector_store %arg7[%swap3A_947, %swap3A_948, %swap3A_949], %scan3A_925#3 {strides = array<i32>} : memref<2x8x64xf32, #tpu.memory_space<vmem>>, vector<16xf32>,
      %mul3A_951 = arith.constant 8 : i32
      %mul3A_952 = arith.muli %add3A_554, %mul3A_951 : i32
      %add3A_953 = arith.addi %mul3A_2, %mul3A_952 : i32
      %dma_start3A_954 = arith.constant 1 : i32
      %dma_start3A_955 = arith.constant 0 : i32
      %dma_start3A_956 = arith.constant 0 : i32
      %dma_start3A_957 = tpu.memref_slice %arg7[%dma_start3A_954, %dma_start3A_955, %dma_start3A_956] : memref<2x8x64xf32, #tpu.memory_space<vmem>> -> memref<1x8x64xf32, #tpu.memory_space<vmem>>
      %dma_start3A_958 = tpu.memref_squeeze %dma_start3A_957 : memref<1x8x64xf32, #tpu.memory_space<vmem>> -> memref<8x64xf32, #tpu.memory_space<vmem>>
      %dma_start3A_959 = arith.constant 0 : i32
      %dma_start3A_960 = tpu.memref_slice %arg4[%add3A_953, %dma_start3A_959] : memref<16384x64xf32, #tpu.memory_space<hbm>> -> memref<8x64xf32, #tpu.memory_space<hbm>>
      %dma_start3A_961 = arith.constant 0 : i32
      %dma_start3A_962 = tpu.memref_slice %arg4[%add3A_953, %dma_start3A_961] : memref<16384x64xf32, #tpu.memory_space<hbm>> -> memref<8x64xf32, #tpu.memory_space<hbm>>
      %dma_start3A_963 = arith.constant 0 : i32
      %dma_start3A_964 = arith.constant 0 : i32
      %dma_start3A_965 = tpu.memref_slice %arg7[%dma_start3A_954, %dma_start3A_963, %dma_start3A_964] : memref<2x8x64xf32, #tpu.memory_space<vmem>> -> memref<1x8x64xf32, #tpu.memory_space<vmem>>
      %dma_start3A_966 = tpu.memref_squeeze %dma_start3A_965 : memref<1x8x64xf32, #tpu.memory_space<vmem>> -> memref<8x64xf32, #tpu.memory_space<vmem>>
      tpu.enqueue_dma source(%dma_start3A_966 : memref<8x64xf32, #tpu.memory_space<vmem>>) target(%dma_start3A_962 : memref<8x64xf32, #tpu.memory_space<hbm>>) target_semaphore(%arg11 : memref<!tpu.dma_semaphore, #tpu.memory_space<semaphore_mem>>)
    }
    %scan3A_110 = arith.constant 32 : i32
    %add3A_111 = arith.constant 496 : i32
    %add3A_112 = arith.addi %mul3A_2, %add3A_111 : i32
    %dma_wait3A = arith.constant 0 : i32
    %dma_wait3A_113 = arith.constant 0 : i32
    %dma_wait3A_114 = arith.constant 0 : i32
    %dma_wait3A_115 = tpu.memref_slice %arg7[%dma_wait3A, %dma_wait3A_113, %dma_wait3A_114] : memref<2x8x64xf32, #tpu.memory_space<vmem>> -> memref<1x8x64xf32, #tpu.memory_space<vmem>>
    %dma_wait3A_116 = tpu.memref_squeeze %dma_wait3A_115 : memref<1x8x64xf32, #tpu.memory_space<vmem>> -> memref<8x64xf32, #tpu.memory_space<vmem>>
    %dma_wait3A_117 = arith.constant 0 : i32
    %dma_wait3A_118 = tpu.memref_slice %arg4[%add3A_112, %dma_wait3A_117] : memref<16384x64xf32, #tpu.memory_space<hbm>> -> memref<8x64xf32, #tpu.memory_space<hbm>>
    %dma_wait3A_119 = arith.constant 0 : i32
    %dma_wait3A_120 = tpu.memref_slice %arg4[%add3A_112, %dma_wait3A_119] : memref<16384x64xf32, #tpu.memory_space<hbm>> -> memref<8x64xf32, #tpu.memory_space<hbm>>
    %dma_wait3A_121 = arith.constant 0 : i32
    %dma_wait3A_122 = arith.constant 0 : i32
    %dma_wait3A_123 = tpu.memref_slice %arg7[%dma_wait3A, %dma_wait3A_121, %dma_wait3A_122] : memref<2x8x64xf32, #tpu.memory_space<vmem>> -> memref<1x8x64xf32, #tpu.memory_space<vmem>>
    %dma_wait3A_124 = tpu.memref_squeeze %dma_wait3A_123 : memref<1x8x64xf32, #tpu.memory_space<vmem>> -> memref<8x64xf32, #tpu.memory_space<vmem>>
    tpu.wait_dma2 semaphore(%arg10 : memref<!tpu.dma_semaphore, #tpu.memory_space<semaphore_mem>>) src(%dma_wait3A_124 : memref<8x64xf32, #tpu.memory_space<vmem>>) dst(%dma_wait3A_120 : memref<8x64xf32, #tpu.memory_space<hbm>>)
    %add3A_125 = arith.constant 504 : i32
    %add3A_126 = arith.addi %mul3A_2, %add3A_125 : i32
    %dma_wait3A_127 = arith.constant 1 : i32
    %dma_wait3A_128 = arith.constant 0 : i32
    %dma_wait3A_129 = arith.constant 0 : i32
    %dma_wait3A_130 = tpu.memref_slice %arg7[%dma_wait3A_127, %dma_wait3A_128, %dma_wait3A_129] : memref<2x8x64xf32, #tpu.memory_space<vmem>> -> memref<1x8x64xf32, #tpu.memory_space<vmem>>
    %dma_wait3A_131 = tpu.memref_squeeze %dma_wait3A_130 : memref<1x8x64xf32, #tpu.memory_space<vmem>> -> memref<8x64xf32, #tpu.memory_space<vmem>>
    %dma_wait3A_132 = arith.constant 0 : i32
    %dma_wait3A_133 = tpu.memref_slice %arg4[%add3A_126, %dma_wait3A_132] : memref<16384x64xf32, #tpu.memory_space<hbm>> -> memref<8x64xf32, #tpu.memory_space<hbm>>
    %dma_wait3A_134 = arith.constant 0 : i32
    %dma_wait3A_135 = tpu.memref_slice %arg4[%add3A_126, %dma_wait3A_134] : memref<16384x64xf32, #tpu.memory_space<hbm>> -> memref<8x64xf32, #tpu.memory_space<hbm>>
    %dma_wait3A_136 = arith.constant 0 : i32
    %dma_wait3A_137 = arith.constant 0 : i32
    %dma_wait3A_138 = tpu.memref_slice %arg7[%dma_wait3A_127, %dma_wait3A_136, %dma_wait3A_137] : memref<2x8x64xf32, #tpu.memory_space<vmem>> -> memref<1x8x64xf32, #tpu.memory_space<vmem>>
    %dma_wait3A_139 = tpu.memref_squeeze %dma_wait3A_138 : memref<1x8x64xf32, #tpu.memory_space<vmem>> -> memref<8x64xf32, #tpu.memory_space<vmem>>
    tpu.wait_dma2 semaphore(%arg11 : memref<!tpu.dma_semaphore, #tpu.memory_space<semaphore_mem>>) src(%dma_wait3A_139 : memref<8x64xf32, #tpu.memory_space<vmem>>) dst(%dma_wait3A_135 : memref<8x64xf32, #tpu.memory_space<hbm>>)
    return
  }
}

module attributes {stable_mosaic.version = 14 : i64} {
  func.func @body(%arg0: i32, %arg1: memref<64x4096xf32, #tpu.memory_space<vmem>>, %arg2: memref<64x4096xf32, #tpu.memory_space<vmem>>, %arg3: memref<64x4096xf32, #tpu.memory_space<vmem>>, %arg4: memref<64x4096xf32, #tpu.memory_space<vmem>>, %arg5: memref<4096x128xi32, #tpu.memory_space<vmem>>, %arg6: memref<64x64xbf16, #tpu.memory_space<vmem>>, %arg7: memref<64x32xbf16, #tpu.memory_space<vmem>>, %arg8: memref<64x32xbf16, #tpu.memory_space<vmem>>) attributes {dimension_semantics = [#tpu.dimension_semantics<arbitrary>], iteration_bounds = array<i64: 62>, scalar_prefetch = 0 : i64, scratch_operands = 3 : i64, tpu.core_type = #tpu.core_type<tc>, window_params = [{transform_indices = @transform_0, window_bounds = array<i64: 64, 4096>}, {transform_indices = @transform_1, window_bounds = array<i64: 64, 4096>}, {transform_indices = @transform_2, window_bounds = array<i64: 64, 4096>}, {transform_indices = @transform_3, window_bounds = array<i64: 64, 4096>}, {transform_indices = @transform_4, window_bounds = array<i64: 4096, 128>}]} {
    %eq3A = arith.constant 0 : i32
    %eq3A_0 = arith.cmpi eq, %arg0, %eq3A : i32
    %convert_element_type3A = arith.extui %eq3A_0 : i1 to i32
    %cond3A = arith.constant 0 : i32
    %cond3A_1 = arith.cmpi ne, %convert_element_type3A, %cond3A : i32
    scf.if %cond3A_1 {
      %iota3A = tpu.iota {dimensions = array<i32: 0>} : vector<64x64xi32>
      %iota3A_47 = tpu.iota {dimensions = array<i32: 1>} : vector<64x64xi32>
      %eq3A_48 = arith.cmpi eq, %iota3A, %iota3A_47 : vector<64x64xi32>
      %convert_element_type3A_49 = arith.extui %eq3A_48 : vector<64x64xi1> to vector<64x64xi32>
      %convert_element_type3A_50 = arith.sitofp %convert_element_type3A_49 : vector<64x64xi32> to vector<64x64xf32>
      %convert_element_type3A_51 = arith.truncf %convert_element_type3A_50 : vector<64x64xf32> to vector<64x64xbf16>
      %swap3A_52 = arith.constant 0 : index
      %swap3A_53 = arith.constant 0 : index
      %swap3A_54 = vector.load %arg6[%swap3A_52, %swap3A_53] : memref<64x64xbf16, #tpu.memory_space<vmem>>, vector<64x64xbf16>
      tpu.vector_store %arg6[%swap3A_52, %swap3A_53], %convert_element_type3A_51 {strides = array<i32>} : memref<64x64xbf16, #tpu.memory_space<vmem>>, vector<64x64xbf16>,
      %iota3A_55 = tpu.iota {dimensions = array<i32: 0>} : vector<64x32xi32>
      %iota3A_56 = tpu.iota {dimensions = array<i32: 1>} : vector<64x32xi32>
      %mul3A = arith.constant 2 : i32
      %mul3A_57 = vector.broadcast %mul3A : i32 to vector<64x32xi32>
      %mul3A_58 = arith.muli %mul3A_57, %iota3A_56 : vector<64x32xi32>
      %eq3A_59 = arith.cmpi eq, %iota3A_55, %mul3A_58 : vector<64x32xi32>
      %convert_element_type3A_60 = arith.extui %eq3A_59 : vector<64x32xi1> to vector<64x32xi32>
      %convert_element_type3A_61 = arith.sitofp %convert_element_type3A_60 : vector<64x32xi32> to vector<64x32xf32>
      %convert_element_type3A_62 = arith.truncf %convert_element_type3A_61 : vector<64x32xf32> to vector<64x32xbf16>
      %swap3A_63 = arith.constant 0 : index
      %swap3A_64 = arith.constant 0 : index
      %swap3A_65 = vector.load %arg7[%swap3A_63, %swap3A_64] : memref<64x32xbf16, #tpu.memory_space<vmem>>, vector<64x32xbf16>
      tpu.vector_store %arg7[%swap3A_63, %swap3A_64], %convert_element_type3A_62 {strides = array<i32>} : memref<64x32xbf16, #tpu.memory_space<vmem>>, vector<64x32xbf16>,
      %mul3A_66 = arith.constant 2 : i32
      %mul3A_67 = vector.broadcast %mul3A_66 : i32 to vector<64x32xi32>
      %mul3A_68 = arith.muli %mul3A_67, %iota3A_56 : vector<64x32xi32>
      %add3A = arith.constant 1 : i32
      %add3A_69 = vector.broadcast %add3A : i32 to vector<64x32xi32>
      %add3A_70 = arith.addi %mul3A_68, %add3A_69 : vector<64x32xi32>
      %eq3A_71 = arith.cmpi eq, %iota3A_55, %add3A_70 : vector<64x32xi32>
      %convert_element_type3A_72 = arith.extui %eq3A_71 : vector<64x32xi1> to vector<64x32xi32>
      %convert_element_type3A_73 = arith.sitofp %convert_element_type3A_72 : vector<64x32xi32> to vector<64x32xf32>
      %convert_element_type3A_74 = arith.truncf %convert_element_type3A_73 : vector<64x32xf32> to vector<64x32xbf16>
      %swap3A_75 = arith.constant 0 : index
      %swap3A_76 = arith.constant 0 : index
      %swap3A_77 = vector.load %arg8[%swap3A_75, %swap3A_76] : memref<64x32xbf16, #tpu.memory_space<vmem>>, vector<64x32xbf16>
      tpu.vector_store %arg8[%swap3A_75, %swap3A_76], %convert_element_type3A_74 {strides = array<i32>} : memref<64x32xbf16, #tpu.memory_space<vmem>>, vector<64x32xbf16>,
    } else {
    }
    %get3A = arith.constant 0 : index
    %get3A_2 = arith.constant 0 : index
    %get3A_3 = vector.load %arg1[%get3A, %get3A_2] : memref<64x4096xf32, #tpu.memory_space<vmem>>, vector<64x4096xf32>
    %convert_element_type3A_4 = arith.truncf %get3A_3 : vector<64x4096xf32> to vector<64x4096xbf16>
    %get3A_5 = arith.constant 0 : index
    %get3A_6 = arith.constant 0 : index
    %get3A_7 = vector.load %arg2[%get3A_5, %get3A_6] : memref<64x4096xf32, #tpu.memory_space<vmem>>, vector<64x4096xf32>
    %convert_element_type3A_8 = arith.truncf %get3A_7 : vector<64x4096xf32> to vector<64x4096xbf16>
    %get3A_9 = arith.constant 0 : index
    %get3A_10 = arith.constant 0 : index
    %get3A_11 = vector.load %arg3[%get3A_9, %get3A_10] : memref<64x4096xf32, #tpu.memory_space<vmem>>, vector<64x4096xf32>
    %convert_element_type3A_12 = arith.truncf %get3A_11 : vector<64x4096xf32> to vector<64x4096xbf16>
    %get3A_13 = arith.constant 0 : index
    %get3A_14 = arith.constant 0 : index
    %get3A_15 = vector.load %arg4[%get3A_13, %get3A_14] : memref<64x4096xf32, #tpu.memory_space<vmem>>, vector<64x4096xf32>
    %convert_element_type3A_16 = arith.truncf %get3A_15 : vector<64x4096xf32> to vector<64x4096xbf16>
    %concatenate3A = tpu.concatenate %convert_element_type3A_4, %convert_element_type3A_8, %convert_element_type3A_12, %convert_element_type3A_16 in 1 : vector<64x4096xbf16>, vector<64x4096xbf16>, vector<64x4096xbf16>, vector<64x4096xbf16> -> vector<64x16384xbf16>
    %get3A_17 = arith.constant 0 : index
    %get3A_18 = arith.constant 0 : index
    %get3A_19 = vector.load %arg6[%get3A_17, %get3A_18] : memref<64x64xbf16, #tpu.memory_space<vmem>>, vector<64x64xbf16>
    %dot_general3A = arith.constant dense<0.000000e+00> : vector<16384x64xf32>
    %dot_general3A_20 = tpu.matmul %concatenate3A, %get3A_19, %dot_general3A {dimension_numbers = #tpu.dot_dimension_numbers<[0], [0], [1], [1], [0, 1, 1, 1], [], []>, transpose_lhs_hint = false} : vector<64x16384xbf16>, vector<64x64xbf16>, vector<16384x64xf32> -> vector<16384x64xf32>
    %convert_element_type3A_21 = arith.truncf %dot_general3A_20 : vector<16384x64xf32> to vector<16384x64xbf16>
    %get3A_22 = arith.constant 0 : index
    %get3A_23 = arith.constant 0 : index
    %get3A_24 = vector.load %arg7[%get3A_22, %get3A_23] : memref<64x32xbf16, #tpu.memory_space<vmem>>, vector<64x32xbf16>
    %dot_general3A_25 = arith.constant dense<0.000000e+00> : vector<16384x32xf32>
    %dot_general3A_26 = tpu.matmul %convert_element_type3A_21, %get3A_24, %dot_general3A_25 {dimension_numbers = #tpu.dot_dimension_numbers<[1], [0], [0], [1], [0, 0, 1, 1], [], []>, transpose_lhs_hint = false} : vector<16384x64xbf16>, vector<64x32xbf16>, vector<16384x32xf32> -> vector<16384x32xf32>
    %get3A_27 = arith.constant 0 : index
    %get3A_28 = arith.constant 0 : index
    %get3A_29 = vector.load %arg8[%get3A_27, %get3A_28] : memref<64x32xbf16, #tpu.memory_space<vmem>>, vector<64x32xbf16>
    %dot_general3A_30 = arith.constant dense<0.000000e+00> : vector<16384x32xf32>
    %dot_general3A_31 = tpu.matmul %convert_element_type3A_21, %get3A_29, %dot_general3A_30 {dimension_numbers = #tpu.dot_dimension_numbers<[1], [0], [0], [1], [0, 0, 1, 1], [], []>, transpose_lhs_hint = false} : vector<16384x64xbf16>, vector<64x32xbf16>, vector<16384x32xf32> -> vector<16384x32xf32>
    %convert_element_type3A_32 = arith.truncf %dot_general3A_26 : vector<16384x32xf32> to vector<16384x32xbf16>
    %bitcast_convert_type3A = tpu.bitcast %convert_element_type3A_32 : vector<16384x32xbf16> -> vector<16384x32xi16>
    %convert_element_type3A_33 = arith.extsi %bitcast_convert_type3A : vector<16384x32xi16> to vector<16384x32xi32>
    %and3A = arith.constant 65535 : i32
    %and3A_34 = vector.broadcast %and3A : i32 to vector<16384x32xi32>
    %and3A_35 = arith.andi %convert_element_type3A_33, %and3A_34 : vector<16384x32xi32>
    %convert_element_type3A_36 = arith.truncf %dot_general3A_31 : vector<16384x32xf32> to vector<16384x32xbf16>
    %bitcast_convert_type3A_37 = tpu.bitcast %convert_element_type3A_36 : vector<16384x32xbf16> -> vector<16384x32xi16>
    %convert_element_type3A_38 = arith.extsi %bitcast_convert_type3A_37 : vector<16384x32xi16> to vector<16384x32xi32>
    %shift_left3A = arith.constant 16 : i32
    %shift_left3A_39 = vector.broadcast %shift_left3A : i32 to vector<16384x32xi32>
    %shift_left3A_40 = arith.shli %convert_element_type3A_38, %shift_left3A_39 : vector<16384x32xi32>
    %or3A = arith.ori %and3A_35, %shift_left3A_40 : vector<16384x32xi32>
    %slice3A = vector.extract_strided_slice %or3A {offsets = [0, 0], sizes = [4096, 32], strides = [1, 1]} : vector<16384x32xi32> to vector<4096x32xi32>
    %slice3A_41 = vector.extract_strided_slice %or3A {offsets = [4096, 0], sizes = [4096, 32], strides = [1, 1]} : vector<16384x32xi32> to vector<4096x32xi32>
    %slice3A_42 = vector.extract_strided_slice %or3A {offsets = [8192, 0], sizes = [4096, 32], strides = [1, 1]} : vector<16384x32xi32> to vector<4096x32xi32>
    %slice3A_43 = vector.extract_strided_slice %or3A {offsets = [12288, 0], sizes = [4096, 32], strides = [1, 1]} : vector<16384x32xi32> to vector<4096x32xi32>
    %concatenate3A_44 = tpu.concatenate %slice3A, %slice3A_41, %slice3A_42, %slice3A_43 in 1 : vector<4096x32xi32>, vector<4096x32xi32>, vector<4096x32xi32>, vector<4096x32xi32> -> vector<4096x128xi32>
    %swap3A = arith.constant 0 : index
    %swap3A_45 = arith.constant 0 : index
    %swap3A_46 = vector.load %arg5[%swap3A, %swap3A_45] : memref<4096x128xi32, #tpu.memory_space<vmem>>, vector<4096x128xi32>
    tpu.vector_store %arg5[%swap3A, %swap3A_45], %concatenate3A_44 {strides = array<i32>} : memref<4096x128xi32, #tpu.memory_space<vmem>>, vector<4096x128xi32>,
    return
  }
  func.func @transform_0(%arg0: i32) -> (i32, i32) {
    %add3A = arith.constant 0 : i32
    %add3A_0 = arith.addi %add3A, %arg0 : i32
    %min3A = arith.constant 244 : i32
    %min3A_1 = arith.minsi %add3A_0, %min3A : i32
    %c0_i32 = arith.constant 0 : i32
    %c0_i32_2 = arith.constant 0 : i32
    return %c0_i32, %min3A_1 : i32, i32
  }
  func.func @transform_1(%arg0: i32) -> (i32, i32) {
    %add3A = arith.constant 62 : i32
    %add3A_0 = arith.addi %add3A, %arg0 : i32
    %min3A = arith.constant 244 : i32
    %min3A_1 = arith.minsi %add3A_0, %min3A : i32
    %c0_i32 = arith.constant 0 : i32
    %c0_i32_2 = arith.constant 0 : i32
    return %c0_i32, %min3A_1 : i32, i32
  }
  func.func @transform_2(%arg0: i32) -> (i32, i32) {
    %add3A = arith.constant 124 : i32
    %add3A_0 = arith.addi %add3A, %arg0 : i32
    %min3A = arith.constant 244 : i32
    %min3A_1 = arith.minsi %add3A_0, %min3A : i32
    %c0_i32 = arith.constant 0 : i32
    %c0_i32_2 = arith.constant 0 : i32
    return %c0_i32, %min3A_1 : i32, i32
  }
  func.func @transform_3(%arg0: i32) -> (i32, i32) {
    %add3A = arith.constant 186 : i32
    %add3A_0 = arith.addi %add3A, %arg0 : i32
    %min3A = arith.constant 244 : i32
    %min3A_1 = arith.minsi %add3A_0, %min3A : i32
    %c0_i32 = arith.constant 0 : i32
    %c0_i32_2 = arith.constant 0 : i32
    return %c0_i32, %min3A_1 : i32, i32
  }
  func.func @transform_4(%arg0: i32) -> (i32, i32) {
    %c0_i32 = arith.constant 0 : i32
    %c0_i32_0 = arith.constant 0 : i32
    return %arg0, %c0_i32 : i32, i32
  }
}

module attributes {stable_mosaic.version = 14 : i64} {
  func.func @body(%arg0: i32, %arg1: memref<2048x64xf32, #tpu.memory_space<vmem>>, %arg2: memref<128x64xf32, #tpu.memory_space<vmem>>, %arg3: memref<1x128xf32, #tpu.memory_space<vmem>>, %arg4: memref<2048x128xf32, #tpu.memory_space<vmem>>) attributes {dimension_semantics = [#tpu.dimension_semantics<arbitrary>], iteration_bounds = array<i64: 8>, scalar_prefetch = 0 : i64, scratch_operands = 0 : i64, tpu.core_type = #tpu.core_type<tc>, window_params = [{transform_indices = @transform_0, window_bounds = array<i64: 2048, 64>}, {pipeline_mode = #tpu.pipeline_mode<synchronous>, transform_indices = @transform_1, window_bounds = array<i64: 128, 64>}, {pipeline_mode = #tpu.pipeline_mode<synchronous>, transform_indices = @transform_2, window_bounds = array<i64: 1, 128>}, {transform_indices = @transform_3, window_bounds = array<i64: 2048, 128>}]} {
    %get3A = arith.constant 0 : index
    %get3A_0 = arith.constant 0 : index
    %get3A_1 = vector.load %arg1[%get3A, %get3A_0] : memref<2048x64xf32, #tpu.memory_space<vmem>>, vector<2048x64xf32>
    %get3A_2 = arith.constant 0 : index
    %get3A_3 = arith.constant 0 : index
    %get3A_4 = vector.load %arg2[%get3A_2, %get3A_3] : memref<128x64xf32, #tpu.memory_space<vmem>>, vector<128x64xf32>
    %dot_general3A = arith.constant dense<0.000000e+00> : vector<2048x128xf32>
    %dot_general3A_5 = tpu.matmul %get3A_1, %get3A_4, %dot_general3A {dimension_numbers = #tpu.dot_dimension_numbers<[1], [1], [0], [0], [0, 0, 1, 0], [], []>, transpose_lhs_hint = false} : vector<2048x64xf32>, vector<128x64xf32>, vector<2048x128xf32> -> vector<2048x128xf32>
    %get3A_6 = arith.constant 0 : index
    %get3A_7 = arith.constant 0 : index
    %get3A_8 = vector.load %arg3[%get3A_6, %get3A_7] : memref<1x128xf32, #tpu.memory_space<vmem>>, vector<1x128xf32>
    %add3A = vector.broadcast %get3A_8 : vector<1x128xf32> to vector<2048x128xf32>
    %add3A_9 = arith.addf %dot_general3A_5, %add3A : vector<2048x128xf32>
    %swap3A = arith.constant 0 : index
    %swap3A_10 = arith.constant 0 : index
    %swap3A_11 = vector.load %arg4[%swap3A, %swap3A_10] : memref<2048x128xf32, #tpu.memory_space<vmem>>, vector<2048x128xf32>
    tpu.vector_store %arg4[%swap3A, %swap3A_10], %add3A_9 {strides = array<i32>} : memref<2048x128xf32, #tpu.memory_space<vmem>>, vector<2048x128xf32>,
    return
  }
  func.func @transform_0(%arg0: i32) -> (i32, i32) {
    %c0_i32 = arith.constant 0 : i32
    %c0_i32_0 = arith.constant 0 : i32
    return %arg0, %c0_i32 : i32, i32
  }
  func.func @transform_1(%arg0: i32) -> (i32, i32) {
    %c0_i32 = arith.constant 0 : i32
    %c0_i32_0 = arith.constant 0 : i32
    %c0_i32_1 = arith.constant 0 : i32
    return %c0_i32, %c0_i32_0 : i32, i32
  }
  func.func @transform_2(%arg0: i32) -> (i32, i32) {
    %c0_i32 = arith.constant 0 : i32
    %c0_i32_0 = arith.constant 0 : i32
    %c0_i32_1 = arith.constant 0 : i32
    return %c0_i32, %c0_i32_0 : i32, i32
  }
  func.func @transform_3(%arg0: i32) -> (i32, i32) {
    %c0_i32 = arith.constant 0 : i32
    %c0_i32_0 = arith.constant 0 : i32
    return %arg0, %c0_i32 : i32, i32
  }
}

</mosaic_0001>

<sc_bundles>
// kernel: kernel.5.cloned.1.call-start
scs
__scs_entry_jumppad:
0x0: {  	(pc) =	sbr.rel $0x88, $3  }
0x1: {  	(tag) =	ssettag $0x0;
	lr =	simm.s32 $0x1  }
0x2: {  	[smem:$0x3F9D] =	sst lr;
	_ =	strace $0xD0000000  }
0x3: {  	_ = 	snop  }
0x4: {  	_ = 	snop  }
0x5: {  	_ = 	snop  }
0x6: {  	_ = 	snop  }
0x7: {  	_ = 	snop  }
__scs_overlays_trampoline_lowered:
0x8: {  	[smem:$0x3FAC] =	sst s0  }
0x9: {  	[smem:$0x3FAD] =	sst s1  }
0xa: {  	[smem:$0x3FAE] =	sst s2  }
0xb: {  	[smem:$0x3FAF] =	sst s3  }
0xc: {  	[smem:$0x3FB0] =	sst s4  }
0xd: {  	[smem:$0x3FB1] =	sst s5  }
0xe: {  	[smem:$0x3FB2] =	sst s6  }
0xf: {  	[smem:$0x3FB3] =	sst s7  }
0x10: {  	[smem:$0x3FB4] =	sst s8  }
0x11: {  	[smem:$0x3FB5] =	sst s9;
	s0 =	simm.s32 @!p0 $0x0  }
0x12: {  	s1 =	sld [smem:$0x3F9B];
	s0 =	simm.s32 @p0 $0x1  }
0x13: {  	[smem:$0x3FB6] =	sst s0;
	s0 =	simm.s32 @!p1 $0x0  }
0x14: {  	s2 =	sld [smem:$0x3F9A];
	s0 =	simm.s32 @p1 $0x1  }
0x15: {  	[smem:$0x3FB7] =	sst s0;
	s0 =	simm.s32 @!p2 $0x0  }
0x16: {  	s3 =	sld [smem:$0x3FDB];
	s0 =	simm.s32 @p2 $0x1  }
0x17: {  	s4 =	simm.s32 $0x1BF5;
	[smem:$0x3FB9] =	sst s0  }
0x18: {  	s0 =	sld [smem:$0x3F9C];
	_ =	swait.ge [sflag:s4], $0x0  }
0x19: {  	s7 =	sld [smem:$0x3F9D]  }
0x1a: {  	s8 =	sadd.s32 $0xFFFFE003, lr  }
0x1b: {  	s9 =	sadd.s32 $0xFFFFFEF7, lr;
	s5 =	simm.s32 $0xFFFFFFFF;
	p2 =	slt.u32 s8, $0xFFFFF086  }
0x1c: {  	p1 =	slt.u32 s9, $0xF7A;
	s5 =	simm.s32 @!p2 $0x0  }
0x1d: {  	s5 =	simm.s32 @p1 $0x1;
	p0 =	seq.s32 s7, s2  }
0x1e: {  	s7 =	smul.u32 @!p0 $0xF7A, s2;
	p2 =	seq.s32 @!p0 s5, $0x0  }
0x1f: {  	s9 =	smul.u32 $0xF7A, s1;
	s8 =	simm.s32 @!p0 $0x1BF5;
	p2 =	por !p2, p0  }
0x20: {  	[sflag:s8] =	ssyncset.s32 @!p0 $0xFFFFF086;
	s6 =	sadd.s32 @!p0 s3, s7;
	s7 =	simm.s32 @!p0 $0x108  }
0x21: {  	s3 =	sadd.s32 s3, s9;
	s6 =	sadd.s32 @!p0 $0x88, s6;
	s7 =	simm.s32 @p2 $0x1082  }
0x22: {  	[simem:s7], [sflag:s8] =	dma.local @!p0 [hbm:s6], $0xF7A  }
0x23: {  	s9 =	sor.u32 $0xD0000000, s2;
	s6 =	simm.s32 $0x108;
	_ =	swait.ge @!p0 [sflag:s8], $0x0  }
0x24: {  	s3 =	sadd.s32 $0x88, s3;
	s6 =	simm.s32 @!p1 $0x1082;
	[sflag:s4] =	ssyncset.s32 $0xFFFFF086  }
0x25: {  	[simem:s6], [sflag:s4] =	dma.local [hbm:s3], $0xF7A  }
0x26: {  	[smem:$0x3F9D] =	sst s1;
	(tag) =	ssettag s2;
	_ =	strace s9  }
0x27: {  	s1 =	sld [smem:$0x3FAD]  }
0x28: {  	s2 =	sld [smem:$0x3FAE]  }
0x29: {  	s4 =	sld [smem:$0x3FB0]  }
0x2a: {  	p0 =	seq.s32 s5, $0x0;
	s5 =	sld [smem:$0x3FB1]  }
0x2b: {  	s6 =	sld [smem:$0x3FB2]  }
0x2c: {  	s7 =	sld [smem:$0x3FB3]  }
0x2d: {  	s3 =	simm.s32 $0x108;
	s8 =	sld [smem:$0x3FB4]  }
0x2e: {  	s3 =	simm.s32 @!p0 $0x1082;
	s9 =	sld [smem:$0x3FB5]  }
0x2f: {  	lr =	sadd.s32 s0, s3;
	s0 =	sld [smem:$0x3FAC]  }
0x30: {  	s3 =	sld [smem:$0x3FAF]  }
0x31: {  	[smem:$0x3FB8] =	sst s10  }
0x32: {  	s10 =	sld [smem:$0x3FB6];
	_ =	sdelay $0x3  }
0x33: {  	p0 =	seq.s32 s10, $0x1;
	s10 =	sld [smem:$0x3FB8];
	_ =	sdelay $0x3  }
0x34: {  	[smem:$0x3FB8] =	sst s10  }
0x35: {  	s10 =	sld [smem:$0x3FB7];
	_ =	sdelay $0x3  }
0x36: {  	p1 =	seq.s32 s10, $0x1;
	s10 =	sld [smem:$0x3FB8];
	_ =	sdelay $0x3  }
0x37: {  	[smem:$0x3FB8] =	sst s10  }
0x38: {  	s10 =	sld [smem:$0x3FB9]  }
0x39: {  	_ = 	snop;
	(pc) =	sbr.ind lr, $3  }
0x3a: {  	_ = 	snop  }
0x3b: {  	_ = 	snop  }
0x3c: {  	p2 =	seq.s32 s10, $0x1;
	s10 =	sld [smem:$0x3FB8]  }
0x3d: {  	_ =	shalt  }
0x3e: {  	_ =	shalt  }
0x3f: {  	_ =	shalt  }
0x40: {  	_ =	shalt  }
0x41: {  	_ =	shalt  }
0x42: {  	_ =	shalt  }
0x43: {  	_ =	shalt  }
0x44: {  	_ =	shalt  }
0x45: {  	_ =	shalt  }
0x46: {  	_ =	shalt  }
0x47: {  	_ =	shalt  }
0x48: {  	_ =	shalt  }
0x49: {  	_ =	shalt  }
0x4a: {  	_ =	shalt  }
0x4b: {  	_ =	shalt  }
0x4c: {  	_ =	shalt  }
0x4d: {  	_ =	shalt  }
0x4e: {  	_ =	shalt  }
0x4f: {  	_ =	shalt  }
0x50: {  	_ =	shalt  }
0x51: {  	_ =	shalt  }
0x52: {  	_ =	shalt  }
0x53: {  	_ =	shalt  }
0x54: {  	_ =	shalt  }
0x55: {  	_ =	shalt  }
0x56: {  	_ =	shalt  }
0x57: {  	_ =	shalt  }
0x58: {  	_ =	shalt  }
0x59: {  	_ =	shalt  }
0x5a: {  	_ =	shalt  }
0x5b: {  	_ =	shalt  }
0x5c: {  	_ =	shalt  }
0x5d: {  	_ =	shalt  }
0x5e: {  	_ =	shalt  }
0x5f: {  	_ =	shalt  }
0x60: {  	_ =	shalt  }
0x61: {  	_ =	shalt  }
0x62: {  	_ =	shalt  }
0x63: {  	_ =	shalt  }
0x64: {  	_ =	shalt  }
0x65: {  	_ =	shalt  }
0x66: {  	_ =	shalt  }
0x67: {  	_ =	shalt  }
0x68: {  	_ =	shalt  }
0x69: {  	_ =	shalt  }
0x6a: {  	_ =	shalt  }
0x6b: {  	_ =	shalt  }
0x6c: {  	_ =	shalt  }
0x6d: {  	_ =	shalt  }
0x6e: {  	_ =	shalt  }
0x6f: {  	_ =	shalt  }
0x70: {  	_ =	shalt  }
0x71: {  	_ =	shalt  }
0x72: {  	_ =	shalt  }
0x73: {  	_ =	shalt  }
0x74: {  	_ =	shalt  }
0x75: {  	_ =	shalt  }
0x76: {  	_ =	shalt  }
0x77: {  	_ =	shalt  }
0x78: {  	_ =	shalt  }
0x79: {  	_ =	shalt  }
0x7a: {  	_ =	shalt  }
0x7b: {  	_ =	shalt  }
0x7c: {  	_ =	shalt  }
0x7d: {  	_ =	shalt  }
0x7e: {  	_ =	shalt  }
0x7f: {  	_ =	shalt  }
0x80: {  	_ =	shalt  }
0x81: {  	_ =	shalt  }
0x82: {  	_ =	shalt  }
0x83: {  	_ =	shalt  }
0x84: {  	_ =	shalt  }
0x85: {  	_ =	shalt  }
0x86: {  	_ =	shalt  }
0x87: {  	_ =	shalt  }
.Lfunc_end0:
.L_simem_size_0:
called_computation_lowered:
.L_overlay_start_0:
0x88: {  	s2 =	sld [smem:$0x3FD9]  }
0x89: {  	s3 =	sld [smem:$0x3FFE];
	_ =	sdelay $0x1  }
0x8a: {  	s1 =	srdreg.scid  }
0x8b: {  	s0 =	sand.u32 $0x1, s1  }
0x8c: {  	s17 =	sshll.u32 s0, $0xA;
	s2 =	sadd.s32 s3, s2  }
0x8d: {  	s2 =	sadd.s32 s2, s17  }
0x8e: {  	[smem:$0x3FC4] =	sst s2  }
0x8f: {  	_ = 	snop  }
0x90: {  	s2 =	sld [smem:$0x3FD0];
	(tm) =	ssettm $0x1  }
0x91: {  	s18 =	sld [smem:$0x3FFB];
	_ =	sdelay $0x3  }
0x92: {  	_ =	strace s18  }
0x93: {  	s3 =	sld [smem:$0x3FFC];
	_ =	sdelay $0x3  }
0x94: {  	_ =	strace s3  }
0x95: {  	s3 =	sld [smem:$0x3FFD];
	_ =	sdelay $0x3  }
0x96: {  	_ =	strace s3  }
0x97: {  	_ =	strace $0x8FFFFFFF  }
0x98: {  	s19 =	sld [smem:$0x3FDB];
	_ =	sdelay $0x1  }
0x99: {  	s4 =	simm.s32 $_scs_section_size  }
0x9a: {  	s5 =	simm.s32 $_size__tile_overlayer_lowered;
	s6 =	simm.s32 $_tile_overlayer_lowered  }
0x9b: {  	s22 =	simm.s32 $0x1BFF;
	s21 =	sshll.u32 s6, $0x1;
	s3 =	sadd.s32 s4, s19  }
0x9c: {  	s7 =	simm.s32 $0x0;
	s20 =	sshll.u32 s5, $0x1;
	s5 =	sadd.s32 s21, s3  }
0x9d: {  	[timem:s7], [sflag:s22] =	dma.local [hbm:s5], s20  }
0x9e: {  	_ =	swait.ge [sflag:s22], s20  }
0x9f: {  	s4 =	ssub.s32 $0x0, s20;
	[sflag:s22] =	ssyncset.done $0x0  }
0xa0: {  	[sflag:s22] =	ssyncadd.s32 s4;
	_ =	sdelay $0x1  }
0xa1: {  	s23 =	simm.s32 $0x1B8B  }
0xa2: {  	_ =	swait.ge [sflag:s23], $0x1  }
0xa3: {  	[sflag:s23] =	ssyncset.done $0x0  }
0xa4: {  	s25 =	simm.s32 $0x1B8E;
	s24 =	sld [smem:$0x3FFE];
	[sflag:s23] =	ssyncadd.s32 $0xFFFFFFFF  }
0xa5: {  	s26 =	simm.s32 $execute0_lowered;
	[smem:$0x3FD2] =	sst s25  }
0xa6: {  	s5 =	sshll.u32 s26, $0x1;
	_ =	strace $0x80000046;
	[dreg:$0x1] =	wrdreg $0xFFFFFFFF  }
0xa7: {  	s28 =	simm.s32 $_size_execute0_lowered;
	s3 =	sadd.s32 s3, s5;
	[dreg:$0x0] =	wrdreg $0x0  }
0xa8: {  	s5 =	sshll.u32 s28, $0x1;
	[dreg:$0x2] =	wrdreg s3  }
0xa9: {  	[dreg:$0x3] =	wrdreg s5  }
0xaa: {  	[dreg:$0x4] =	wrdreg $0xC0  }
0xab: {  	_ =	task [dreg:s7], $0x5FFFF  }
0xac: {  	[dreg:$0x1] =	wrdreg $0xFFFFFFFF  }
0xad: {  	[dreg:$0x0] =	wrdreg $0x60  }
0xae: {  	[dreg:$0x2] =	wrdreg s24  }
0xaf: {  	[dreg:$0x3] =	wrdreg s2  }
0xb0: {  	[dreg:$0x4] =	wrdreg $0x9  }
0xb1: {  	_ =	task.clear_ibuf [dreg:s7], $0x5FFFF;
	_ =	strace $0x90000046  }
0xb2: {  	s29 =	simm.s32 $0x9;
	_ =	strace $0x80000048  }
0xb3: {  	_ =	swait.ge [sflag:s29], $0x1  }
0xb4: {  	[sflag:s29] =	ssyncadd.s32 $0xFFFFFFFF  }
0xb5: {  	_ =	strace $0x90000048  }
0xb6: {  	_ =	sfence  }
0xb7: {  	s30 =	sld [smem:$0x0];
	_ =	sdelay $0x2  }
0xb8: {  	s31 =	sshll.u32 s1, $0xD;
	s1 =	sshrl.u32 s1, $0x2  }
0xb9: {  	s3 =	sand.u32 $0x4000, s31;
	s1 =	sadd.s32 s1, s30  }
0xba: {  	s0 =	sor.u32 s3, s0;
	s1 =	sshll.u32 s1, $0x11  }
0xbb: {  	s0 =	sor.u32 s1, s0  }
0xbc: {  	s0 =	sadd.s32 $0x8F2B, s0  }
0xbd: {  	[sflag:s0] =	ssyncadd.remote.s32 $0x1  }
0xbe: {  	_ =	sfence.sel $0xFFFF  }
0xbf: {  	[dreg:$0x0] =	wrdreg $0xFFFFFFFF;
	(pc) =	sbr.abs _section_cstart, $3  }
0xc0: {  	[dreg:$0x1] =	wrdreg $0xFFFFFFFF  }
0xc1: {  	_ =	task.clear_ibuf [dreg:s7], $0x2FFFF;
	_ =	strace $0x9FFFFFFF  }
0xc2: {  	(tm) =	ssettm $0x7FFFFFFF  }
0xc3: {  	_ =	shalt  }
tec
execute0_lowered:
.L_overlay_start_1:
0x0: {  	(tag) =	ssettag $0x1  }
0x1: {  	s0 =	srdreg.scid;
	s1 =	rddreg [dreg:$0x0]  }
0x2: {  	s2 =	stileid.u32;
	s5 =	rddreg [dreg:$0x1];
	s8 =	simm.s32 $0x32  }
0x3: {  	s21 =	simm.s32 $0x9580;
	s22 =	simm.s32 $0x188;
	s23 =	simm.s32 $0x9BC0  }
0x4: {  	s24 =	simm.s32 $0x1;
	s25 =	simm.s32 $0xA200;
	s28 =	simm.s32 $0xAE80  }
0x5: {  	s29 =	simm.s32 $0xB4C0;
	s30 =	simm.s32 $0xBB00;
	s31 =	simm.s32 $0xC140  }
0x6: {  	s9 =	simm.s32 $0xD400;
	s10 =	simm.s32 $0x2;
	s11 =	simm.s32 $0xD600  }
0x7: {  	s12 =	simm.s32 $0x3;
	s13 =	simm.s32 $0x4;
	s0 =	sand.u32 $0x1, s0  }
0x8: {  	s14 =	simm.s32 $0x0;
	s2 =	sshll.u32 s2, $0xA;
	s3 =	sshll.u32 s0, $0x9  }
0x9: {  	s0 =	ssub.s32 $0x2, s0;
	s4 =	sor.u32 s3, s2;
	s2 =	simm.s32 $0x0  }
0xa: {  	s26 =	sshrl.u32 s0, $0x1;
	s3 =	smul.u32 $0x7, s4;
	[smem:$0x7FF] =	sst s2  }
0xb: {  	s7 =	sshll.u32 s4, $0x3;
	s0 =	ssub.s32 s0, s26;
	s26 =	simm.s32 $0xA840  }
0xc: {  	_ =	strace $0x80000047;
	s5 =	sadd.s32 s5, s7;
	s7 =	simm.s32 $0x5  }
0xd: {  	s6 =	sadd.s32 s3, s1;
	s3 =	sadd.s32 $0x1CA00, s1;
	s1 =	simm.s32 $0xC780  }
0xe: {  	s4 =	sadd.s32 $0xA00, s6;
	s6 =	smax.u32 s0, $0x1;
	s0 =	simm.s32 $0xCDC0  }
.LBB2_1:
0xf: {  	[tilespmem:s2], [sflag:$0x5] =	stream.linear.gather [hbm4b:s4+s2], $0x7000, $0x38;
	[tilespmem:$0xD800] =	vst v63  }
0x10: {  	_ =	swait.ge [sflag:s7], $0x7000  }
0x11: {  	[sflag:s7] =	ssyncset.done $0x0  }
0x12: {  	s15 =	simm.s32 $0x7000;
	[sflag:s7] =	ssyncadd.s32 $0xFFFF9000  }
0x13: {  	[tilespmem:s15], [sflag:$0x1] =	stream.indirect.gather [hbm4b:s3+s8], $0x20, s2, s8, $0xb8;
	[tilespmem:$0xD800] =	vst v63  }
0x14: {  	s20 =	simm.s32 $0x38;
	s16 =	simm.s32 $0x7640  }
0x15: {  	[tilespmem:s16], [sflag:$0x1] =	stream.indirect.gather [hbm4b:s3+s8], $0x20, s20, s8, $0xb8;
	[tilespmem:$0xD800] =	vst v63  }
0x16: {  	s17 =	simm.s32 $0x70;
	s18 =	simm.s32 $0x7C80  }
0x17: {  	[tilespmem:s18], [sflag:$0x1] =	stream.indirect.gather [hbm4b:s3+s8], $0x20, s17, s8, $0xb8;
	[tilespmem:$0xD800] =	vst v63  }
0x18: {  	s19 =	simm.s32 $0xA8;
	s20 =	simm.s32 $0x82C0  }
0x19: {  	[tilespmem:s20], [sflag:$0x1] =	stream.indirect.gather [hbm4b:s3+s8], $0x20, s19, s8, $0xb8;
	[tilespmem:$0xD800] =	vst v63  }
0x1a: {  	s16 =	simm.s32 $0xE0;
	s17 =	simm.s32 $0x8900  }
0x1b: {  	[tilespmem:s17], [sflag:$0x1] =	stream.indirect.gather [hbm4b:s3+s8], $0x20, s16, s8, $0xb8;
	[tilespmem:$0xD800] =	vst v63  }
0x1c: {  	s18 =	simm.s32 $0x118;
	s19 =	simm.s32 $0x8F40  }
0x1d: {  	[tilespmem:s19], [sflag:$0x1] =	stream.indirect.gather [hbm4b:s3+s8], $0x20, s18, s8, $0xb8;
	[tilespmem:$0xD800] =	vst v63  }
0x1e: {  	s20 =	simm.s32 $0x150  }
0x1f: {  	[tilespmem:s21], [sflag:$0x1] =	stream.indirect.gather [hbm4b:s3+s8], $0x20, s20, s8, $0xb8;
	[tilespmem:$0xD800] =	vst v63  }
0x20: {  	s15 =	simm.s32 $0x0  }
0x21: {  	[tilespmem:s23], [sflag:$0x1] =	stream.indirect.gather [hbm4b:s3+s8], $0x20, s22, s8, $0xb8;
	[tilespmem:$0xD800] =	vst v63  }
.LBB2_2:
0x22: {  	_ =	swait.ge [sflag:s24], $0x640  }
0x23: {  	[sflag:s24] =	ssyncset.done $0x0  }
0x24: {  	[sflag:s24] =	ssyncadd.s32 $0xFFFFF9C0  }
0x25: {  	_ =	swait.ge [sflag:s24], $0x640  }
0x26: {  	[sflag:s24] =	ssyncset.done $0x0  }
0x27: {  	[sflag:s24] =	ssyncadd.s32 $0xFFFFF9C0  }
0x28: {  	_ =	swait.ge [sflag:s24], $0x640  }
0x29: {  	[sflag:s24] =	ssyncset.done $0x0  }
0x2a: {  	[sflag:s24] =	ssyncadd.s32 $0xFFFFF9C0  }
0x2b: {  	_ =	swait.ge [sflag:s24], $0x640  }
0x2c: {  	[sflag:s24] =	ssyncset.done $0x0  }
0x2d: {  	[sflag:s24] =	ssyncadd.s32 $0xFFFFF9C0  }
0x2e: {  	_ =	swait.ge [sflag:s24], $0x640  }
0x2f: {  	[sflag:s24] =	ssyncset.done $0x0  }
0x30: {  	[sflag:s24] =	ssyncadd.s32 $0xFFFFF9C0  }
0x31: {  	_ =	swait.ge [sflag:s24], $0x640  }
0x32: {  	[sflag:s24] =	ssyncset.done $0x0  }
0x33: {  	[sflag:s24] =	ssyncadd.s32 $0xFFFFF9C0  }
0x34: {  	_ =	swait.ge [sflag:s24], $0x640  }
0x35: {  	[sflag:s24] =	ssyncset.done $0x0  }
0x36: {  	s16 =	sshllo.u32 s15, $0x1;
	[sflag:s24] =	ssyncadd.s32 $0xFFFFF9C0  }
0x37: {  	s17 =	smul.u32 $0x700, s16;
	_ =	swait.ge [sflag:s24], $0x640  }
0x38: {  	[sflag:s24] =	ssyncset.done $0x0  }
0x39: {  	s17 =	sshra.s32 s17, $0x2;
	[sflag:s24] =	ssyncadd.s32 $0xFFFFF9C0  }
0x3a: {  	[tilespmem:s25], [sflag:$0x2] =	stream.indirect.gather [hbm4b:s3+s8], $0x20, s17, s8, $0xb8;
	[tilespmem:$0xD800] =	vst v63  }
0x3b: {  	s18 =	sor.u32 $0x38, s17  }
0x3c: {  	[tilespmem:s26], [sflag:$0x2] =	stream.indirect.gather [hbm4b:s3+s8], $0x20, s18, s8, $0xb8;
	[tilespmem:$0xD800] =	vst v63  }
0x3d: {  	s20 =	sadd.s32 $0x70, s17  }
0x3e: {  	[tilespmem:s28], [sflag:$0x2] =	stream.indirect.gather [hbm4b:s3+s8], $0x20, s20, s8, $0xb8;
	[tilespmem:$0xD800] =	vst v63  }
0x3f: {  	s19 =	sadd.s32 $0xA8, s17  }
0x40: {  	[tilespmem:s29], [sflag:$0x2] =	stream.indirect.gather [hbm4b:s3+s8], $0x20, s19, s8, $0xb8;
	[tilespmem:$0xD800] =	vst v63  }
0x41: {  	s20 =	sadd.s32 $0xE0, s17  }
0x42: {  	[tilespmem:s30], [sflag:$0x2] =	stream.indirect.gather [hbm4b:s3+s8], $0x20, s20, s8, $0xb8;
	[tilespmem:$0xD800] =	vst v63  }
0x43: {  	s19 =	sadd.s32 $0x118, s17  }
0x44: {  	[tilespmem:s31], [sflag:$0x2] =	stream.indirect.gather [hbm4b:s3+s8], $0x20, s19, s8, $0xb8;
	[tilespmem:$0xD800] =	vst v63  }
0x45: {  	s20 =	sadd.s32 $0x150, s17  }
0x46: {  	[tilespmem:s1], [sflag:$0x2] =	stream.indirect.gather [hbm4b:s3+s8], $0x20, s20, s8, $0xb8;
	[tilespmem:$0xD800] =	vst v63  }
0x47: {  	p0 =	seq.s32 s15, $0x0;
	s17 =	sadd.s32 $0x188, s17  }
0x48: {  	[tilespmem:s0], [sflag:$0x2] =	stream.indirect.gather [hbm4b:s3+s8], $0x20, s17, s8, $0xb8;
	[tilespmem:$0xD800] =	vst v63  }
0x49: {  	s17 =	simm.s32 @!p0 $0x3  }
0x4a: {  	_ =	swait.ge @!p0 [sflag:s17], $0x200  }
0x4b: {  	[sflag:s17] =	ssyncset.done @!p0 $0x0  }
0x4c: {  	s19 =	simm.s32 $0x0;
	[sflag:s17] =	ssyncadd.s32 @!p0 $0xFFFFFE00  }
0x4d: {  	v0 =	vld [tilespmem:s19+$0x7020]  }
0x4e: {  	v1 =	vld [tilespmem:s19+$0x7000]  }
0x4f: {  	v2 =	vld [tilespmem:s19+$0x7010];
	_ =	sdelay $0x1  }
0x50: {  	v4 =	vld [tilespmem:s19+$0x7030]  }
0x51: {  	s20 =	simm.s32 $0x40  }
0x52: {  	v5 =	vimm.f32 $0.0e+00;
	v3 =	vld [tilespmem:s20+$0x7000];
	v10 =	vunpack.i.u.bf16.f32 v0;
	v11 =	vunpack.i.l.bf16.f32 v0  }
0x53: {  	v0 =	vld [tilespmem:s20+$0x7020];
	v6 =	vunpack.i.u.bf16.f32 v1;
	v1 =	vunpack.i.l.bf16.f32 v1;
	v7 =	vunpack.i.u.bf16.f32 v2  }
0x54: {  	v8 =	vunpack.i.l.bf16.f32 v2;
	v2 =	vld [tilespmem:s20+$0x7010];
	v12 =	vadd.f32 v1, v5;
	v13 =	vadd.f32 v6, v5  }
0x55: {  	v9 =	vunpack.i.l.bf16.f32 v4;
	v6 =	vadd.f32 v8, v5;
	v7 =	vadd.f32 v7, v5  }
0x56: {  	s17 =	simm.s32 $0x200;
	v8 =	vunpack.i.u.bf16.f32 v4;
	v1 =	vld [tilespmem:s20+$0x7030];
	v5 =	vadd.f32 v11, v12;
	v4 =	vadd.f32 v10, v13  }
.LBB2_3:
0x57: {  	s18 =	sshra.s32 s17, $0x2;
	v6 =	vadd.f32 v9, v6;
	v7 =	vadd.f32 v8, v7;
	p0 =	sne.s32 s17, $0x1800  }
.Ltmp0:
0x58: {  	v10 =	vunpack.i.u.bf16.f32 v0;
	v11 =	vunpack.i.l.bf16.f32 v0;
	v0 =	vld [tilespmem:s18+$0x7020];
	(pc) =	sbr.rel @p0 .LBB2_3-.Ltmp0, $4  }
0x59: {  	v8 =	vunpack.i.u.bf16.f32 v3;
	v9 =	vunpack.i.l.bf16.f32 v3;
	v3 =	vld [tilespmem:s18+$0x7000];
	v12 =	vunpack.i.u.bf16.f32 v2  }
0x5a: {  	s17 =	sadd.s32 $0x100, s17;
	v13 =	vunpack.i.l.bf16.f32 v2;
	v5 =	vadd.f32 v9, v5;
	v4 =	vadd.f32 v8, v4;
	v2 =	vld [tilespmem:s18+$0x7010]  }
0x5b: {  	v6 =	vadd.f32 v13, v6;
	v7 =	vadd.f32 v12, v7;
	v8 =	vunpack.i.u.bf16.f32 v1  }
0x5c: {  	v9 =	vunpack.i.l.bf16.f32 v1;
	v5 =	vadd.f32 v11, v5;
	v4 =	vadd.f32 v10, v4;
	v1 =	vld [tilespmem:s18+$0x7030]  }
0x5d: {  	_ = 	snop  }
0x5e: {  	v6 =	vadd.f32 v9, v6;
	v7 =	vadd.f32 v8, v7;
	v8 =	vunpack.i.l.bf16.f32 v3  }
0x5f: {  	v9 =	vunpack.i.u.bf16.f32 v0;
	v3 =	vunpack.i.u.bf16.f32 v3;
	v5 =	vadd.f32 v8, v5  }
0x60: {  	v0 =	vunpack.i.l.bf16.f32 v0;
	v8 =	vunpack.i.l.bf16.f32 v2;
	v3 =	vadd.f32 v3, v4  }
0x61: {  	v2 =	vunpack.i.u.bf16.f32 v2;
	v4 =	vadd.f32 v8, v6;
	v0 =	vadd.f32 v0, v5  }
0x62: {  	v2 =	vadd.f32 v2, v7;
	v5 =	vunpack.i.l.bf16.f32 v1;
	v3 =	vadd.f32 v9, v3  }
0x63: {  	v1 =	vunpack.i.u.bf16.f32 v1;
	v4 =	vadd.f32 v5, v4;
	[tilespmem:$0xD400] =	vst v0  }
0x64: {  	v0 =	vadd.f32 v1, v2;
	[tilespmem:$0xD410] =	vst v3  }
0x65: {  	[tilespmem:$0xD420] =	vst v4  }
0x66: {  	s17 =	simm.s32 $0x0;
	[tilespmem:$0xD430] =	vst v0  }
0x67: {  	v0 =	vld [tilespmem:s17+$0x7660]  }
0x68: {  	v1 =	vld [tilespmem:s17+$0x7640]  }
0x69: {  	v2 =	vld [tilespmem:s17+$0x7650];
	_ =	sdelay $0x1  }
0x6a: {  	v4 =	vld [tilespmem:s17+$0x7670]  }
0x6b: {  	s18 =	simm.s32 $0x40  }
0x6c: {  	v5 =	vimm.f32 $0.0e+00;
	v3 =	vld [tilespmem:s18+$0x7640];
	v10 =	vunpack.i.u.bf16.f32 v0;
	v11 =	vunpack.i.l.bf16.f32 v0  }
0x6d: {  	v0 =	vld [tilespmem:s18+$0x7660];
	v6 =	vunpack.i.u.bf16.f32 v1;
	v1 =	vunpack.i.l.bf16.f32 v1;
	v7 =	vunpack.i.u.bf16.f32 v2  }
0x6e: {  	v8 =	vunpack.i.l.bf16.f32 v2;
	v2 =	vld [tilespmem:s18+$0x7650];
	v12 =	vadd.f32 v1, v5;
	v13 =	vadd.f32 v6, v5  }
0x6f: {  	v9 =	vunpack.i.l.bf16.f32 v4;
	v6 =	vadd.f32 v8, v5;
	v7 =	vadd.f32 v7, v5  }
0x70: {  	s17 =	simm.s32 $0x200;
	v8 =	vunpack.i.u.bf16.f32 v4;
	v1 =	vld [tilespmem:s18+$0x7670];
	v5 =	vadd.f32 v11, v12;
	v4 =	vadd.f32 v10, v13  }
.LBB2_5:
0x71: {  	s18 =	sshra.s32 s17, $0x2;
	v6 =	vadd.f32 v9, v6;
	v7 =	vadd.f32 v8, v7;
	p0 =	sne.s32 s17, $0x1800  }
.Ltmp1:
0x72: {  	v10 =	vunpack.i.u.bf16.f32 v0;
	v11 =	vunpack.i.l.bf16.f32 v0;
	v0 =	vld [tilespmem:s18+$0x7660];
	(pc) =	sbr.rel @p0 .LBB2_5-.Ltmp1, $4  }
0x73: {  	v8 =	vunpack.i.u.bf16.f32 v3;
	v9 =	vunpack.i.l.bf16.f32 v3;
	v3 =	vld [tilespmem:s18+$0x7640];
	v12 =	vunpack.i.u.bf16.f32 v2  }
0x74: {  	s17 =	sadd.s32 $0x100, s17;
	v13 =	vunpack.i.l.bf16.f32 v2;
	v5 =	vadd.f32 v9, v5;
	v4 =	vadd.f32 v8, v4;
	v2 =	vld [tilespmem:s18+$0x7650]  }
0x75: {  	v6 =	vadd.f32 v13, v6;
	v7 =	vadd.f32 v12, v7;
	v8 =	vunpack.i.u.bf16.f32 v1  }
0x76: {  	v9 =	vunpack.i.l.bf16.f32 v1;
	v5 =	vadd.f32 v11, v5;
	v4 =	vadd.f32 v10, v4;
	v1 =	vld [tilespmem:s18+$0x7670]  }
0x77: {  	_ = 	snop  }
0x78: {  	v6 =	vadd.f32 v9, v6;
	v7 =	vadd.f32 v8, v7;
	v8 =	vunpack.i.l.bf16.f32 v3  }
0x79: {  	v9 =	vunpack.i.u.bf16.f32 v0;
	v3 =	vunpack.i.u.bf16.f32 v3;
	v5 =	vadd.f32 v8, v5  }
0x7a: {  	v0 =	vunpack.i.l.bf16.f32 v0;
	v8 =	vunpack.i.l.bf16.f32 v2;
	v3 =	vadd.f32 v3, v4  }
0x7b: {  	v2 =	vunpack.i.u.bf16.f32 v2;
	v4 =	vadd.f32 v8, v6;
	v0 =	vadd.f32 v0, v5  }
0x7c: {  	v2 =	vadd.f32 v2, v7;
	v5 =	vunpack.i.l.bf16.f32 v1;
	v3 =	vadd.f32 v9, v3  }
0x7d: {  	v1 =	vunpack.i.u.bf16.f32 v1;
	v4 =	vadd.f32 v5, v4;
	[tilespmem:$0xD440] =	vst v0  }
0x7e: {  	v0 =	vadd.f32 v1, v2;
	[tilespmem:$0xD450] =	vst v3  }
0x7f: {  	[tilespmem:$0xD460] =	vst v4  }
0x80: {  	s17 =	simm.s32 $0x0;
	[tilespmem:$0xD470] =	vst v0  }
0x81: {  	v0 =	vld [tilespmem:s17+$0x7CA0]  }
0x82: {  	v1 =	vld [tilespmem:s17+$0x7C80]  }
0x83: {  	v2 =	vld [tilespmem:s17+$0x7C90];
	_ =	sdelay $0x1  }
0x84: {  	v4 =	vld [tilespmem:s17+$0x7CB0]  }
0x85: {  	s18 =	simm.s32 $0x40  }
0x86: {  	v5 =	vimm.f32 $0.0e+00;
	v3 =	vld [tilespmem:s18+$0x7C80];
	v10 =	vunpack.i.u.bf16.f32 v0;
	v11 =	vunpack.i.l.bf16.f32 v0  }
0x87: {  	v0 =	vld [tilespmem:s18+$0x7CA0];
	v6 =	vunpack.i.u.bf16.f32 v1;
	v1 =	vunpack.i.l.bf16.f32 v1;
	v7 =	vunpack.i.u.bf16.f32 v2  }
0x88: {  	v8 =	vunpack.i.l.bf16.f32 v2;
	v2 =	vld [tilespmem:s18+$0x7C90];
	v12 =	vadd.f32 v1, v5;
	v13 =	vadd.f32 v6, v5  }
0x89: {  	v9 =	vunpack.i.l.bf16.f32 v4;
	v6 =	vadd.f32 v8, v5;
	v7 =	vadd.f32 v7, v5  }
0x8a: {  	s17 =	simm.s32 $0x200;
	v8 =	vunpack.i.u.bf16.f32 v4;
	v1 =	vld [tilespmem:s18+$0x7CB0];
	v5 =	vadd.f32 v11, v12;
	v4 =	vadd.f32 v10, v13  }
.LBB2_7:
0x8b: {  	s18 =	sshra.s32 s17, $0x2;
	v6 =	vadd.f32 v9, v6;
	v7 =	vadd.f32 v8, v7;
	p0 =	sne.s32 s17, $0x1800  }
.Ltmp2:
0x8c: {  	v10 =	vunpack.i.u.bf16.f32 v0;
	v11 =	vunpack.i.l.bf16.f32 v0;
	v0 =	vld [tilespmem:s18+$0x7CA0];
	(pc) =	sbr.rel @p0 .LBB2_7-.Ltmp2, $4  }
0x8d: {  	v8 =	vunpack.i.u.bf16.f32 v3;
	v9 =	vunpack.i.l.bf16.f32 v3;
	v3 =	vld [tilespmem:s18+$0x7C80];
	v12 =	vunpack.i.u.bf16.f32 v2  }
0x8e: {  	s17 =	sadd.s32 $0x100, s17;
	v13 =	vunpack.i.l.bf16.f32 v2;
	v5 =	vadd.f32 v9, v5;
	v4 =	vadd.f32 v8, v4;
	v2 =	vld [tilespmem:s18+$0x7C90]  }
0x8f: {  	v6 =	vadd.f32 v13, v6;
	v7 =	vadd.f32 v12, v7;
	v8 =	vunpack.i.u.bf16.f32 v1  }
0x90: {  	v9 =	vunpack.i.l.bf16.f32 v1;
	v5 =	vadd.f32 v11, v5;
	v4 =	vadd.f32 v10, v4;
	v1 =	vld [tilespmem:s18+$0x7CB0]  }
0x91: {  	_ = 	snop  }
0x92: {  	v6 =	vadd.f32 v9, v6;
	v7 =	vadd.f32 v8, v7;
	v8 =	vunpack.i.l.bf16.f32 v3  }
0x93: {  	v9 =	vunpack.i.u.bf16.f32 v0;
	v3 =	vunpack.i.u.bf16.f32 v3;
	v5 =	vadd.f32 v8, v5  }
0x94: {  	v0 =	vunpack.i.l.bf16.f32 v0;
	v8 =	vunpack.i.l.bf16.f32 v2;
	v3 =	vadd.f32 v3, v4  }
0x95: {  	v2 =	vunpack.i.u.bf16.f32 v2;
	v4 =	vadd.f32 v8, v6;
	v0 =	vadd.f32 v0, v5  }
0x96: {  	v2 =	vadd.f32 v2, v7;
	v5 =	vunpack.i.l.bf16.f32 v1;
	v3 =	vadd.f32 v9, v3  }
0x97: {  	v1 =	vunpack.i.u.bf16.f32 v1;
	v4 =	vadd.f32 v5, v4;
	[tilespmem:$0xD480] =	vst v0  }
0x98: {  	v0 =	vadd.f32 v1, v2;
	[tilespmem:$0xD490] =	vst v3  }
0x99: {  	[tilespmem:$0xD4A0] =	vst v4  }
0x9a: {  	s17 =	simm.s32 $0x0;
	[tilespmem:$0xD4B0] =	vst v0  }
0x9b: {  	v0 =	vld [tilespmem:s17+$0x82E0]  }
0x9c: {  	v1 =	vld [tilespmem:s17+$0x82C0]  }
0x9d: {  	v2 =	vld [tilespmem:s17+$0x82D0];
	_ =	sdelay $0x1  }
0x9e: {  	v4 =	vld [tilespmem:s17+$0x82F0]  }
0x9f: {  	s18 =	simm.s32 $0x40  }
0xa0: {  	v5 =	vimm.f32 $0.0e+00;
	v3 =	vld [tilespmem:s18+$0x82C0];
	v10 =	vunpack.i.u.bf16.f32 v0;
	v11 =	vunpack.i.l.bf16.f32 v0  }
0xa1: {  	v0 =	vld [tilespmem:s18+$0x82E0];
	v6 =	vunpack.i.u.bf16.f32 v1;
	v1 =	vunpack.i.l.bf16.f32 v1;
	v7 =	vunpack.i.u.bf16.f32 v2  }
0xa2: {  	v8 =	vunpack.i.l.bf16.f32 v2;
	v2 =	vld [tilespmem:s18+$0x82D0];
	v12 =	vadd.f32 v1, v5;
	v13 =	vadd.f32 v6, v5  }
0xa3: {  	v9 =	vunpack.i.l.bf16.f32 v4;
	v6 =	vadd.f32 v8, v5;
	v7 =	vadd.f32 v7, v5  }
0xa4: {  	s17 =	simm.s32 $0x200;
	v8 =	vunpack.i.u.bf16.f32 v4;
	v1 =	vld [tilespmem:s18+$0x82F0];
	v5 =	vadd.f32 v11, v12;
	v4 =	vadd.f32 v10, v13  }
.LBB2_9:
0xa5: {  	s18 =	sshra.s32 s17, $0x2;
	v6 =	vadd.f32 v9, v6;
	v7 =	vadd.f32 v8, v7;
	p0 =	sne.s32 s17, $0x1800  }
.Ltmp3:
0xa6: {  	v10 =	vunpack.i.u.bf16.f32 v0;
	v11 =	vunpack.i.l.bf16.f32 v0;
	v0 =	vld [tilespmem:s18+$0x82E0];
	(pc) =	sbr.rel @p0 .LBB2_9-.Ltmp3, $4  }
0xa7: {  	v8 =	vunpack.i.u.bf16.f32 v3;
	v9 =	vunpack.i.l.bf16.f32 v3;
	v3 =	vld [tilespmem:s18+$0x82C0];
	v12 =	vunpack.i.u.bf16.f32 v2  }
0xa8: {  	s17 =	sadd.s32 $0x100, s17;
	v13 =	vunpack.i.l.bf16.f32 v2;
	v5 =	vadd.f32 v9, v5;
	v4 =	vadd.f32 v8, v4;
	v2 =	vld [tilespmem:s18+$0x82D0]  }
0xa9: {  	v6 =	vadd.f32 v13, v6;
	v7 =	vadd.f32 v12, v7;
	v8 =	vunpack.i.u.bf16.f32 v1  }
0xaa: {  	v9 =	vunpack.i.l.bf16.f32 v1;
	v5 =	vadd.f32 v11, v5;
	v4 =	vadd.f32 v10, v4;
	v1 =	vld [tilespmem:s18+$0x82F0]  }
0xab: {  	_ = 	snop  }
0xac: {  	v6 =	vadd.f32 v9, v6;
	v7 =	vadd.f32 v8, v7;
	v8 =	vunpack.i.l.bf16.f32 v3  }
0xad: {  	v9 =	vunpack.i.u.bf16.f32 v0;
	v3 =	vunpack.i.u.bf16.f32 v3;
	v5 =	vadd.f32 v8, v5  }
0xae: {  	v0 =	vunpack.i.l.bf16.f32 v0;
	v8 =	vunpack.i.l.bf16.f32 v2;
	v3 =	vadd.f32 v3, v4  }
0xaf: {  	v2 =	vunpack.i.u.bf16.f32 v2;
	v4 =	vadd.f32 v8, v6;
	v0 =	vadd.f32 v0, v5  }
0xb0: {  	v2 =	vadd.f32 v2, v7;
	v5 =	vunpack.i.l.bf16.f32 v1;
	v3 =	vadd.f32 v9, v3  }
0xb1: {  	v1 =	vunpack.i.u.bf16.f32 v1;
	v4 =	vadd.f32 v5, v4;
	[tilespmem:$0xD4C0] =	vst v0  }
0xb2: {  	v0 =	vadd.f32 v1, v2;
	[tilespmem:$0xD4D0] =	vst v3  }
0xb3: {  	[tilespmem:$0xD4E0] =	vst v4  }
0xb4: {  	s17 =	simm.s32 $0x0;
	[tilespmem:$0xD4F0] =	vst v0  }
0xb5: {  	v0 =	vld [tilespmem:s17+$0x8920]  }
0xb6: {  	v1 =	vld [tilespmem:s17+$0x8900]  }
0xb7: {  	v2 =	vld [tilespmem:s17+$0x8910];
	_ =	sdelay $0x1  }
0xb8: {  	v4 =	vld [tilespmem:s17+$0x8930]  }
0xb9: {  	s18 =	simm.s32 $0x40  }
0xba: {  	v5 =	vimm.f32 $0.0e+00;
	v3 =	vld [tilespmem:s18+$0x8900];
	v10 =	vunpack.i.u.bf16.f32 v0;
	v11 =	vunpack.i.l.bf16.f32 v0  }
0xbb: {  	v0 =	vld [tilespmem:s18+$0x8920];
	v6 =	vunpack.i.u.bf16.f32 v1;
	v1 =	vunpack.i.l.bf16.f32 v1;
	v7 =	vunpack.i.u.bf16.f32 v2  }
0xbc: {  	v8 =	vunpack.i.l.bf16.f32 v2;
	v2 =	vld [tilespmem:s18+$0x8910];
	v12 =	vadd.f32 v1, v5;
	v13 =	vadd.f32 v6, v5  }
0xbd: {  	v9 =	vunpack.i.l.bf16.f32 v4;
	v6 =	vadd.f32 v8, v5;
	v7 =	vadd.f32 v7, v5  }
0xbe: {  	s17 =	simm.s32 $0x200;
	v8 =	vunpack.i.u.bf16.f32 v4;
	v1 =	vld [tilespmem:s18+$0x8930];
	v5 =	vadd.f32 v11, v12;
	v4 =	vadd.f32 v10, v13  }
.LBB2_11:
0xbf: {  	s18 =	sshra.s32 s17, $0x2;
	v6 =	vadd.f32 v9, v6;
	v7 =	vadd.f32 v8, v7;
	p0 =	sne.s32 s17, $0x1800  }
.Ltmp4:
0xc0: {  	v10 =	vunpack.i.u.bf16.f32 v0;
	v11 =	vunpack.i.l.bf16.f32 v0;
	v0 =	vld [tilespmem:s18+$0x8920];
	(pc) =	sbr.rel @p0 .LBB2_11-.Ltmp4, $4  }
0xc1: {  	v8 =	vunpack.i.u.bf16.f32 v3;
	v9 =	vunpack.i.l.bf16.f32 v3;
	v3 =	vld [tilespmem:s18+$0x8900];
	v12 =	vunpack.i.u.bf16.f32 v2  }
0xc2: {  	s17 =	sadd.s32 $0x100, s17;
	v13 =	vunpack.i.l.bf16.f32 v2;
	v5 =	vadd.f32 v9, v5;
	v4 =	vadd.f32 v8, v4;
	v2 =	vld [tilespmem:s18+$0x8910]  }
0xc3: {  	v6 =	vadd.f32 v13, v6;
	v7 =	vadd.f32 v12, v7;
	v8 =	vunpack.i.u.bf16.f32 v1  }
0xc4: {  	v9 =	vunpack.i.l.bf16.f32 v1;
	v5 =	vadd.f32 v11, v5;
	v4 =	vadd.f32 v10, v4;
	v1 =	vld [tilespmem:s18+$0x8930]  }
0xc5: {  	_ = 	snop  }
0xc6: {  	v6 =	vadd.f32 v9, v6;
	v7 =	vadd.f32 v8, v7;
	v8 =	vunpack.i.l.bf16.f32 v3  }
0xc7: {  	v9 =	vunpack.i.u.bf16.f32 v0;
	v3 =	vunpack.i.u.bf16.f32 v3;
	v5 =	vadd.f32 v8, v5  }
0xc8: {  	v0 =	vunpack.i.l.bf16.f32 v0;
	v8 =	vunpack.i.l.bf16.f32 v2;
	v3 =	vadd.f32 v3, v4  }
0xc9: {  	v2 =	vunpack.i.u.bf16.f32 v2;
	v4 =	vadd.f32 v8, v6;
	v0 =	vadd.f32 v0, v5  }
0xca: {  	v2 =	vadd.f32 v2, v7;
	v5 =	vunpack.i.l.bf16.f32 v1;
	v3 =	vadd.f32 v9, v3  }
0xcb: {  	v1 =	vunpack.i.u.bf16.f32 v1;
	v4 =	vadd.f32 v5, v4;
	[tilespmem:$0xD500] =	vst v0  }
0xcc: {  	v0 =	vadd.f32 v1, v2;
	[tilespmem:$0xD510] =	vst v3  }
0xcd: {  	[tilespmem:$0xD520] =	vst v4  }
0xce: {  	s17 =	simm.s32 $0x0;
	[tilespmem:$0xD530] =	vst v0  }
0xcf: {  	v0 =	vld [tilespmem:s17+$0x8F60]  }
0xd0: {  	v1 =	vld [tilespmem:s17+$0x8F40]  }
0xd1: {  	v2 =	vld [tilespmem:s17+$0x8F50];
	_ =	sdelay $0x1  }
0xd2: {  	v4 =	vld [tilespmem:s17+$0x8F70]  }
0xd3: {  	s18 =	simm.s32 $0x40  }
0xd4: {  	v5 =	vimm.f32 $0.0e+00;
	v3 =	vld [tilespmem:s18+$0x8F40];
	v10 =	vunpack.i.u.bf16.f32 v0;
	v11 =	vunpack.i.l.bf16.f32 v0  }
0xd5: {  	v0 =	vld [tilespmem:s18+$0x8F60];
	v6 =	vunpack.i.u.bf16.f32 v1;
	v1 =	vunpack.i.l.bf16.f32 v1;
	v7 =	vunpack.i.u.bf16.f32 v2  }
0xd6: {  	v8 =	vunpack.i.l.bf16.f32 v2;
	v2 =	vld [tilespmem:s18+$0x8F50];
	v12 =	vadd.f32 v1, v5;
	v13 =	vadd.f32 v6, v5  }
0xd7: {  	v9 =	vunpack.i.l.bf16.f32 v4;
	v6 =	vadd.f32 v8, v5;
	v7 =	vadd.f32 v7, v5  }
0xd8: {  	s17 =	simm.s32 $0x200;
	v8 =	vunpack.i.u.bf16.f32 v4;
	v1 =	vld [tilespmem:s18+$0x8F70];
	v5 =	vadd.f32 v11, v12;
	v4 =	vadd.f32 v10, v13  }
.LBB2_13:
0xd9: {  	s18 =	sshra.s32 s17, $0x2;
	v6 =	vadd.f32 v9, v6;
	v7 =	vadd.f32 v8, v7;
	p0 =	sne.s32 s17, $0x1800  }
.Ltmp5:
0xda: {  	v10 =	vunpack.i.u.bf16.f32 v0;
	v11 =	vunpack.i.l.bf16.f32 v0;
	v0 =	vld [tilespmem:s18+$0x8F60];
	(pc) =	sbr.rel @p0 .LBB2_13-.Ltmp5, $4  }
0xdb: {  	v8 =	vunpack.i.u.bf16.f32 v3;
	v9 =	vunpack.i.l.bf16.f32 v3;
	v3 =	vld [tilespmem:s18+$0x8F40];
	v12 =	vunpack.i.u.bf16.f32 v2  }
0xdc: {  	s17 =	sadd.s32 $0x100, s17;
	v13 =	vunpack.i.l.bf16.f32 v2;
	v5 =	vadd.f32 v9, v5;
	v4 =	vadd.f32 v8, v4;
	v2 =	vld [tilespmem:s18+$0x8F50]  }
0xdd: {  	v6 =	vadd.f32 v13, v6;
	v7 =	vadd.f32 v12, v7;
	v8 =	vunpack.i.u.bf16.f32 v1  }
0xde: {  	v9 =	vunpack.i.l.bf16.f32 v1;
	v5 =	vadd.f32 v11, v5;
	v4 =	vadd.f32 v10, v4;
	v1 =	vld [tilespmem:s18+$0x8F70]  }
0xdf: {  	_ = 	snop  }
0xe0: {  	v6 =	vadd.f32 v9, v6;
	v7 =	vadd.f32 v8, v7;
	v8 =	vunpack.i.l.bf16.f32 v3  }
0xe1: {  	v9 =	vunpack.i.u.bf16.f32 v0;
	v3 =	vunpack.i.u.bf16.f32 v3;
	v5 =	vadd.f32 v8, v5  }
0xe2: {  	v0 =	vunpack.i.l.bf16.f32 v0;
	v8 =	vunpack.i.l.bf16.f32 v2;
	v3 =	vadd.f32 v3, v4  }
0xe3: {  	v2 =	vunpack.i.u.bf16.f32 v2;
	v4 =	vadd.f32 v8, v6;
	v0 =	vadd.f32 v0, v5  }
0xe4: {  	v2 =	vadd.f32 v2, v7;
	v5 =	vunpack.i.l.bf16.f32 v1;
	v3 =	vadd.f32 v9, v3  }
0xe5: {  	v1 =	vunpack.i.u.bf16.f32 v1;
	v4 =	vadd.f32 v5, v4;
	[tilespmem:$0xD540] =	vst v0  }
0xe6: {  	v0 =	vadd.f32 v1, v2;
	[tilespmem:$0xD550] =	vst v3  }
0xe7: {  	[tilespmem:$0xD560] =	vst v4  }
0xe8: {  	s17 =	simm.s32 $0x0;
	[tilespmem:$0xD570] =	vst v0  }
0xe9: {  	v0 =	vld [tilespmem:s17+$0x95A0]  }
0xea: {  	v1 =	vld [tilespmem:s17+$0x9580]  }
0xeb: {  	v2 =	vld [tilespmem:s17+$0x9590];
	_ =	sdelay $0x1  }
0xec: {  	v4 =	vld [tilespmem:s17+$0x95B0]  }
0xed: {  	s18 =	simm.s32 $0x40  }
0xee: {  	v5 =	vimm.f32 $0.0e+00;
	v3 =	vld [tilespmem:s18+$0x9580];
	v10 =	vunpack.i.u.bf16.f32 v0;
	v11 =	vunpack.i.l.bf16.f32 v0  }
0xef: {  	v0 =	vld [tilespmem:s18+$0x95A0];
	v6 =	vunpack.i.u.bf16.f32 v1;
	v1 =	vunpack.i.l.bf16.f32 v1;
	v7 =	vunpack.i.u.bf16.f32 v2  }
0xf0: {  	v8 =	vunpack.i.l.bf16.f32 v2;
	v2 =	vld [tilespmem:s18+$0x9590];
	v12 =	vadd.f32 v1, v5;
	v13 =	vadd.f32 v6, v5  }
0xf1: {  	v9 =	vunpack.i.l.bf16.f32 v4;
	v6 =	vadd.f32 v8, v5;
	v7 =	vadd.f32 v7, v5  }
0xf2: {  	s17 =	simm.s32 $0x200;
	v8 =	vunpack.i.u.bf16.f32 v4;
	v1 =	vld [tilespmem:s18+$0x95B0];
	v5 =	vadd.f32 v11, v12;
	v4 =	vadd.f32 v10, v13  }
.LBB2_15:
0xf3: {  	s18 =	sshra.s32 s17, $0x2;
	v6 =	vadd.f32 v9, v6;
	v7 =	vadd.f32 v8, v7;
	p0 =	sne.s32 s17, $0x1800  }
.Ltmp6:
0xf4: {  	v10 =	vunpack.i.u.bf16.f32 v0;
	v11 =	vunpack.i.l.bf16.f32 v0;
	v0 =	vld [tilespmem:s18+$0x95A0];
	(pc) =	sbr.rel @p0 .LBB2_15-.Ltmp6, $4  }
0xf5: {  	v8 =	vunpack.i.u.bf16.f32 v3;
	v9 =	vunpack.i.l.bf16.f32 v3;
	v3 =	vld [tilespmem:s18+$0x9580];
	v12 =	vunpack.i.u.bf16.f32 v2  }
0xf6: {  	s17 =	sadd.s32 $0x100, s17;
	v13 =	vunpack.i.l.bf16.f32 v2;
	v5 =	vadd.f32 v9, v5;
	v4 =	vadd.f32 v8, v4;
	v2 =	vld [tilespmem:s18+$0x9590]  }
0xf7: {  	v6 =	vadd.f32 v13, v6;
	v7 =	vadd.f32 v12, v7;
	v8 =	vunpack.i.u.bf16.f32 v1  }
0xf8: {  	v9 =	vunpack.i.l.bf16.f32 v1;
	v5 =	vadd.f32 v11, v5;
	v4 =	vadd.f32 v10, v4;
	v1 =	vld [tilespmem:s18+$0x95B0]  }
0xf9: {  	_ = 	snop  }
0xfa: {  	v6 =	vadd.f32 v9, v6;
	v7 =	vadd.f32 v8, v7;
	v8 =	vunpack.i.l.bf16.f32 v3  }
0xfb: {  	v9 =	vunpack.i.u.bf16.f32 v0;
	v3 =	vunpack.i.u.bf16.f32 v3;
	v5 =	vadd.f32 v8, v5  }
0xfc: {  	v0 =	vunpack.i.l.bf16.f32 v0;
	v8 =	vunpack.i.l.bf16.f32 v2;
	v3 =	vadd.f32 v3, v4  }
0xfd: {  	v2 =	vunpack.i.u.bf16.f32 v2;
	v4 =	vadd.f32 v8, v6;
	v0 =	vadd.f32 v0, v5  }
0xfe: {  	v2 =	vadd.f32 v2, v7;
	v5 =	vunpack.i.l.bf16.f32 v1;
	v3 =	vadd.f32 v9, v3  }
0xff: {  	v1 =	vunpack.i.u.bf16.f32 v1;
	v4 =	vadd.f32 v5, v4;
	[tilespmem:$0xD580] =	vst v0  }
0x100: {  	v0 =	vadd.f32 v1, v2;
	[tilespmem:$0xD590] =	vst v3  }
0x101: {  	[tilespmem:$0xD5A0] =	vst v4  }
0x102: {  	s17 =	simm.s32 $0x0;
	[tilespmem:$0xD5B0] =	vst v0  }
0x103: {  	v0 =	vld [tilespmem:s17+$0x9BE0]  }
0x104: {  	v1 =	vld [tilespmem:s17+$0x9BC0]  }
0x105: {  	v2 =	vld [tilespmem:s17+$0x9BD0];
	_ =	sdelay $0x1  }
0x106: {  	v4 =	vld [tilespmem:s17+$0x9BF0]  }
0x107: {  	s18 =	simm.s32 $0x40  }
0x108: {  	v5 =	vimm.f32 $0.0e+00;
	v3 =	vld [tilespmem:s18+$0x9BC0];
	v10 =	vunpack.i.u.bf16.f32 v0;
	v11 =	vunpack.i.l.bf16.f32 v0  }
0x109: {  	v0 =	vld [tilespmem:s18+$0x9BE0];
	v6 =	vunpack.i.u.bf16.f32 v1;
	v1 =	vunpack.i.l.bf16.f32 v1;
	v7 =	vunpack.i.u.bf16.f32 v2  }
0x10a: {  	v8 =	vunpack.i.l.bf16.f32 v2;
	v2 =	vld [tilespmem:s18+$0x9BD0];
	v12 =	vadd.f32 v1, v5;
	v13 =	vadd.f32 v6, v5  }
0x10b: {  	v9 =	vunpack.i.l.bf16.f32 v4;
	v6 =	vadd.f32 v8, v5;
	v7 =	vadd.f32 v7, v5  }
0x10c: {  	s17 =	simm.s32 $0x200;
	v8 =	vunpack.i.u.bf16.f32 v4;
	v1 =	vld [tilespmem:s18+$0x9BF0];
	v5 =	vadd.f32 v11, v12;
	v4 =	vadd.f32 v10, v13  }
.LBB2_17:
0x10d: {  	s18 =	sshra.s32 s17, $0x2;
	v6 =	vadd.f32 v9, v6;
	v7 =	vadd.f32 v8, v7;
	p0 =	sne.s32 s17, $0x1800  }
.Ltmp7:
0x10e: {  	v10 =	vunpack.i.u.bf16.f32 v0;
	v11 =	vunpack.i.l.bf16.f32 v0;
	v0 =	vld [tilespmem:s18+$0x9BE0];
	(pc) =	sbr.rel @p0 .LBB2_17-.Ltmp7, $4  }
0x10f: {  	v8 =	vunpack.i.u.bf16.f32 v3;
	v9 =	vunpack.i.l.bf16.f32 v3;
	v3 =	vld [tilespmem:s18+$0x9BC0];
	v12 =	vunpack.i.u.bf16.f32 v2  }
0x110: {  	s17 =	sadd.s32 $0x100, s17;
	v13 =	vunpack.i.l.bf16.f32 v2;
	v5 =	vadd.f32 v9, v5;
	v4 =	vadd.f32 v8, v4;
	v2 =	vld [tilespmem:s18+$0x9BD0]  }
0x111: {  	v6 =	vadd.f32 v13, v6;
	v7 =	vadd.f32 v12, v7;
	v8 =	vunpack.i.u.bf16.f32 v1  }
0x112: {  	v9 =	vunpack.i.l.bf16.f32 v1;
	v5 =	vadd.f32 v11, v5;
	v4 =	vadd.f32 v10, v4;
	v1 =	vld [tilespmem:s18+$0x9BF0]  }
0x113: {  	_ = 	snop  }
0x114: {  	v6 =	vadd.f32 v9, v6;
	v7 =	vadd.f32 v8, v7;
	v8 =	vunpack.i.l.bf16.f32 v3  }
0x115: {  	v9 =	vunpack.i.u.bf16.f32 v0;
	v3 =	vunpack.i.u.bf16.f32 v3;
	v5 =	vadd.f32 v8, v5  }
0x116: {  	v0 =	vunpack.i.l.bf16.f32 v0;
	v8 =	vunpack.i.l.bf16.f32 v2;
	v3 =	vadd.f32 v3, v4  }
0x117: {  	v2 =	vunpack.i.u.bf16.f32 v2;
	v4 =	vadd.f32 v8, v6;
	v0 =	vadd.f32 v0, v5  }
0x118: {  	v2 =	vadd.f32 v2, v7;
	v5 =	vunpack.i.l.bf16.f32 v1;
	v3 =	vadd.f32 v9, v3  }
0x119: {  	v1 =	vunpack.i.u.bf16.f32 v1;
	v4 =	vadd.f32 v5, v4;
	[tilespmem:$0xD5C0] =	vst v0  }
0x11a: {  	v0 =	vadd.f32 v1, v2;
	[tilespmem:$0xD5D0] =	vst v3  }
0x11b: {  	s17 =	sshll.u32 s15, $0x7;
	[tilespmem:$0xD5E0] =	vst v4  }
0x11c: {  	s17 =	sadd.s32 s17, s5;
	[tilespmem:$0xD5F0] =	vst v0  }
0x11d: {  	[hbm4b:s17+s2] =	stream.linear.scatter [tilespmem:s9], [sflag:$0x3], $0x200, $0x38;
	[tilespmem:$0xD800] =	vst v63  }
0x11e: {  	_ =	swait.ge [sflag:s10], $0x640  }
0x11f: {  	[sflag:s10] =	ssyncset.done $0x0  }
0x120: {  	[sflag:s10] =	ssyncadd.s32 $0xFFFFF9C0  }
0x121: {  	_ =	swait.ge [sflag:s10], $0x640  }
0x122: {  	[sflag:s10] =	ssyncset.done $0x0  }
0x123: {  	[sflag:s10] =	ssyncadd.s32 $0xFFFFF9C0  }
0x124: {  	_ =	swait.ge [sflag:s10], $0x640  }
0x125: {  	[sflag:s10] =	ssyncset.done $0x0  }
0x126: {  	[sflag:s10] =	ssyncadd.s32 $0xFFFFF9C0  }
0x127: {  	_ =	swait.ge [sflag:s10], $0x640  }
0x128: {  	[sflag:s10] =	ssyncset.done $0x0  }
0x129: {  	[sflag:s10] =	ssyncadd.s32 $0xFFFFF9C0  }
0x12a: {  	_ =	swait.ge [sflag:s10], $0x640  }
0x12b: {  	[sflag:s10] =	ssyncset.done $0x0  }
0x12c: {  	[sflag:s10] =	ssyncadd.s32 $0xFFFFF9C0  }
0x12d: {  	_ =	swait.ge [sflag:s10], $0x640  }
0x12e: {  	[sflag:s10] =	ssyncset.done $0x0  }
0x12f: {  	[sflag:s10] =	ssyncadd.s32 $0xFFFFF9C0  }
0x130: {  	_ =	swait.ge [sflag:s10], $0x640  }
0x131: {  	p0 =	seq.s32 s15, $0x1F;
	[sflag:s10] =	ssyncset.done $0x0  }
0x132: {  	s17 =	smul.u32 @!p0 $0xE00, s15;
	[sflag:s10] =	ssyncadd.s32 $0xFFFFF9C0  }
0x133: {  	_ =	swait.ge [sflag:s10], $0x640  }
0x134: {  	s19 =	simm.s32 @!p0 $0x32;
	s17 =	sshra.s32 @!p0 s17, $0x2;
	[sflag:s10] =	ssyncset.done $0x0  }
0x135: {  	s20 =	simm.s32 @!p0 $0x7000;
	s18 =	sadd.s32 @!p0 $0x380, s17;
	[sflag:s10] =	ssyncadd.s32 $0xFFFFF9C0  }
0x136: {  	[tilespmem:s20], [sflag:$0x1] =	stream.indirect.gather @!p0 [hbm4b:s3+s19], $0x20, s18, s19, $0xb8;
	[tilespmem:$0xD800] =	vst v63  }
0x137: {  	s18 =	sadd.s32 @!p0 $0x3B8, s17;
	s20 =	simm.s32 @!p0 $0x7640  }
0x138: {  	[tilespmem:s20], [sflag:$0x1] =	stream.indirect.gather @!p0 [hbm4b:s3+s19], $0x20, s18, s19, $0xb8;
	[tilespmem:$0xD800] =	vst v63  }
0x139: {  	s18 =	sadd.s32 @!p0 $0x3F0, s17;
	s20 =	simm.s32 @!p0 $0x7C80  }
0x13a: {  	[tilespmem:s20], [sflag:$0x1] =	stream.indirect.gather @!p0 [hbm4b:s3+s19], $0x20, s18, s19, $0xb8;
	[tilespmem:$0xD800] =	vst v63  }
0x13b: {  	s18 =	sadd.s32 @!p0 $0x428, s17;
	s20 =	simm.s32 @!p0 $0x82C0  }
0x13c: {  	[tilespmem:s20], [sflag:$0x1] =	stream.indirect.gather @!p0 [hbm4b:s3+s19], $0x20, s18, s19, $0xb8;
	[tilespmem:$0xD800] =	vst v63  }
0x13d: {  	s18 =	sadd.s32 @!p0 $0x460, s17;
	s20 =	simm.s32 @!p0 $0x8900  }
0x13e: {  	[tilespmem:s20], [sflag:$0x1] =	stream.indirect.gather @!p0 [hbm4b:s3+s19], $0x20, s18, s19, $0xb8;
	[tilespmem:$0xD800] =	vst v63  }
0x13f: {  	s18 =	sadd.s32 @!p0 $0x498, s17;
	s20 =	simm.s32 @!p0 $0x8F40  }
0x140: {  	[tilespmem:s20], [sflag:$0x1] =	stream.indirect.gather @!p0 [hbm4b:s3+s19], $0x20, s18, s19, $0xb8;
	[tilespmem:$0xD800] =	vst v63  }
0x141: {  	s18 =	sadd.s32 @!p0 $0x4D0, s17;
	s20 =	simm.s32 @!p0 $0x9580  }
0x142: {  	[tilespmem:s20], [sflag:$0x1] =	stream.indirect.gather @!p0 [hbm4b:s3+s19], $0x20, s18, s19, $0xb8;
	[tilespmem:$0xD800] =	vst v63  }
0x143: {  	p1 =	seq.s32 @!p0 s15, $0x0;
	s17 =	sadd.s32 @!p0 $0x508, s17;
	s18 =	simm.s32 @!p0 $0x9BC0  }
0x144: {  	[tilespmem:s18], [sflag:$0x1] =	stream.indirect.gather @!p0 [hbm4b:s3+s19], $0x20, s17, s19, $0xb8;
	[tilespmem:$0xD800] =	vst v63  }
0x145: {  	p0 =	por p0, !p1  }
0x146: {  	_ =	swait.ge @p0 [sflag:s13], $0x200  }
0x147: {  	[sflag:s13] =	ssyncset.done @p0 $0x0  }
0x148: {  	s19 =	simm.s32 $0x0;
	[sflag:s13] =	ssyncadd.s32 @p0 $0xFFFFFE00  }
0x149: {  	v0 =	vld [tilespmem:s19+$0xA220]  }
0x14a: {  	v1 =	vld [tilespmem:s19+$0xA200]  }
0x14b: {  	v2 =	vld [tilespmem:s19+$0xA210];
	_ =	sdelay $0x1  }
0x14c: {  	v4 =	vld [tilespmem:s19+$0xA230]  }
0x14d: {  	s20 =	simm.s32 $0x40  }
0x14e: {  	v5 =	vimm.f32 $0.0e+00;
	v3 =	vld [tilespmem:s20+$0xA200];
	v10 =	vunpack.i.u.bf16.f32 v0;
	v11 =	vunpack.i.l.bf16.f32 v0  }
0x14f: {  	v0 =	vld [tilespmem:s20+$0xA220];
	v6 =	vunpack.i.u.bf16.f32 v1;
	v1 =	vunpack.i.l.bf16.f32 v1;
	v7 =	vunpack.i.u.bf16.f32 v2  }
0x150: {  	v8 =	vunpack.i.l.bf16.f32 v2;
	v2 =	vld [tilespmem:s20+$0xA210];
	v12 =	vadd.f32 v1, v5;
	v13 =	vadd.f32 v6, v5  }
0x151: {  	v9 =	vunpack.i.l.bf16.f32 v4;
	v6 =	vadd.f32 v8, v5;
	v7 =	vadd.f32 v7, v5  }
0x152: {  	s17 =	simm.s32 $0x200;
	v8 =	vunpack.i.u.bf16.f32 v4;
	v1 =	vld [tilespmem:s20+$0xA230];
	v5 =	vadd.f32 v11, v12;
	v4 =	vadd.f32 v10, v13  }
.LBB2_19:
0x153: {  	s18 =	sshra.s32 s17, $0x2;
	v6 =	vadd.f32 v9, v6;
	v7 =	vadd.f32 v8, v7;
	p0 =	sne.s32 s17, $0x1800  }
.Ltmp8:
0x154: {  	v10 =	vunpack.i.u.bf16.f32 v0;
	v11 =	vunpack.i.l.bf16.f32 v0;
	v0 =	vld [tilespmem:s18+$0xA220];
	(pc) =	sbr.rel @p0 .LBB2_19-.Ltmp8, $4  }
0x155: {  	v8 =	vunpack.i.u.bf16.f32 v3;
	v9 =	vunpack.i.l.bf16.f32 v3;
	v3 =	vld [tilespmem:s18+$0xA200];
	v12 =	vunpack.i.u.bf16.f32 v2  }
0x156: {  	s17 =	sadd.s32 $0x100, s17;
	v13 =	vunpack.i.l.bf16.f32 v2;
	v5 =	vadd.f32 v9, v5;
	v4 =	vadd.f32 v8, v4;
	v2 =	vld [tilespmem:s18+$0xA210]  }
0x157: {  	v6 =	vadd.f32 v13, v6;
	v7 =	vadd.f32 v12, v7;
	v8 =	vunpack.i.u.bf16.f32 v1  }
0x158: {  	v9 =	vunpack.i.l.bf16.f32 v1;
	v5 =	vadd.f32 v11, v5;
	v4 =	vadd.f32 v10, v4;
	v1 =	vld [tilespmem:s18+$0xA230]  }
0x159: {  	_ = 	snop  }
0x15a: {  	v6 =	vadd.f32 v9, v6;
	v7 =	vadd.f32 v8, v7;
	v8 =	vunpack.i.l.bf16.f32 v3  }
0x15b: {  	v9 =	vunpack.i.u.bf16.f32 v0;
	v3 =	vunpack.i.u.bf16.f32 v3;
	v5 =	vadd.f32 v8, v5  }
0x15c: {  	v0 =	vunpack.i.l.bf16.f32 v0;
	v8 =	vunpack.i.l.bf16.f32 v2;
	v3 =	vadd.f32 v3, v4  }
0x15d: {  	v2 =	vunpack.i.u.bf16.f32 v2;
	v4 =	vadd.f32 v8, v6;
	v0 =	vadd.f32 v0, v5  }
0x15e: {  	v2 =	vadd.f32 v2, v7;
	v5 =	vunpack.i.l.bf16.f32 v1;
	v3 =	vadd.f32 v9, v3  }
0x15f: {  	v1 =	vunpack.i.u.bf16.f32 v1;
	v4 =	vadd.f32 v5, v4;
	[tilespmem:$0xD600] =	vst v0  }
0x160: {  	v0 =	vadd.f32 v1, v2;
	[tilespmem:$0xD610] =	vst v3  }
0x161: {  	[tilespmem:$0xD620] =	vst v4  }
0x162: {  	s17 =	simm.s32 $0x0;
	[tilespmem:$0xD630] =	vst v0  }
0x163: {  	v0 =	vld [tilespmem:s17+$0xA860]  }
0x164: {  	v1 =	vld [tilespmem:s17+$0xA840]  }
0x165: {  	v2 =	vld [tilespmem:s17+$0xA850];
	_ =	sdelay $0x1  }
0x166: {  	v4 =	vld [tilespmem:s17+$0xA870]  }
0x167: {  	s18 =	simm.s32 $0x40  }
0x168: {  	v5 =	vimm.f32 $0.0e+00;
	v3 =	vld [tilespmem:s18+$0xA840];
	v10 =	vunpack.i.u.bf16.f32 v0;
	v11 =	vunpack.i.l.bf16.f32 v0  }
0x169: {  	v0 =	vld [tilespmem:s18+$0xA860];
	v6 =	vunpack.i.u.bf16.f32 v1;
	v1 =	vunpack.i.l.bf16.f32 v1;
	v7 =	vunpack.i.u.bf16.f32 v2  }
0x16a: {  	v8 =	vunpack.i.l.bf16.f32 v2;
	v2 =	vld [tilespmem:s18+$0xA850];
	v12 =	vadd.f32 v1, v5;
	v13 =	vadd.f32 v6, v5  }
0x16b: {  	v9 =	vunpack.i.l.bf16.f32 v4;
	v6 =	vadd.f32 v8, v5;
	v7 =	vadd.f32 v7, v5  }
0x16c: {  	s17 =	simm.s32 $0x200;
	v8 =	vunpack.i.u.bf16.f32 v4;
	v1 =	vld [tilespmem:s18+$0xA870];
	v5 =	vadd.f32 v11, v12;
	v4 =	vadd.f32 v10, v13  }
.LBB2_21:
0x16d: {  	s18 =	sshra.s32 s17, $0x2;
	v6 =	vadd.f32 v9, v6;
	v7 =	vadd.f32 v8, v7;
	p0 =	sne.s32 s17, $0x1800  }
.Ltmp9:
0x16e: {  	v10 =	vunpack.i.u.bf16.f32 v0;
	v11 =	vunpack.i.l.bf16.f32 v0;
	v0 =	vld [tilespmem:s18+$0xA860];
	(pc) =	sbr.rel @p0 .LBB2_21-.Ltmp9, $4  }
0x16f: {  	v8 =	vunpack.i.u.bf16.f32 v3;
	v9 =	vunpack.i.l.bf16.f32 v3;
	v3 =	vld [tilespmem:s18+$0xA840];
	v12 =	vunpack.i.u.bf16.f32 v2  }
0x170: {  	s17 =	sadd.s32 $0x100, s17;
	v13 =	vunpack.i.l.bf16.f32 v2;
	v5 =	vadd.f32 v9, v5;
	v4 =	vadd.f32 v8, v4;
	v2 =	vld [tilespmem:s18+$0xA850]  }
0x171: {  	v6 =	vadd.f32 v13, v6;
	v7 =	vadd.f32 v12, v7;
	v8 =	vunpack.i.u.bf16.f32 v1  }
0x172: {  	v9 =	vunpack.i.l.bf16.f32 v1;
	v5 =	vadd.f32 v11, v5;
	v4 =	vadd.f32 v10, v4;
	v1 =	vld [tilespmem:s18+$0xA870]  }
0x173: {  	_ = 	snop  }
0x174: {  	v6 =	vadd.f32 v9, v6;
	v7 =	vadd.f32 v8, v7;
	v8 =	vunpack.i.l.bf16.f32 v3  }
0x175: {  	v9 =	vunpack.i.u.bf16.f32 v0;
	v3 =	vunpack.i.u.bf16.f32 v3;
	v5 =	vadd.f32 v8, v5  }
0x176: {  	v0 =	vunpack.i.l.bf16.f32 v0;
	v8 =	vunpack.i.l.bf16.f32 v2;
	v3 =	vadd.f32 v3, v4  }
0x177: {  	v2 =	vunpack.i.u.bf16.f32 v2;
	v4 =	vadd.f32 v8, v6;
	v0 =	vadd.f32 v0, v5  }
0x178: {  	v2 =	vadd.f32 v2, v7;
	v5 =	vunpack.i.l.bf16.f32 v1;
	v3 =	vadd.f32 v9, v3  }
0x179: {  	v1 =	vunpack.i.u.bf16.f32 v1;
	v4 =	vadd.f32 v5, v4;
	[tilespmem:$0xD640] =	vst v0  }
0x17a: {  	v0 =	vadd.f32 v1, v2;
	[tilespmem:$0xD650] =	vst v3  }
0x17b: {  	[tilespmem:$0xD660] =	vst v4  }
0x17c: {  	s17 =	simm.s32 $0x0;
	[tilespmem:$0xD670] =	vst v0  }
0x17d: {  	v0 =	vld [tilespmem:s17+$0xAEA0]  }
0x17e: {  	v1 =	vld [tilespmem:s17+$0xAE80]  }
0x17f: {  	v2 =	vld [tilespmem:s17+$0xAE90];
	_ =	sdelay $0x1  }
0x180: {  	v4 =	vld [tilespmem:s17+$0xAEB0]  }
0x181: {  	s18 =	simm.s32 $0x40  }
0x182: {  	v5 =	vimm.f32 $0.0e+00;
	v3 =	vld [tilespmem:s18+$0xAE80];
	v10 =	vunpack.i.u.bf16.f32 v0;
	v11 =	vunpack.i.l.bf16.f32 v0  }
0x183: {  	v0 =	vld [tilespmem:s18+$0xAEA0];
	v6 =	vunpack.i.u.bf16.f32 v1;
	v1 =	vunpack.i.l.bf16.f32 v1;
	v7 =	vunpack.i.u.bf16.f32 v2  }
0x184: {  	v8 =	vunpack.i.l.bf16.f32 v2;
	v2 =	vld [tilespmem:s18+$0xAE90];
	v12 =	vadd.f32 v1, v5;
	v13 =	vadd.f32 v6, v5  }
0x185: {  	v9 =	vunpack.i.l.bf16.f32 v4;
	v6 =	vadd.f32 v8, v5;
	v7 =	vadd.f32 v7, v5  }
0x186: {  	s17 =	simm.s32 $0x200;
	v8 =	vunpack.i.u.bf16.f32 v4;
	v1 =	vld [tilespmem:s18+$0xAEB0];
	v5 =	vadd.f32 v11, v12;
	v4 =	vadd.f32 v10, v13  }
.LBB2_23:
0x187: {  	s18 =	sshra.s32 s17, $0x2;
	v6 =	vadd.f32 v9, v6;
	v7 =	vadd.f32 v8, v7;
	p0 =	sne.s32 s17, $0x1800  }
.Ltmp10:
0x188: {  	v10 =	vunpack.i.u.bf16.f32 v0;
	v11 =	vunpack.i.l.bf16.f32 v0;
	v0 =	vld [tilespmem:s18+$0xAEA0];
	(pc) =	sbr.rel @p0 .LBB2_23-.Ltmp10, $4  }
0x189: {  	v8 =	vunpack.i.u.bf16.f32 v3;
	v9 =	vunpack.i.l.bf16.f32 v3;
	v3 =	vld [tilespmem:s18+$0xAE80];
	v12 =	vunpack.i.u.bf16.f32 v2  }
0x18a: {  	s17 =	sadd.s32 $0x100, s17;
	v13 =	vunpack.i.l.bf16.f32 v2;
	v5 =	vadd.f32 v9, v5;
	v4 =	vadd.f32 v8, v4;
	v2 =	vld [tilespmem:s18+$0xAE90]  }
0x18b: {  	v6 =	vadd.f32 v13, v6;
	v7 =	vadd.f32 v12, v7;
	v8 =	vunpack.i.u.bf16.f32 v1  }
0x18c: {  	v9 =	vunpack.i.l.bf16.f32 v1;
	v5 =	vadd.f32 v11, v5;
	v4 =	vadd.f32 v10, v4;
	v1 =	vld [tilespmem:s18+$0xAEB0]  }
0x18d: {  	_ = 	snop  }
0x18e: {  	v6 =	vadd.f32 v9, v6;
	v7 =	vadd.f32 v8, v7;
	v8 =	vunpack.i.l.bf16.f32 v3  }
0x18f: {  	v9 =	vunpack.i.u.bf16.f32 v0;
	v3 =	vunpack.i.u.bf16.f32 v3;
	v5 =	vadd.f32 v8, v5  }
0x190: {  	v0 =	vunpack.i.l.bf16.f32 v0;
	v8 =	vunpack.i.l.bf16.f32 v2;
	v3 =	vadd.f32 v3, v4  }
0x191: {  	v2 =	vunpack.i.u.bf16.f32 v2;
	v4 =	vadd.f32 v8, v6;
	v0 =	vadd.f32 v0, v5  }
0x192: {  	v2 =	vadd.f32 v2, v7;
	v5 =	vunpack.i.l.bf16.f32 v1;
	v3 =	vadd.f32 v9, v3  }
0x193: {  	v1 =	vunpack.i.u.bf16.f32 v1;
	v4 =	vadd.f32 v5, v4;
	[tilespmem:$0xD680] =	vst v0  }
0x194: {  	v0 =	vadd.f32 v1, v2;
	[tilespmem:$0xD690] =	vst v3  }
0x195: {  	[tilespmem:$0xD6A0] =	vst v4  }
0x196: {  	s17 =	simm.s32 $0x0;
	[tilespmem:$0xD6B0] =	vst v0  }
0x197: {  	v0 =	vld [tilespmem:s17+$0xB4E0]  }
0x198: {  	v1 =	vld [tilespmem:s17+$0xB4C0]  }
0x199: {  	v2 =	vld [tilespmem:s17+$0xB4D0];
	_ =	sdelay $0x1  }
0x19a: {  	v4 =	vld [tilespmem:s17+$0xB4F0]  }
0x19b: {  	s18 =	simm.s32 $0x40  }
0x19c: {  	v5 =	vimm.f32 $0.0e+00;
	v3 =	vld [tilespmem:s18+$0xB4C0];
	v10 =	vunpack.i.u.bf16.f32 v0;
	v11 =	vunpack.i.l.bf16.f32 v0  }
0x19d: {  	v0 =	vld [tilespmem:s18+$0xB4E0];
	v6 =	vunpack.i.u.bf16.f32 v1;
	v1 =	vunpack.i.l.bf16.f32 v1;
	v7 =	vunpack.i.u.bf16.f32 v2  }
0x19e: {  	v8 =	vunpack.i.l.bf16.f32 v2;
	v2 =	vld [tilespmem:s18+$0xB4D0];
	v12 =	vadd.f32 v1, v5;
	v13 =	vadd.f32 v6, v5  }
0x19f: {  	v9 =	vunpack.i.l.bf16.f32 v4;
	v6 =	vadd.f32 v8, v5;
	v7 =	vadd.f32 v7, v5  }
0x1a0: {  	s17 =	simm.s32 $0x200;
	v8 =	vunpack.i.u.bf16.f32 v4;
	v1 =	vld [tilespmem:s18+$0xB4F0];
	v5 =	vadd.f32 v11, v12;
	v4 =	vadd.f32 v10, v13  }
.LBB2_25:
0x1a1: {  	s18 =	sshra.s32 s17, $0x2;
	v6 =	vadd.f32 v9, v6;
	v7 =	vadd.f32 v8, v7;
	p0 =	sne.s32 s17, $0x1800  }
.Ltmp11:
0x1a2: {  	v10 =	vunpack.i.u.bf16.f32 v0;
	v11 =	vunpack.i.l.bf16.f32 v0;
	v0 =	vld [tilespmem:s18+$0xB4E0];
	(pc) =	sbr.rel @p0 .LBB2_25-.Ltmp11, $4  }
0x1a3: {  	v8 =	vunpack.i.u.bf16.f32 v3;
	v9 =	vunpack.i.l.bf16.f32 v3;
	v3 =	vld [tilespmem:s18+$0xB4C0];
	v12 =	vunpack.i.u.bf16.f32 v2  }
0x1a4: {  	s17 =	sadd.s32 $0x100, s17;
	v13 =	vunpack.i.l.bf16.f32 v2;
	v5 =	vadd.f32 v9, v5;
	v4 =	vadd.f32 v8, v4;
	v2 =	vld [tilespmem:s18+$0xB4D0]  }
0x1a5: {  	v6 =	vadd.f32 v13, v6;
	v7 =	vadd.f32 v12, v7;
	v8 =	vunpack.i.u.bf16.f32 v1  }
0x1a6: {  	v9 =	vunpack.i.l.bf16.f32 v1;
	v5 =	vadd.f32 v11, v5;
	v4 =	vadd.f32 v10, v4;
	v1 =	vld [tilespmem:s18+$0xB4F0]  }
0x1a7: {  	_ = 	snop  }
0x1a8: {  	v6 =	vadd.f32 v9, v6;
	v7 =	vadd.f32 v8, v7;
	v8 =	vunpack.i.l.bf16.f32 v3  }
0x1a9: {  	v9 =	vunpack.i.u.bf16.f32 v0;
	v3 =	vunpack.i.u.bf16.f32 v3;
	v5 =	vadd.f32 v8, v5  }
0x1aa: {  	v0 =	vunpack.i.l.bf16.f32 v0;
	v8 =	vunpack.i.l.bf16.f32 v2;
	v3 =	vadd.f32 v3, v4  }
0x1ab: {  	v2 =	vunpack.i.u.bf16.f32 v2;
	v4 =	vadd.f32 v8, v6;
	v0 =	vadd.f32 v0, v5  }
0x1ac: {  	v2 =	vadd.f32 v2, v7;
	v5 =	vunpack.i.l.bf16.f32 v1;
	v3 =	vadd.f32 v9, v3  }
0x1ad: {  	v1 =	vunpack.i.u.bf16.f32 v1;
	v4 =	vadd.f32 v5, v4;
	[tilespmem:$0xD6C0] =	vst v0  }
0x1ae: {  	v0 =	vadd.f32 v1, v2;
	[tilespmem:$0xD6D0] =	vst v3  }
0x1af: {  	[tilespmem:$0xD6E0] =	vst v4  }
0x1b0: {  	s17 =	simm.s32 $0x0;
	[tilespmem:$0xD6F0] =	vst v0  }
0x1b1: {  	v0 =	vld [tilespmem:s17+$0xBB20]  }
0x1b2: {  	v1 =	vld [tilespmem:s17+$0xBB00]  }
0x1b3: {  	v2 =	vld [tilespmem:s17+$0xBB10];
	_ =	sdelay $0x1  }
0x1b4: {  	v4 =	vld [tilespmem:s17+$0xBB30]  }
0x1b5: {  	s18 =	simm.s32 $0x40  }
0x1b6: {  	v5 =	vimm.f32 $0.0e+00;
	v3 =	vld [tilespmem:s18+$0xBB00];
	v10 =	vunpack.i.u.bf16.f32 v0;
	v11 =	vunpack.i.l.bf16.f32 v0  }
0x1b7: {  	v0 =	vld [tilespmem:s18+$0xBB20];
	v6 =	vunpack.i.u.bf16.f32 v1;
	v1 =	vunpack.i.l.bf16.f32 v1;
	v7 =	vunpack.i.u.bf16.f32 v2  }
0x1b8: {  	v8 =	vunpack.i.l.bf16.f32 v2;
	v2 =	vld [tilespmem:s18+$0xBB10];
	v12 =	vadd.f32 v1, v5;
	v13 =	vadd.f32 v6, v5  }
0x1b9: {  	v9 =	vunpack.i.l.bf16.f32 v4;
	v6 =	vadd.f32 v8, v5;
	v7 =	vadd.f32 v7, v5  }
0x1ba: {  	s17 =	simm.s32 $0x200;
	v8 =	vunpack.i.u.bf16.f32 v4;
	v1 =	vld [tilespmem:s18+$0xBB30];
	v5 =	vadd.f32 v11, v12;
	v4 =	vadd.f32 v10, v13  }
.LBB2_27:
0x1bb: {  	s18 =	sshra.s32 s17, $0x2;
	v6 =	vadd.f32 v9, v6;
	v7 =	vadd.f32 v8, v7;
	p0 =	sne.s32 s17, $0x1800  }
.Ltmp12:
0x1bc: {  	v10 =	vunpack.i.u.bf16.f32 v0;
	v11 =	vunpack.i.l.bf16.f32 v0;
	v0 =	vld [tilespmem:s18+$0xBB20];
	(pc) =	sbr.rel @p0 .LBB2_27-.Ltmp12, $4  }
0x1bd: {  	v8 =	vunpack.i.u.bf16.f32 v3;
	v9 =	vunpack.i.l.bf16.f32 v3;
	v3 =	vld [tilespmem:s18+$0xBB00];
	v12 =	vunpack.i.u.bf16.f32 v2  }
0x1be: {  	s17 =	sadd.s32 $0x100, s17;
	v13 =	vunpack.i.l.bf16.f32 v2;
	v5 =	vadd.f32 v9, v5;
	v4 =	vadd.f32 v8, v4;
	v2 =	vld [tilespmem:s18+$0xBB10]  }
0x1bf: {  	v6 =	vadd.f32 v13, v6;
	v7 =	vadd.f32 v12, v7;
	v8 =	vunpack.i.u.bf16.f32 v1  }
0x1c0: {  	v9 =	vunpack.i.l.bf16.f32 v1;
	v5 =	vadd.f32 v11, v5;
	v4 =	vadd.f32 v10, v4;
	v1 =	vld [tilespmem:s18+$0xBB30]  }
0x1c1: {  	_ = 	snop  }
0x1c2: {  	v6 =	vadd.f32 v9, v6;
	v7 =	vadd.f32 v8, v7;
	v8 =	vunpack.i.l.bf16.f32 v3  }
0x1c3: {  	v9 =	vunpack.i.u.bf16.f32 v0;
	v3 =	vunpack.i.u.bf16.f32 v3;
	v5 =	vadd.f32 v8, v5  }
0x1c4: {  	v0 =	vunpack.i.l.bf16.f32 v0;
	v8 =	vunpack.i.l.bf16.f32 v2;
	v3 =	vadd.f32 v3, v4  }
0x1c5: {  	v2 =	vunpack.i.u.bf16.f32 v2;
	v4 =	vadd.f32 v8, v6;
	v0 =	vadd.f32 v0, v5  }
0x1c6: {  	v2 =	vadd.f32 v2, v7;
	v5 =	vunpack.i.l.bf16.f32 v1;
	v3 =	vadd.f32 v9, v3  }
0x1c7: {  	v1 =	vunpack.i.u.bf16.f32 v1;
	v4 =	vadd.f32 v5, v4;
	[tilespmem:$0xD700] =	vst v0  }
0x1c8: {  	v0 =	vadd.f32 v1, v2;
	[tilespmem:$0xD710] =	vst v3  }
0x1c9: {  	[tilespmem:$0xD720] =	vst v4  }
0x1ca: {  	s17 =	simm.s32 $0x0;
	[tilespmem:$0xD730] =	vst v0  }
0x1cb: {  	v0 =	vld [tilespmem:s17+$0xC160]  }
0x1cc: {  	v1 =	vld [tilespmem:s17+$0xC140]  }
0x1cd: {  	v2 =	vld [tilespmem:s17+$0xC150];
	_ =	sdelay $0x1  }
0x1ce: {  	v4 =	vld [tilespmem:s17+$0xC170]  }
0x1cf: {  	s18 =	simm.s32 $0x40  }
0x1d0: {  	v5 =	vimm.f32 $0.0e+00;
	v3 =	vld [tilespmem:s18+$0xC140];
	v10 =	vunpack.i.u.bf16.f32 v0;
	v11 =	vunpack.i.l.bf16.f32 v0  }
0x1d1: {  	v0 =	vld [tilespmem:s18+$0xC160];
	v6 =	vunpack.i.u.bf16.f32 v1;
	v1 =	vunpack.i.l.bf16.f32 v1;
	v7 =	vunpack.i.u.bf16.f32 v2  }
0x1d2: {  	v8 =	vunpack.i.l.bf16.f32 v2;
	v2 =	vld [tilespmem:s18+$0xC150];
	v12 =	vadd.f32 v1, v5;
	v13 =	vadd.f32 v6, v5  }
0x1d3: {  	v9 =	vunpack.i.l.bf16.f32 v4;
	v6 =	vadd.f32 v8, v5;
	v7 =	vadd.f32 v7, v5  }
0x1d4: {  	s17 =	simm.s32 $0x200;
	v8 =	vunpack.i.u.bf16.f32 v4;
	v1 =	vld [tilespmem:s18+$0xC170];
	v5 =	vadd.f32 v11, v12;
	v4 =	vadd.f32 v10, v13  }
.LBB2_29:
0x1d5: {  	s18 =	sshra.s32 s17, $0x2;
	v6 =	vadd.f32 v9, v6;
	v7 =	vadd.f32 v8, v7;
	p0 =	sne.s32 s17, $0x1800  }
.Ltmp13:
0x1d6: {  	v10 =	vunpack.i.u.bf16.f32 v0;
	v11 =	vunpack.i.l.bf16.f32 v0;
	v0 =	vld [tilespmem:s18+$0xC160];
	(pc) =	sbr.rel @p0 .LBB2_29-.Ltmp13, $4  }
0x1d7: {  	v8 =	vunpack.i.u.bf16.f32 v3;
	v9 =	vunpack.i.l.bf16.f32 v3;
	v3 =	vld [tilespmem:s18+$0xC140];
	v12 =	vunpack.i.u.bf16.f32 v2  }
0x1d8: {  	s17 =	sadd.s32 $0x100, s17;
	v13 =	vunpack.i.l.bf16.f32 v2;
	v5 =	vadd.f32 v9, v5;
	v4 =	vadd.f32 v8, v4;
	v2 =	vld [tilespmem:s18+$0xC150]  }
0x1d9: {  	v6 =	vadd.f32 v13, v6;
	v7 =	vadd.f32 v12, v7;
	v8 =	vunpack.i.u.bf16.f32 v1  }
0x1da: {  	v9 =	vunpack.i.l.bf16.f32 v1;
	v5 =	vadd.f32 v11, v5;
	v4 =	vadd.f32 v10, v4;
	v1 =	vld [tilespmem:s18+$0xC170]  }
0x1db: {  	_ = 	snop  }
0x1dc: {  	v6 =	vadd.f32 v9, v6;
	v7 =	vadd.f32 v8, v7;
	v8 =	vunpack.i.l.bf16.f32 v3  }
0x1dd: {  	v9 =	vunpack.i.u.bf16.f32 v0;
	v3 =	vunpack.i.u.bf16.f32 v3;
	v5 =	vadd.f32 v8, v5  }
0x1de: {  	v0 =	vunpack.i.l.bf16.f32 v0;
	v8 =	vunpack.i.l.bf16.f32 v2;
	v3 =	vadd.f32 v3, v4  }
0x1df: {  	v2 =	vunpack.i.u.bf16.f32 v2;
	v4 =	vadd.f32 v8, v6;
	v0 =	vadd.f32 v0, v5  }
0x1e0: {  	v2 =	vadd.f32 v2, v7;
	v5 =	vunpack.i.l.bf16.f32 v1;
	v3 =	vadd.f32 v9, v3  }
0x1e1: {  	v1 =	vunpack.i.u.bf16.f32 v1;
	v4 =	vadd.f32 v5, v4;
	[tilespmem:$0xD740] =	vst v0  }
0x1e2: {  	v0 =	vadd.f32 v1, v2;
	[tilespmem:$0xD750] =	vst v3  }
0x1e3: {  	[tilespmem:$0xD760] =	vst v4  }
0x1e4: {  	s17 =	simm.s32 $0x0;
	[tilespmem:$0xD770] =	vst v0  }
0x1e5: {  	v0 =	vld [tilespmem:s17+$0xC7A0]  }
0x1e6: {  	v1 =	vld [tilespmem:s17+$0xC780]  }
0x1e7: {  	v2 =	vld [tilespmem:s17+$0xC790];
	_ =	sdelay $0x1  }
0x1e8: {  	v4 =	vld [tilespmem:s17+$0xC7B0]  }
0x1e9: {  	s18 =	simm.s32 $0x40  }
0x1ea: {  	v5 =	vimm.f32 $0.0e+00;
	v3 =	vld [tilespmem:s18+$0xC780];
	v10 =	vunpack.i.u.bf16.f32 v0;
	v11 =	vunpack.i.l.bf16.f32 v0  }
0x1eb: {  	v0 =	vld [tilespmem:s18+$0xC7A0];
	v6 =	vunpack.i.u.bf16.f32 v1;
	v1 =	vunpack.i.l.bf16.f32 v1;
	v7 =	vunpack.i.u.bf16.f32 v2  }
0x1ec: {  	v8 =	vunpack.i.l.bf16.f32 v2;
	v2 =	vld [tilespmem:s18+$0xC790];
	v12 =	vadd.f32 v1, v5;
	v13 =	vadd.f32 v6, v5  }
0x1ed: {  	v9 =	vunpack.i.l.bf16.f32 v4;
	v6 =	vadd.f32 v8, v5;
	v7 =	vadd.f32 v7, v5  }
0x1ee: {  	s17 =	simm.s32 $0x200;
	v8 =	vunpack.i.u.bf16.f32 v4;
	v1 =	vld [tilespmem:s18+$0xC7B0];
	v5 =	vadd.f32 v11, v12;
	v4 =	vadd.f32 v10, v13  }
.LBB2_31:
0x1ef: {  	s18 =	sshra.s32 s17, $0x2;
	v6 =	vadd.f32 v9, v6;
	v7 =	vadd.f32 v8, v7;
	p0 =	sne.s32 s17, $0x1800  }
.Ltmp14:
0x1f0: {  	v10 =	vunpack.i.u.bf16.f32 v0;
	v11 =	vunpack.i.l.bf16.f32 v0;
	v0 =	vld [tilespmem:s18+$0xC7A0];
	(pc) =	sbr.rel @p0 .LBB2_31-.Ltmp14, $4  }
0x1f1: {  	v8 =	vunpack.i.u.bf16.f32 v3;
	v9 =	vunpack.i.l.bf16.f32 v3;
	v3 =	vld [tilespmem:s18+$0xC780];
	v12 =	vunpack.i.u.bf16.f32 v2  }
0x1f2: {  	s17 =	sadd.s32 $0x100, s17;
	v13 =	vunpack.i.l.bf16.f32 v2;
	v5 =	vadd.f32 v9, v5;
	v4 =	vadd.f32 v8, v4;
	v2 =	vld [tilespmem:s18+$0xC790]  }
0x1f3: {  	v6 =	vadd.f32 v13, v6;
	v7 =	vadd.f32 v12, v7;
	v8 =	vunpack.i.u.bf16.f32 v1  }
0x1f4: {  	v9 =	vunpack.i.l.bf16.f32 v1;
	v5 =	vadd.f32 v11, v5;
	v4 =	vadd.f32 v10, v4;
	v1 =	vld [tilespmem:s18+$0xC7B0]  }
0x1f5: {  	_ = 	snop  }
0x1f6: {  	v6 =	vadd.f32 v9, v6;
	v7 =	vadd.f32 v8, v7;
	v8 =	vunpack.i.l.bf16.f32 v3  }
0x1f7: {  	v9 =	vunpack.i.u.bf16.f32 v0;
	v3 =	vunpack.i.u.bf16.f32 v3;
	v5 =	vadd.f32 v8, v5  }
0x1f8: {  	v0 =	vunpack.i.l.bf16.f32 v0;
	v8 =	vunpack.i.l.bf16.f32 v2;
	v3 =	vadd.f32 v3, v4  }
0x1f9: {  	v2 =	vunpack.i.u.bf16.f32 v2;
	v4 =	vadd.f32 v8, v6;
	v0 =	vadd.f32 v0, v5  }
0x1fa: {  	v2 =	vadd.f32 v2, v7;
	v5 =	vunpack.i.l.bf16.f32 v1;
	v3 =	vadd.f32 v9, v3  }
0x1fb: {  	v1 =	vunpack.i.u.bf16.f32 v1;
	v4 =	vadd.f32 v5, v4;
	[tilespmem:$0xD780] =	vst v0  }
0x1fc: {  	v0 =	vadd.f32 v1, v2;
	[tilespmem:$0xD790] =	vst v3  }
0x1fd: {  	[tilespmem:$0xD7A0] =	vst v4  }
0x1fe: {  	s17 =	simm.s32 $0x0;
	[tilespmem:$0xD7B0] =	vst v0  }
0x1ff: {  	v0 =	vld [tilespmem:s17+$0xCDE0]  }
0x200: {  	v1 =	vld [tilespmem:s17+$0xCDC0]  }
0x201: {  	v2 =	vld [tilespmem:s17+$0xCDD0];
	_ =	sdelay $0x1  }
0x202: {  	v4 =	vld [tilespmem:s17+$0xCDF0]  }
0x203: {  	s18 =	simm.s32 $0x40  }
0x204: {  	v5 =	vimm.f32 $0.0e+00;
	v3 =	vld [tilespmem:s18+$0xCDC0];
	v10 =	vunpack.i.u.bf16.f32 v0;
	v11 =	vunpack.i.l.bf16.f32 v0  }
0x205: {  	v0 =	vld [tilespmem:s18+$0xCDE0];
	v6 =	vunpack.i.u.bf16.f32 v1;
	v1 =	vunpack.i.l.bf16.f32 v1;
	v7 =	vunpack.i.u.bf16.f32 v2  }
0x206: {  	v8 =	vunpack.i.l.bf16.f32 v2;
	v2 =	vld [tilespmem:s18+$0xCDD0];
	v12 =	vadd.f32 v1, v5;
	v13 =	vadd.f32 v6, v5  }
0x207: {  	v9 =	vunpack.i.l.bf16.f32 v4;
	v6 =	vadd.f32 v8, v5;
	v7 =	vadd.f32 v7, v5  }
0x208: {  	s17 =	simm.s32 $0x200;
	v8 =	vunpack.i.u.bf16.f32 v4;
	v1 =	vld [tilespmem:s18+$0xCDF0];
	v5 =	vadd.f32 v11, v12;
	v4 =	vadd.f32 v10, v13  }
.LBB2_33:
0x209: {  	s18 =	sshra.s32 s17, $0x2;
	v6 =	vadd.f32 v9, v6;
	v7 =	vadd.f32 v8, v7;
	p0 =	sne.s32 s17, $0x1800  }
.Ltmp15:
0x20a: {  	v10 =	vunpack.i.u.bf16.f32 v0;
	v11 =	vunpack.i.l.bf16.f32 v0;
	v0 =	vld [tilespmem:s18+$0xCDE0];
	(pc) =	sbr.rel @p0 .LBB2_33-.Ltmp15, $4  }
0x20b: {  	v8 =	vunpack.i.u.bf16.f32 v3;
	v9 =	vunpack.i.l.bf16.f32 v3;
	v3 =	vld [tilespmem:s18+$0xCDC0];
	v12 =	vunpack.i.u.bf16.f32 v2  }
0x20c: {  	s17 =	sadd.s32 $0x100, s17;
	v13 =	vunpack.i.l.bf16.f32 v2;
	v5 =	vadd.f32 v9, v5;
	v4 =	vadd.f32 v8, v4;
	v2 =	vld [tilespmem:s18+$0xCDD0]  }
0x20d: {  	v6 =	vadd.f32 v13, v6;
	v7 =	vadd.f32 v12, v7;
	v8 =	vunpack.i.u.bf16.f32 v1  }
0x20e: {  	v9 =	vunpack.i.l.bf16.f32 v1;
	v5 =	vadd.f32 v11, v5;
	v4 =	vadd.f32 v10, v4;
	v1 =	vld [tilespmem:s18+$0xCDF0]  }
0x20f: {  	_ = 	snop  }
0x210: {  	v6 =	vadd.f32 v9, v6;
	v7 =	vadd.f32 v8, v7;
	v54 =	vunpack.i.l.bf16.f32 v3  }
0x211: {  	v55 =	vunpack.i.u.bf16.f32 v0;
	v56 =	vunpack.i.u.bf16.f32 v3;
	v5 =	vadd.f32 v54, v5  }
0x212: {  	v57 =	vunpack.i.l.bf16.f32 v0;
	v58 =	vunpack.i.l.bf16.f32 v2;
	v3 =	vadd.f32 v56, v4  }
0x213: {  	s15 =	sadd.s32 $0x1, s15;
	v59 =	vunpack.i.u.bf16.f32 v2;
	v60 =	vadd.f32 v58, v6;
	v0 =	vadd.f32 v57, v5  }
0x214: {  	p0 =	sne.s32 s15, $0x20;
	v2 =	vadd.f32 v59, v7;
	v61 =	vunpack.i.l.bf16.f32 v1;
	v3 =	vadd.f32 v55, v3  }
.Ltmp16:
0x215: {  	v62 =	vunpack.i.u.bf16.f32 v1;
	v4 =	vadd.f32 v61, v60;
	[tilespmem:$0xD7C0] =	vst v0;
	(pc) =	sbr.rel @p0 .LBB2_2-.Ltmp16, $4  }
0x216: {  	v63 =	vadd.f32 v62, v2;
	[tilespmem:$0xD7D0] =	vst v3  }
0x217: {  	s16 =	sshll.u32 s16, $0x6;
	[tilespmem:$0xD7E0] =	vst v4  }
0x218: {  	s16 =	sadd.s32 s16, s5;
	[tilespmem:$0xD7F0] =	vst v63  }
0x219: {  	[hbm4b:s16+s2] =	stream.linear.scatter [tilespmem:s11], [sflag:$0x4], $0x200, $0x38;
	[tilespmem:$0xD800] =	vst v63  }
0x21a: {  	s14 =	sadd.s32 $0x1, s14  }
0x21b: {  	_ =	swait.ge [sflag:s12], $0x200;
	p0 =	sne.s32 s14, s6  }
.Ltmp17:
0x21c: {  	[sflag:s12] =	ssyncset.done $0x0;
	(pc) =	sbr.rel @p0 .LBB2_1-.Ltmp17, $4  }
0x21d: {  	[sflag:s12] =	ssyncadd.s32 $0xFFFFFE00  }
0x21e: {  	_ =	swait.ge [sflag:s13], $0x200  }
0x21f: {  	[sflag:s13] =	ssyncset.done $0x0  }
0x220: {  	[sflag:s13] =	ssyncadd.s32 $0xFFFFFE00  }
0x221: {  	_ =	sfence.sel $0x180000  }
0x222: {  	[bflag:$0x0] =	sbarrier.arrive $0xFFFF  }
0x223: {  	_ =	strace $0x90000047  }
0x224: {  	s0 =	stileid.u32;
	[bflag:$0x2] =	sbarrier.arrive $0xFFFF  }
0x225: {  	p0 =	sne.s32 s0, $0x0;
	s0 =	rddreg [dreg:$0x2]  }
0x226: {  	s0 =	sadd.s32 @!p0 $0x100000, s0  }
0x227: {  	[sflag:s0] =	ssyncadd.tile.s32 @!p0 $0x1;
	_ =	shalt  }
.Lfunc_end2:
_tile_overlayer_lowered:
.L_overlay_start_2:
0x228: {  	(tag) =	ssettag $0x2  }
0x229: {  	s0 =	rddreg [dreg:$0x0];
	s2 =	stileid.u32  }
0x22a: {  	s1 =	rddreg [dreg:$0x1];
	p0 =	sne.s32 s2, $0x0  }
0x22b: {  	s3 =	rddreg [dreg:$0x2];
	[bflag:$0x3] =	sbarrier.arrive $0xFFFF;
	s2 =	simm.s32 @!p0 $0x1C05  }
0x22c: {  	[timem:s3], [sflag:s2] =	dma.local @!p0 [hbm:s0], s1  }
0x22d: {  	s0 =	simm.s32 @!p0 $0x5  }
0x22e: {  	_ =	swait.ge @!p0 [sflag:s0], s1  }
0x22f: {  	s1 =	ssub.s32 @!p0 $0x0, s1;
	[sflag:s0] =	ssyncset.done @!p0 $0x0  }
0x230: {  	[sflag:s0] =	ssyncadd.s32 @!p0 s1  }
0x231: {  	[bflag:$0x3] =	sbarrier.arrive $0xFFFF  }
0x232: {  	_ =	shalt  }

</sc_bundles>
